<compile_context>
chip_gen: v7x
topology: tpu7x:2x2x1
jax: 0.10.2.dev20260603
libtpu: 0.0.44.dev20260713+nightly
codegen_flags: <defaults>
</compile_context>

<pallas_src>
import functools

import jax
import jax.numpy as jnp
from jax import lax
from jax.experimental import pallas as pl
from jax.experimental.pallas import tpu as pltpu
from jax.experimental.pallas import tpu_sc as plsc

B, V = 16384, 1000
NC, NS, LANES = 2, 16, 16
NW = NC * NS
PER_W = B // NW
CHUNK = 128
NCH = PER_W // CHUNK


def _body(a_hbm, b_hbm, g_hbm, cols_hbm, out_hbm,
          cols_v, idx_a, idx_b, idx_g, val_a, val_b, val_g, out_v, sem):
    wid = lax.axis_index("s") * NC + lax.axis_index("c")
    base = wid * PER_W

    pltpu.sync_copy(cols_hbm, cols_v)
    ia = cols_v[0, :]
    ib = cols_v[1, :]
    ig = cols_v[2, :]
    lane_off = lax.iota(jnp.int32, LANES) * V

    for c in range(NCH):
        for j in range(CHUNK // LANES):
            row0 = base + c * CHUNK + j * LANES
            off = lane_off + row0 * V
            s = pl.ds(j * LANES, LANES)
            idx_a[c, s] = off + ia
            idx_b[c, s] = off + ib
            idx_g[c, s] = off + ig

    copies = []
    for c in range(NCH):
        copies.append(pltpu.async_copy(a_hbm.at[idx_a.at[c]], val_a.at[c], sem))
        copies.append(pltpu.async_copy(b_hbm.at[idx_b.at[c]], val_b.at[c], sem))
        copies.append(pltpu.async_copy(g_hbm.at[idx_g.at[c]], val_g.at[c], sem))
    for cp in copies:
        cp.wait()

    for c in range(NCH):
        for j in range(CHUNK // LANES):
            s = pl.ds(j * LANES, LANES)
            loss = jnp.maximum(val_a[c, s] + val_b[c, s] - val_g[c, s], 0.0)
            out_v[pl.ds(c * CHUNK + j * LANES, LANES)] = loss

    pltpu.sync_copy(out_v, out_hbm.at[pl.ds(base, PER_W)])


_sc_call = functools.partial(
    pl.kernel,
    out_type=jax.ShapeDtypeStruct((B,), jnp.float32),
    mesh=plsc.VectorSubcoreMesh(core_axis_name="c", subcore_axis_name="s"),
    scratch_types=[
        pltpu.VMEM((3, LANES), jnp.int32),
        pltpu.VMEM((NCH, CHUNK), jnp.int32),
        pltpu.VMEM((NCH, CHUNK), jnp.int32),
        pltpu.VMEM((NCH, CHUNK), jnp.int32),
        pltpu.VMEM((NCH, CHUNK), jnp.float32),
        pltpu.VMEM((NCH, CHUNK), jnp.float32),
        pltpu.VMEM((NCH, CHUNK), jnp.float32),
        pltpu.VMEM((PER_W,), jnp.float32),
        pltpu.SemaphoreType.DMA,
    ],
)(_body)


def kernel(log_y_alpha, log_y_beta, log_y_gamma, alpha_index, beta_index, gamma_index):
    cols = jnp.stack([
        jnp.full((LANES,), alpha_index, dtype=jnp.int32),
        jnp.full((LANES,), beta_index, dtype=jnp.int32),
        jnp.full((LANES,), gamma_index, dtype=jnp.int32),
    ])
    return _sc_call(
        log_y_alpha.reshape(-1),
        log_y_beta.reshape(-1),
        log_y_gamma.reshape(-1),
        cols,
    )

# --- scband reference (transcript-rebuilt; emitter-appended) ---
"""Pipeline reference for scband-transition-loss-56186762166977 (READ-ONLY COPY).

The authoritative reference and input builder live on the scoring server;
editing this copy changes nothing except your own understanding.
"""

import jax, jax.numpy as jnp
import numpy as np

B, V = 16384, 1000

def setup_inputs(seed: int = 0) -> dict:
    key = jax.random.key(seed)
    k1, k2, k3 = jax.random.split(key, 3)
    log_y_alpha = jax.random.normal(k1, (B, V), dtype=jnp.float32)
    log_y_beta = jax.random.normal(k2, (B, V), dtype=jnp.float32)
    log_y_gamma = jax.random.normal(k3, (B, V), dtype=jnp.float32)
    return {
        "log_y_alpha": log_y_alpha,
        "log_y_beta": log_y_beta,
        "log_y_gamma": log_y_gamma,
        "alpha_index": 137,
        "beta_index": 542,
        "gamma_index": 873,
    }

def reference(log_y_alpha, log_y_beta, log_y_gamma, alpha_index, beta_index, gamma_index):
    zero = jnp.zeros(1, dtype=log_y_alpha.dtype)
    loss = jnp.maximum(zero, log_y_alpha[:, alpha_index] + log_y_beta[:, beta_index] - log_y_gamma[:, gamma_index])
    return loss

if __name__ == "__main__":
    import jax
    _d = setup_inputs()
    print(jax.jit(kernel)(*tuple(_d.values())))

</pallas_src>

<mosaic_0001>
#map = affine_map<(d0, d1) -> (0)>
#map1 = affine_map<(d0, d1) -> (0, 0)>
module attributes {stable_mosaic.version = 14 : i64} {
  func.func @_body(%arg0: i32, %arg1: i32, %arg2: memref<16384000xf32, #tpu.memory_space<hbm>>, %arg3: memref<16384000xf32, #tpu.memory_space<hbm>>, %arg4: memref<16384000xf32, #tpu.memory_space<hbm>>, %arg5: memref<3x16xi32, #tpu.memory_space<hbm>>, %arg6: memref<16384xf32, #tpu.memory_space<hbm>>, %arg7: memref<3x16xi32, #tpu.memory_space<vmem>>, %arg8: memref<4x128xi32, #tpu.memory_space<vmem>>, %arg9: memref<4x128xi32, #tpu.memory_space<vmem>>, %arg10: memref<4x128xi32, #tpu.memory_space<vmem>>, %arg11: memref<4x128xf32, #tpu.memory_space<vmem>>, %arg12: memref<4x128xf32, #tpu.memory_space<vmem>>, %arg13: memref<4x128xf32, #tpu.memory_space<vmem>>, %arg14: memref<512xf32, #tpu.memory_space<vmem>>, %arg15: memref<!tpu.dma_semaphore, #tpu.memory_space<semaphore_mem>>) attributes {dimension_semantics = [#tpu.dimension_semantics<core_parallel>, #tpu.dimension_semantics<subcore_parallel>], iteration_bounds = array<i64: 2, 16>, scalar_prefetch = 0 : i64, scratch_operands = 9 : i64, tpu.core_type = #tpu.core_type<sc_vector_subcore>, window_params = [{transform_indices = #map}, {transform_indices = #map}, {transform_indices = #map}, {transform_indices = #map1}, {transform_indices = #map}]} {
    %mul3A = arith.constant 2 : i32
    %mul3A_0 = arith.muli %arg1, %mul3A : i32
    %add3A = arith.addi %mul3A_0, %arg0 : i32
    %mul3A_1 = arith.constant 512 : i32
    %mul3A_2 = arith.muli %add3A, %mul3A_1 : i32
    "tpu.region"() ({
      %run_scoped3A = tpu.sem_alloc : memref<!tpu.dma_semaphore, #tpu.memory_space<semaphore_mem>>
      tpu.enqueue_dma source(%arg5 : memref<3x16xi32, #tpu.memory_space<hbm>>) target(%arg7 : memref<3x16xi32, #tpu.memory_space<vmem>>) target_semaphore(%run_scoped3A : memref<!tpu.dma_semaphore, #tpu.memory_space<semaphore_mem>>)
      tpu.wait_dma2 semaphore(%run_scoped3A : memref<!tpu.dma_semaphore, #tpu.memory_space<semaphore_mem>>) src(%arg5 : memref<3x16xi32, #tpu.memory_space<hbm>>) dst(%arg7 : memref<3x16xi32, #tpu.memory_space<vmem>>)
      tpu.yield
    }) : () -> ()
    %get3A = arith.constant 0 : i32
    %get3A_3 = arith.index_cast %get3A : i32 to index
    %get3A_4 = arith.constant 0 : index
    %get3A_5 = tpu.vector_load %arg7[%get3A_3, %get3A_4] {strides = array<i32>} : memref<3x16xi32, #tpu.memory_space<vmem>>, vector<1x16xi32>,
    %get3A_6 = vector.shape_cast %get3A_5 : vector<1x16xi32> to vector<16xi32>
    %get3A_7 = arith.constant 1 : i32
    %get3A_8 = arith.index_cast %get3A_7 : i32 to index
    %get3A_9 = arith.constant 0 : index
    %get3A_10 = tpu.vector_load %arg7[%get3A_8, %get3A_9] {strides = array<i32>} : memref<3x16xi32, #tpu.memory_space<vmem>>, vector<1x16xi32>,
    %get3A_11 = vector.shape_cast %get3A_10 : vector<1x16xi32> to vector<16xi32>
    %get3A_12 = arith.constant 2 : i32
    %get3A_13 = arith.index_cast %get3A_12 : i32 to index
    %get3A_14 = arith.constant 0 : index
    %get3A_15 = tpu.vector_load %arg7[%get3A_13, %get3A_14] {strides = array<i32>} : memref<3x16xi32, #tpu.memory_space<vmem>>, vector<1x16xi32>,
    %get3A_16 = vector.shape_cast %get3A_15 : vector<1x16xi32> to vector<16xi32>
    %iota3A = tpu.iota {dimensions = array<i32: 0>} : vector<16xi32>
    %mul3A_17 = arith.constant 1000 : i32
    %mul3A_18 = vector.broadcast %mul3A_17 : i32 to vector<16xi32>
    %mul3A_19 = arith.muli %iota3A, %mul3A_18 : vector<16xi32>
    %add3A_20 = arith.constant 0 : i32
    %add3A_21 = arith.addi %mul3A_2, %add3A_20 : i32
    %add3A_22 = arith.constant 0 : i32
    %add3A_23 = arith.addi %add3A_21, %add3A_22 : i32
    %mul3A_24 = arith.constant 1000 : i32
    %mul3A_25 = arith.muli %add3A_23, %mul3A_24 : i32
    %add3A_26 = vector.broadcast %mul3A_25 : i32 to vector<16xi32>
    %add3A_27 = arith.addi %mul3A_19, %add3A_26 : vector<16xi32>
    %add3A_28 = arith.addi %add3A_27, %get3A_6 : vector<16xi32>
    %swap3A = arith.constant 0 : i32
    %swap3A_29 = arith.index_cast %swap3A : i32 to index
    %swap3A_30 = arith.constant 0 : index
    %swap3A_31 = tpu.vector_load %arg8[%swap3A_29, %swap3A_30] {strides = array<i32>} : memref<4x128xi32, #tpu.memory_space<vmem>>, vector<1x16xi32>,
    %swap3A_32 = vector.shape_cast %swap3A_31 : vector<1x16xi32> to vector<16xi32>
    %swap3A_33 = vector.shape_cast %add3A_28 : vector<16xi32> to vector<1x16xi32>
    tpu.vector_store %arg8[%swap3A_29, %swap3A_30], %swap3A_33 {strides = array<i32>} : memref<4x128xi32, #tpu.memory_space<vmem>>, vector<1x16xi32>,
    %add3A_34 = arith.addi %add3A_27, %get3A_11 : vector<16xi32>
    %swap3A_35 = arith.constant 0 : i32
    %swap3A_36 = arith.index_cast %swap3A_35 : i32 to index
    %swap3A_37 = arith.constant 0 : index
    %swap3A_38 = tpu.vector_load %arg9[%swap3A_36, %swap3A_37] {strides = array<i32>} : memref<4x128xi32, #tpu.memory_space<vmem>>, vector<1x16xi32>,
    %swap3A_39 = vector.shape_cast %swap3A_38 : vector<1x16xi32> to vector<16xi32>
    %swap3A_40 = vector.shape_cast %add3A_34 : vector<16xi32> to vector<1x16xi32>
    tpu.vector_store %arg9[%swap3A_36, %swap3A_37], %swap3A_40 {strides = array<i32>} : memref<4x128xi32, #tpu.memory_space<vmem>>, vector<1x16xi32>,
    %add3A_41 = arith.addi %add3A_27, %get3A_16 : vector<16xi32>
    %swap3A_42 = arith.constant 0 : i32
    %swap3A_43 = arith.index_cast %swap3A_42 : i32 to index
    %swap3A_44 = arith.constant 0 : index
    %swap3A_45 = tpu.vector_load %arg10[%swap3A_43, %swap3A_44] {strides = array<i32>} : memref<4x128xi32, #tpu.memory_space<vmem>>, vector<1x16xi32>,
    %swap3A_46 = vector.shape_cast %swap3A_45 : vector<1x16xi32> to vector<16xi32>
    %swap3A_47 = vector.shape_cast %add3A_41 : vector<16xi32> to vector<1x16xi32>
    tpu.vector_store %arg10[%swap3A_43, %swap3A_44], %swap3A_47 {strides = array<i32>} : memref<4x128xi32, #tpu.memory_space<vmem>>, vector<1x16xi32>,
    %add3A_48 = arith.constant 0 : i32
    %add3A_49 = arith.addi %mul3A_2, %add3A_48 : i32
    %add3A_50 = arith.constant 16 : i32
    %add3A_51 = arith.addi %add3A_49, %add3A_50 : i32
    %mul3A_52 = arith.constant 1000 : i32
    %mul3A_53 = arith.muli %add3A_51, %mul3A_52 : i32
    %add3A_54 = vector.broadcast %mul3A_53 : i32 to vector<16xi32>
    %add3A_55 = arith.addi %mul3A_19, %add3A_54 : vector<16xi32>
    %add3A_56 = arith.addi %add3A_55, %get3A_6 : vector<16xi32>
    %swap3A_57 = arith.constant 0 : i32
    %swap3A_58 = arith.index_cast %swap3A_57 : i32 to index
    %swap3A_59 = arith.constant 16 : index
    %swap3A_60 = tpu.vector_load %arg8[%swap3A_58, %swap3A_59] {strides = array<i32>} : memref<4x128xi32, #tpu.memory_space<vmem>>, vector<1x16xi32>,
    %swap3A_61 = vector.shape_cast %swap3A_60 : vector<1x16xi32> to vector<16xi32>
    %swap3A_62 = vector.shape_cast %add3A_56 : vector<16xi32> to vector<1x16xi32>
    tpu.vector_store %arg8[%swap3A_58, %swap3A_59], %swap3A_62 {strides = array<i32>} : memref<4x128xi32, #tpu.memory_space<vmem>>, vector<1x16xi32>,
    %add3A_63 = arith.addi %add3A_55, %get3A_11 : vector<16xi32>
    %swap3A_64 = arith.constant 0 : i32
    %swap3A_65 = arith.index_cast %swap3A_64 : i32 to index
    %swap3A_66 = arith.constant 16 : index
    %swap3A_67 = tpu.vector_load %arg9[%swap3A_65, %swap3A_66] {strides = array<i32>} : memref<4x128xi32, #tpu.memory_space<vmem>>, vector<1x16xi32>,
    %swap3A_68 = vector.shape_cast %swap3A_67 : vector<1x16xi32> to vector<16xi32>
    %swap3A_69 = vector.shape_cast %add3A_63 : vector<16xi32> to vector<1x16xi32>
    tpu.vector_store %arg9[%swap3A_65, %swap3A_66], %swap3A_69 {strides = array<i32>} : memref<4x128xi32, #tpu.memory_space<vmem>>, vector<1x16xi32>,
    %add3A_70 = arith.addi %add3A_55, %get3A_16 : vector<16xi32>
    %swap3A_71 = arith.constant 0 : i32
    %swap3A_72 = arith.index_cast %swap3A_71 : i32 to index
    %swap3A_73 = arith.constant 16 : index
    %swap3A_74 = tpu.vector_load %arg10[%swap3A_72, %swap3A_73] {strides = array<i32>} : memref<4x128xi32, #tpu.memory_space<vmem>>, vector<1x16xi32>,
    %swap3A_75 = vector.shape_cast %swap3A_74 : vector<1x16xi32> to vector<16xi32>
    %swap3A_76 = vector.shape_cast %add3A_70 : vector<16xi32> to vector<1x16xi32>
    tpu.vector_store %arg10[%swap3A_72, %swap3A_73], %swap3A_76 {strides = array<i32>} : memref<4x128xi32, #tpu.memory_space<vmem>>, vector<1x16xi32>,
    %add3A_77 = arith.constant 0 : i32
    %add3A_78 = arith.addi %mul3A_2, %add3A_77 : i32
    %add3A_79 = arith.constant 32 : i32
    %add3A_80 = arith.addi %add3A_78, %add3A_79 : i32
    %mul3A_81 = arith.constant 1000 : i32
    %mul3A_82 = arith.muli %add3A_80, %mul3A_81 : i32
    %add3A_83 = vector.broadcast %mul3A_82 : i32 to vector<16xi32>
    %add3A_84 = arith.addi %mul3A_19, %add3A_83 : vector<16xi32>
    %add3A_85 = arith.addi %add3A_84, %get3A_6 : vector<16xi32>
    %swap3A_86 = arith.constant 0 : i32
    %swap3A_87 = arith.index_cast %swap3A_86 : i32 to index
    %swap3A_88 = arith.constant 32 : index
    %swap3A_89 = tpu.vector_load %arg8[%swap3A_87, %swap3A_88] {strides = array<i32>} : memref<4x128xi32, #tpu.memory_space<vmem>>, vector<1x16xi32>,
    %swap3A_90 = vector.shape_cast %swap3A_89 : vector<1x16xi32> to vector<16xi32>
    %swap3A_91 = vector.shape_cast %add3A_85 : vector<16xi32> to vector<1x16xi32>
    tpu.vector_store %arg8[%swap3A_87, %swap3A_88], %swap3A_91 {strides = array<i32>} : memref<4x128xi32, #tpu.memory_space<vmem>>, vector<1x16xi32>,
    %add3A_92 = arith.addi %add3A_84, %get3A_11 : vector<16xi32>
    %swap3A_93 = arith.constant 0 : i32
    %swap3A_94 = arith.index_cast %swap3A_93 : i32 to index
    %swap3A_95 = arith.constant 32 : index
    %swap3A_96 = tpu.vector_load %arg9[%swap3A_94, %swap3A_95] {strides = array<i32>} : memref<4x128xi32, #tpu.memory_space<vmem>>, vector<1x16xi32>,
    %swap3A_97 = vector.shape_cast %swap3A_96 : vector<1x16xi32> to vector<16xi32>
    %swap3A_98 = vector.shape_cast %add3A_92 : vector<16xi32> to vector<1x16xi32>
    tpu.vector_store %arg9[%swap3A_94, %swap3A_95], %swap3A_98 {strides = array<i32>} : memref<4x128xi32, #tpu.memory_space<vmem>>, vector<1x16xi32>,
    %add3A_99 = arith.addi %add3A_84, %get3A_16 : vector<16xi32>
    %swap3A_100 = arith.constant 0 : i32
    %swap3A_101 = arith.index_cast %swap3A_100 : i32 to index
    %swap3A_102 = arith.constant 32 : index
    %swap3A_103 = tpu.vector_load %arg10[%swap3A_101, %swap3A_102] {strides = array<i32>} : memref<4x128xi32, #tpu.memory_space<vmem>>, vector<1x16xi32>,
    %swap3A_104 = vector.shape_cast %swap3A_103 : vector<1x16xi32> to vector<16xi32>
    %swap3A_105 = vector.shape_cast %add3A_99 : vector<16xi32> to vector<1x16xi32>
    tpu.vector_store %arg10[%swap3A_101, %swap3A_102], %swap3A_105 {strides = array<i32>} : memref<4x128xi32, #tpu.memory_space<vmem>>, vector<1x16xi32>,
    %add3A_106 = arith.constant 0 : i32
    %add3A_107 = arith.addi %mul3A_2, %add3A_106 : i32
    %add3A_108 = arith.constant 48 : i32
    %add3A_109 = arith.addi %add3A_107, %add3A_108 : i32
    %mul3A_110 = arith.constant 1000 : i32
    %mul3A_111 = arith.muli %add3A_109, %mul3A_110 : i32
    %add3A_112 = vector.broadcast %mul3A_111 : i32 to vector<16xi32>
    %add3A_113 = arith.addi %mul3A_19, %add3A_112 : vector<16xi32>
    %add3A_114 = arith.addi %add3A_113, %get3A_6 : vector<16xi32>
    %swap3A_115 = arith.constant 0 : i32
    %swap3A_116 = arith.index_cast %swap3A_115 : i32 to index
    %swap3A_117 = arith.constant 48 : index
    %swap3A_118 = tpu.vector_load %arg8[%swap3A_116, %swap3A_117] {strides = array<i32>} : memref<4x128xi32, #tpu.memory_space<vmem>>, vector<1x16xi32>,
    %swap3A_119 = vector.shape_cast %swap3A_118 : vector<1x16xi32> to vector<16xi32>
    %swap3A_120 = vector.shape_cast %add3A_114 : vector<16xi32> to vector<1x16xi32>
    tpu.vector_store %arg8[%swap3A_116, %swap3A_117], %swap3A_120 {strides = array<i32>} : memref<4x128xi32, #tpu.memory_space<vmem>>, vector<1x16xi32>,
    %add3A_121 = arith.addi %add3A_113, %get3A_11 : vector<16xi32>
    %swap3A_122 = arith.constant 0 : i32
    %swap3A_123 = arith.index_cast %swap3A_122 : i32 to index
    %swap3A_124 = arith.constant 48 : index
    %swap3A_125 = tpu.vector_load %arg9[%swap3A_123, %swap3A_124] {strides = array<i32>} : memref<4x128xi32, #tpu.memory_space<vmem>>, vector<1x16xi32>,
    %swap3A_126 = vector.shape_cast %swap3A_125 : vector<1x16xi32> to vector<16xi32>
    %swap3A_127 = vector.shape_cast %add3A_121 : vector<16xi32> to vector<1x16xi32>
    tpu.vector_store %arg9[%swap3A_123, %swap3A_124], %swap3A_127 {strides = array<i32>} : memref<4x128xi32, #tpu.memory_space<vmem>>, vector<1x16xi32>,
    %add3A_128 = arith.addi %add3A_113, %get3A_16 : vector<16xi32>
    %swap3A_129 = arith.constant 0 : i32
    %swap3A_130 = arith.index_cast %swap3A_129 : i32 to index
    %swap3A_131 = arith.constant 48 : index
    %swap3A_132 = tpu.vector_load %arg10[%swap3A_130, %swap3A_131] {strides = array<i32>} : memref<4x128xi32, #tpu.memory_space<vmem>>, vector<1x16xi32>,
    %swap3A_133 = vector.shape_cast %swap3A_132 : vector<1x16xi32> to vector<16xi32>
    %swap3A_134 = vector.shape_cast %add3A_128 : vector<16xi32> to vector<1x16xi32>
    tpu.vector_store %arg10[%swap3A_130, %swap3A_131], %swap3A_134 {strides = array<i32>} : memref<4x128xi32, #tpu.memory_space<vmem>>, vector<1x16xi32>,
    %add3A_135 = arith.constant 0 : i32
    %add3A_136 = arith.addi %mul3A_2, %add3A_135 : i32
    %add3A_137 = arith.constant 64 : i32
    %add3A_138 = arith.addi %add3A_136, %add3A_137 : i32
    %mul3A_139 = arith.constant 1000 : i32
    %mul3A_140 = arith.muli %add3A_138, %mul3A_139 : i32
    %add3A_141 = vector.broadcast %mul3A_140 : i32 to vector<16xi32>
    %add3A_142 = arith.addi %mul3A_19, %add3A_141 : vector<16xi32>
    %add3A_143 = arith.addi %add3A_142, %get3A_6 : vector<16xi32>
    %swap3A_144 = arith.constant 0 : i32
    %swap3A_145 = arith.index_cast %swap3A_144 : i32 to index
    %swap3A_146 = arith.constant 64 : index
    %swap3A_147 = tpu.vector_load %arg8[%swap3A_145, %swap3A_146] {strides = array<i32>} : memref<4x128xi32, #tpu.memory_space<vmem>>, vector<1x16xi32>,
    %swap3A_148 = vector.shape_cast %swap3A_147 : vector<1x16xi32> to vector<16xi32>
    %swap3A_149 = vector.shape_cast %add3A_143 : vector<16xi32> to vector<1x16xi32>
    tpu.vector_store %arg8[%swap3A_145, %swap3A_146], %swap3A_149 {strides = array<i32>} : memref<4x128xi32, #tpu.memory_space<vmem>>, vector<1x16xi32>,
    %add3A_150 = arith.addi %add3A_142, %get3A_11 : vector<16xi32>
    %swap3A_151 = arith.constant 0 : i32
    %swap3A_152 = arith.index_cast %swap3A_151 : i32 to index
    %swap3A_153 = arith.constant 64 : index
    %swap3A_154 = tpu.vector_load %arg9[%swap3A_152, %swap3A_153] {strides = array<i32>} : memref<4x128xi32, #tpu.memory_space<vmem>>, vector<1x16xi32>,
    %swap3A_155 = vector.shape_cast %swap3A_154 : vector<1x16xi32> to vector<16xi32>
    %swap3A_156 = vector.shape_cast %add3A_150 : vector<16xi32> to vector<1x16xi32>
    tpu.vector_store %arg9[%swap3A_152, %swap3A_153], %swap3A_156 {strides = array<i32>} : memref<4x128xi32, #tpu.memory_space<vmem>>, vector<1x16xi32>,
    %add3A_157 = arith.addi %add3A_142, %get3A_16 : vector<16xi32>
    %swap3A_158 = arith.constant 0 : i32
    %swap3A_159 = arith.index_cast %swap3A_158 : i32 to index
    %swap3A_160 = arith.constant 64 : index
    %swap3A_161 = tpu.vector_load %arg10[%swap3A_159, %swap3A_160] {strides = array<i32>} : memref<4x128xi32, #tpu.memory_space<vmem>>, vector<1x16xi32>,
    %swap3A_162 = vector.shape_cast %swap3A_161 : vector<1x16xi32> to vector<16xi32>
    %swap3A_163 = vector.shape_cast %add3A_157 : vector<16xi32> to vector<1x16xi32>
    tpu.vector_store %arg10[%swap3A_159, %swap3A_160], %swap3A_163 {strides = array<i32>} : memref<4x128xi32, #tpu.memory_space<vmem>>, vector<1x16xi32>,
    %add3A_164 = arith.constant 0 : i32
    %add3A_165 = arith.addi %mul3A_2, %add3A_164 : i32
    %add3A_166 = arith.constant 80 : i32
    %add3A_167 = arith.addi %add3A_165, %add3A_166 : i32
    %mul3A_168 = arith.constant 1000 : i32
    %mul3A_169 = arith.muli %add3A_167, %mul3A_168 : i32
    %add3A_170 = vector.broadcast %mul3A_169 : i32 to vector<16xi32>
    %add3A_171 = arith.addi %mul3A_19, %add3A_170 : vector<16xi32>
    %add3A_172 = arith.addi %add3A_171, %get3A_6 : vector<16xi32>
    %swap3A_173 = arith.constant 0 : i32
    %swap3A_174 = arith.index_cast %swap3A_173 : i32 to index
    %swap3A_175 = arith.constant 80 : index
    %swap3A_176 = tpu.vector_load %arg8[%swap3A_174, %swap3A_175] {strides = array<i32>} : memref<4x128xi32, #tpu.memory_space<vmem>>, vector<1x16xi32>,
    %swap3A_177 = vector.shape_cast %swap3A_176 : vector<1x16xi32> to vector<16xi32>
    %swap3A_178 = vector.shape_cast %add3A_172 : vector<16xi32> to vector<1x16xi32>
    tpu.vector_store %arg8[%swap3A_174, %swap3A_175], %swap3A_178 {strides = array<i32>} : memref<4x128xi32, #tpu.memory_space<vmem>>, vector<1x16xi32>,
    %add3A_179 = arith.addi %add3A_171, %get3A_11 : vector<16xi32>
    %swap3A_180 = arith.constant 0 : i32
    %swap3A_181 = arith.index_cast %swap3A_180 : i32 to index
    %swap3A_182 = arith.constant 80 : index
    %swap3A_183 = tpu.vector_load %arg9[%swap3A_181, %swap3A_182] {strides = array<i32>} : memref<4x128xi32, #tpu.memory_space<vmem>>, vector<1x16xi32>,
    %swap3A_184 = vector.shape_cast %swap3A_183 : vector<1x16xi32> to vector<16xi32>
    %swap3A_185 = vector.shape_cast %add3A_179 : vector<16xi32> to vector<1x16xi32>
    tpu.vector_store %arg9[%swap3A_181, %swap3A_182], %swap3A_185 {strides = array<i32>} : memref<4x128xi32, #tpu.memory_space<vmem>>, vector<1x16xi32>,
    %add3A_186 = arith.addi %add3A_171, %get3A_16 : vector<16xi32>
    %swap3A_187 = arith.constant 0 : i32
    %swap3A_188 = arith.index_cast %swap3A_187 : i32 to index
    %swap3A_189 = arith.constant 80 : index
    %swap3A_190 = tpu.vector_load %arg10[%swap3A_188, %swap3A_189] {strides = array<i32>} : memref<4x128xi32, #tpu.memory_space<vmem>>, vector<1x16xi32>,
    %swap3A_191 = vector.shape_cast %swap3A_190 : vector<1x16xi32> to vector<16xi32>
    %swap3A_192 = vector.shape_cast %add3A_186 : vector<16xi32> to vector<1x16xi32>
    tpu.vector_store %arg10[%swap3A_188, %swap3A_189], %swap3A_192 {strides = array<i32>} : memref<4x128xi32, #tpu.memory_space<vmem>>, vector<1x16xi32>,
    %add3A_193 = arith.constant 0 : i32
    %add3A_194 = arith.addi %mul3A_2, %add3A_193 : i32
    %add3A_195 = arith.constant 96 : i32
    %add3A_196 = arith.addi %add3A_194, %add3A_195 : i32
    %mul3A_197 = arith.constant 1000 : i32
    %mul3A_198 = arith.muli %add3A_196, %mul3A_197 : i32
    %add3A_199 = vector.broadcast %mul3A_198 : i32 to vector<16xi32>
    %add3A_200 = arith.addi %mul3A_19, %add3A_199 : vector<16xi32>
    %add3A_201 = arith.addi %add3A_200, %get3A_6 : vector<16xi32>
    %swap3A_202 = arith.constant 0 : i32
    %swap3A_203 = arith.index_cast %swap3A_202 : i32 to index
    %swap3A_204 = arith.constant 96 : index
    %swap3A_205 = tpu.vector_load %arg8[%swap3A_203, %swap3A_204] {strides = array<i32>} : memref<4x128xi32, #tpu.memory_space<vmem>>, vector<1x16xi32>,
    %swap3A_206 = vector.shape_cast %swap3A_205 : vector<1x16xi32> to vector<16xi32>
    %swap3A_207 = vector.shape_cast %add3A_201 : vector<16xi32> to vector<1x16xi32>
    tpu.vector_store %arg8[%swap3A_203, %swap3A_204], %swap3A_207 {strides = array<i32>} : memref<4x128xi32, #tpu.memory_space<vmem>>, vector<1x16xi32>,
    %add3A_208 = arith.addi %add3A_200, %get3A_11 : vector<16xi32>
    %swap3A_209 = arith.constant 0 : i32
    %swap3A_210 = arith.index_cast %swap3A_209 : i32 to index
    %swap3A_211 = arith.constant 96 : index
    %swap3A_212 = tpu.vector_load %arg9[%swap3A_210, %swap3A_211] {strides = array<i32>} : memref<4x128xi32, #tpu.memory_space<vmem>>, vector<1x16xi32>,
    %swap3A_213 = vector.shape_cast %swap3A_212 : vector<1x16xi32> to vector<16xi32>
    %swap3A_214 = vector.shape_cast %add3A_208 : vector<16xi32> to vector<1x16xi32>
    tpu.vector_store %arg9[%swap3A_210, %swap3A_211], %swap3A_214 {strides = array<i32>} : memref<4x128xi32, #tpu.memory_space<vmem>>, vector<1x16xi32>,
    %add3A_215 = arith.addi %add3A_200, %get3A_16 : vector<16xi32>
    %swap3A_216 = arith.constant 0 : i32
    %swap3A_217 = arith.index_cast %swap3A_216 : i32 to index
    %swap3A_218 = arith.constant 96 : index
    %swap3A_219 = tpu.vector_load %arg10[%swap3A_217, %swap3A_218] {strides = array<i32>} : memref<4x128xi32, #tpu.memory_space<vmem>>, vector<1x16xi32>,
    %swap3A_220 = vector.shape_cast %swap3A_219 : vector<1x16xi32> to vector<16xi32>
    %swap3A_221 = vector.shape_cast %add3A_215 : vector<16xi32> to vector<1x16xi32>
    tpu.vector_store %arg10[%swap3A_217, %swap3A_218], %swap3A_221 {strides = array<i32>} : memref<4x128xi32, #tpu.memory_space<vmem>>, vector<1x16xi32>,
    %add3A_222 = arith.constant 0 : i32
    %add3A_223 = arith.addi %mul3A_2, %add3A_222 : i32
    %add3A_224 = arith.constant 112 : i32
    %add3A_225 = arith.addi %add3A_223, %add3A_224 : i32
    %mul3A_226 = arith.constant 1000 : i32
    %mul3A_227 = arith.muli %add3A_225, %mul3A_226 : i32
    %add3A_228 = vector.broadcast %mul3A_227 : i32 to vector<16xi32>
    %add3A_229 = arith.addi %mul3A_19, %add3A_228 : vector<16xi32>
    %add3A_230 = arith.addi %add3A_229, %get3A_6 : vector<16xi32>
    %swap3A_231 = arith.constant 0 : i32
    %swap3A_232 = arith.index_cast %swap3A_231 : i32 to index
    %swap3A_233 = arith.constant 112 : index
    %swap3A_234 = tpu.vector_load %arg8[%swap3A_232, %swap3A_233] {strides = array<i32>} : memref<4x128xi32, #tpu.memory_space<vmem>>, vector<1x16xi32>,
    %swap3A_235 = vector.shape_cast %swap3A_234 : vector<1x16xi32> to vector<16xi32>
    %swap3A_236 = vector.shape_cast %add3A_230 : vector<16xi32> to vector<1x16xi32>
    tpu.vector_store %arg8[%swap3A_232, %swap3A_233], %swap3A_236 {strides = array<i32>} : memref<4x128xi32, #tpu.memory_space<vmem>>, vector<1x16xi32>,
    %add3A_237 = arith.addi %add3A_229, %get3A_11 : vector<16xi32>
    %swap3A_238 = arith.constant 0 : i32
    %swap3A_239 = arith.index_cast %swap3A_238 : i32 to index
    %swap3A_240 = arith.constant 112 : index
    %swap3A_241 = tpu.vector_load %arg9[%swap3A_239, %swap3A_240] {strides = array<i32>} : memref<4x128xi32, #tpu.memory_space<vmem>>, vector<1x16xi32>,
    %swap3A_242 = vector.shape_cast %swap3A_241 : vector<1x16xi32> to vector<16xi32>
    %swap3A_243 = vector.shape_cast %add3A_237 : vector<16xi32> to vector<1x16xi32>
    tpu.vector_store %arg9[%swap3A_239, %swap3A_240], %swap3A_243 {strides = array<i32>} : memref<4x128xi32, #tpu.memory_space<vmem>>, vector<1x16xi32>,
    %add3A_244 = arith.addi %add3A_229, %get3A_16 : vector<16xi32>
    %swap3A_245 = arith.constant 0 : i32
    %swap3A_246 = arith.index_cast %swap3A_245 : i32 to index
    %swap3A_247 = arith.constant 112 : index
    %swap3A_248 = tpu.vector_load %arg10[%swap3A_246, %swap3A_247] {strides = array<i32>} : memref<4x128xi32, #tpu.memory_space<vmem>>, vector<1x16xi32>,
    %swap3A_249 = vector.shape_cast %swap3A_248 : vector<1x16xi32> to vector<16xi32>
    %swap3A_250 = vector.shape_cast %add3A_244 : vector<16xi32> to vector<1x16xi32>
    tpu.vector_store %arg10[%swap3A_246, %swap3A_247], %swap3A_250 {strides = array<i32>} : memref<4x128xi32, #tpu.memory_space<vmem>>, vector<1x16xi32>,
    %add3A_251 = arith.constant 128 : i32
    %add3A_252 = arith.addi %mul3A_2, %add3A_251 : i32
    %add3A_253 = arith.constant 0 : i32
    %add3A_254 = arith.addi %add3A_252, %add3A_253 : i32
    %mul3A_255 = arith.constant 1000 : i32
    %mul3A_256 = arith.muli %add3A_254, %mul3A_255 : i32
    %add3A_257 = vector.broadcast %mul3A_256 : i32 to vector<16xi32>
    %add3A_258 = arith.addi %mul3A_19, %add3A_257 : vector<16xi32>
    %add3A_259 = arith.addi %add3A_258, %get3A_6 : vector<16xi32>
    %swap3A_260 = arith.constant 1 : i32
    %swap3A_261 = arith.index_cast %swap3A_260 : i32 to index
    %swap3A_262 = arith.constant 0 : index
    %swap3A_263 = tpu.vector_load %arg8[%swap3A_261, %swap3A_262] {strides = array<i32>} : memref<4x128xi32, #tpu.memory_space<vmem>>, vector<1x16xi32>,
    %swap3A_264 = vector.shape_cast %swap3A_263 : vector<1x16xi32> to vector<16xi32>
    %swap3A_265 = vector.shape_cast %add3A_259 : vector<16xi32> to vector<1x16xi32>
    tpu.vector_store %arg8[%swap3A_261, %swap3A_262], %swap3A_265 {strides = array<i32>} : memref<4x128xi32, #tpu.memory_space<vmem>>, vector<1x16xi32>,
    %add3A_266 = arith.addi %add3A_258, %get3A_11 : vector<16xi32>
    %swap3A_267 = arith.constant 1 : i32
    %swap3A_268 = arith.index_cast %swap3A_267 : i32 to index
    %swap3A_269 = arith.constant 0 : index
    %swap3A_270 = tpu.vector_load %arg9[%swap3A_268, %swap3A_269] {strides = array<i32>} : memref<4x128xi32, #tpu.memory_space<vmem>>, vector<1x16xi32>,
    %swap3A_271 = vector.shape_cast %swap3A_270 : vector<1x16xi32> to vector<16xi32>
    %swap3A_272 = vector.shape_cast %add3A_266 : vector<16xi32> to vector<1x16xi32>
    tpu.vector_store %arg9[%swap3A_268, %swap3A_269], %swap3A_272 {strides = array<i32>} : memref<4x128xi32, #tpu.memory_space<vmem>>, vector<1x16xi32>,
    %add3A_273 = arith.addi %add3A_258, %get3A_16 : vector<16xi32>
    %swap3A_274 = arith.constant 1 : i32
    %swap3A_275 = arith.index_cast %swap3A_274 : i32 to index
    %swap3A_276 = arith.constant 0 : index
    %swap3A_277 = tpu.vector_load %arg10[%swap3A_275, %swap3A_276] {strides = array<i32>} : memref<4x128xi32, #tpu.memory_space<vmem>>, vector<1x16xi32>,
    %swap3A_278 = vector.shape_cast %swap3A_277 : vector<1x16xi32> to vector<16xi32>
    %swap3A_279 = vector.shape_cast %add3A_273 : vector<16xi32> to vector<1x16xi32>
    tpu.vector_store %arg10[%swap3A_275, %swap3A_276], %swap3A_279 {strides = array<i32>} : memref<4x128xi32, #tpu.memory_space<vmem>>, vector<1x16xi32>,
    %add3A_280 = arith.constant 128 : i32
    %add3A_281 = arith.addi %mul3A_2, %add3A_280 : i32
    %add3A_282 = arith.constant 16 : i32
    %add3A_283 = arith.addi %add3A_281, %add3A_282 : i32
    %mul3A_284 = arith.constant 1000 : i32
    %mul3A_285 = arith.muli %add3A_283, %mul3A_284 : i32
    %add3A_286 = vector.broadcast %mul3A_285 : i32 to vector<16xi32>
    %add3A_287 = arith.addi %mul3A_19, %add3A_286 : vector<16xi32>
    %add3A_288 = arith.addi %add3A_287, %get3A_6 : vector<16xi32>
    %swap3A_289 = arith.constant 1 : i32
    %swap3A_290 = arith.index_cast %swap3A_289 : i32 to index
    %swap3A_291 = arith.constant 16 : index
    %swap3A_292 = tpu.vector_load %arg8[%swap3A_290, %swap3A_291] {strides = array<i32>} : memref<4x128xi32, #tpu.memory_space<vmem>>, vector<1x16xi32>,
    %swap3A_293 = vector.shape_cast %swap3A_292 : vector<1x16xi32> to vector<16xi32>
    %swap3A_294 = vector.shape_cast %add3A_288 : vector<16xi32> to vector<1x16xi32>
    tpu.vector_store %arg8[%swap3A_290, %swap3A_291], %swap3A_294 {strides = array<i32>} : memref<4x128xi32, #tpu.memory_space<vmem>>, vector<1x16xi32>,
    %add3A_295 = arith.addi %add3A_287, %get3A_11 : vector<16xi32>
    %swap3A_296 = arith.constant 1 : i32
    %swap3A_297 = arith.index_cast %swap3A_296 : i32 to index
    %swap3A_298 = arith.constant 16 : index
    %swap3A_299 = tpu.vector_load %arg9[%swap3A_297, %swap3A_298] {strides = array<i32>} : memref<4x128xi32, #tpu.memory_space<vmem>>, vector<1x16xi32>,
    %swap3A_300 = vector.shape_cast %swap3A_299 : vector<1x16xi32> to vector<16xi32>
    %swap3A_301 = vector.shape_cast %add3A_295 : vector<16xi32> to vector<1x16xi32>
    tpu.vector_store %arg9[%swap3A_297, %swap3A_298], %swap3A_301 {strides = array<i32>} : memref<4x128xi32, #tpu.memory_space<vmem>>, vector<1x16xi32>,
    %add3A_302 = arith.addi %add3A_287, %get3A_16 : vector<16xi32>
    %swap3A_303 = arith.constant 1 : i32
    %swap3A_304 = arith.index_cast %swap3A_303 : i32 to index
    %swap3A_305 = arith.constant 16 : index
    %swap3A_306 = tpu.vector_load %arg10[%swap3A_304, %swap3A_305] {strides = array<i32>} : memref<4x128xi32, #tpu.memory_space<vmem>>, vector<1x16xi32>,
    %swap3A_307 = vector.shape_cast %swap3A_306 : vector<1x16xi32> to vector<16xi32>
    %swap3A_308 = vector.shape_cast %add3A_302 : vector<16xi32> to vector<1x16xi32>
    tpu.vector_store %arg10[%swap3A_304, %swap3A_305], %swap3A_308 {strides = array<i32>} : memref<4x128xi32, #tpu.memory_space<vmem>>, vector<1x16xi32>,
    %add3A_309 = arith.constant 128 : i32
    %add3A_310 = arith.addi %mul3A_2, %add3A_309 : i32
    %add3A_311 = arith.constant 32 : i32
    %add3A_312 = arith.addi %add3A_310, %add3A_311 : i32
    %mul3A_313 = arith.constant 1000 : i32
    %mul3A_314 = arith.muli %add3A_312, %mul3A_313 : i32
    %add3A_315 = vector.broadcast %mul3A_314 : i32 to vector<16xi32>
    %add3A_316 = arith.addi %mul3A_19, %add3A_315 : vector<16xi32>
    %add3A_317 = arith.addi %add3A_316, %get3A_6 : vector<16xi32>
    %swap3A_318 = arith.constant 1 : i32
    %swap3A_319 = arith.index_cast %swap3A_318 : i32 to index
    %swap3A_320 = arith.constant 32 : index
    %swap3A_321 = tpu.vector_load %arg8[%swap3A_319, %swap3A_320] {strides = array<i32>} : memref<4x128xi32, #tpu.memory_space<vmem>>, vector<1x16xi32>,
    %swap3A_322 = vector.shape_cast %swap3A_321 : vector<1x16xi32> to vector<16xi32>
    %swap3A_323 = vector.shape_cast %add3A_317 : vector<16xi32> to vector<1x16xi32>
    tpu.vector_store %arg8[%swap3A_319, %swap3A_320], %swap3A_323 {strides = array<i32>} : memref<4x128xi32, #tpu.memory_space<vmem>>, vector<1x16xi32>,
    %add3A_324 = arith.addi %add3A_316, %get3A_11 : vector<16xi32>
    %swap3A_325 = arith.constant 1 : i32
    %swap3A_326 = arith.index_cast %swap3A_325 : i32 to index
    %swap3A_327 = arith.constant 32 : index
    %swap3A_328 = tpu.vector_load %arg9[%swap3A_326, %swap3A_327] {strides = array<i32>} : memref<4x128xi32, #tpu.memory_space<vmem>>, vector<1x16xi32>,
    %swap3A_329 = vector.shape_cast %swap3A_328 : vector<1x16xi32> to vector<16xi32>
    %swap3A_330 = vector.shape_cast %add3A_324 : vector<16xi32> to vector<1x16xi32>
    tpu.vector_store %arg9[%swap3A_326, %swap3A_327], %swap3A_330 {strides = array<i32>} : memref<4x128xi32, #tpu.memory_space<vmem>>, vector<1x16xi32>,
    %add3A_331 = arith.addi %add3A_316, %get3A_16 : vector<16xi32>
    %swap3A_332 = arith.constant 1 : i32
    %swap3A_333 = arith.index_cast %swap3A_332 : i32 to index
    %swap3A_334 = arith.constant 32 : index
    %swap3A_335 = tpu.vector_load %arg10[%swap3A_333, %swap3A_334] {strides = array<i32>} : memref<4x128xi32, #tpu.memory_space<vmem>>, vector<1x16xi32>,
    %swap3A_336 = vector.shape_cast %swap3A_335 : vector<1x16xi32> to vector<16xi32>
    %swap3A_337 = vector.shape_cast %add3A_331 : vector<16xi32> to vector<1x16xi32>
    tpu.vector_store %arg10[%swap3A_333, %swap3A_334], %swap3A_337 {strides = array<i32>} : memref<4x128xi32, #tpu.memory_space<vmem>>, vector<1x16xi32>,
    %add3A_338 = arith.constant 128 : i32
    %add3A_339 = arith.addi %mul3A_2, %add3A_338 : i32
    %add3A_340 = arith.constant 48 : i32
    %add3A_341 = arith.addi %add3A_339, %add3A_340 : i32
    %mul3A_342 = arith.constant 1000 : i32
    %mul3A_343 = arith.muli %add3A_341, %mul3A_342 : i32
    %add3A_344 = vector.broadcast %mul3A_343 : i32 to vector<16xi32>
    %add3A_345 = arith.addi %mul3A_19, %add3A_344 : vector<16xi32>
    %add3A_346 = arith.addi %add3A_345, %get3A_6 : vector<16xi32>
    %swap3A_347 = arith.constant 1 : i32
    %swap3A_348 = arith.index_cast %swap3A_347 : i32 to index
    %swap3A_349 = arith.constant 48 : index
    %swap3A_350 = tpu.vector_load %arg8[%swap3A_348, %swap3A_349] {strides = array<i32>} : memref<4x128xi32, #tpu.memory_space<vmem>>, vector<1x16xi32>,
    %swap3A_351 = vector.shape_cast %swap3A_350 : vector<1x16xi32> to vector<16xi32>
    %swap3A_352 = vector.shape_cast %add3A_346 : vector<16xi32> to vector<1x16xi32>
    tpu.vector_store %arg8[%swap3A_348, %swap3A_349], %swap3A_352 {strides = array<i32>} : memref<4x128xi32, #tpu.memory_space<vmem>>, vector<1x16xi32>,
    %add3A_353 = arith.addi %add3A_345, %get3A_11 : vector<16xi32>
    %swap3A_354 = arith.constant 1 : i32
    %swap3A_355 = arith.index_cast %swap3A_354 : i32 to index
    %swap3A_356 = arith.constant 48 : index
    %swap3A_357 = tpu.vector_load %arg9[%swap3A_355, %swap3A_356] {strides = array<i32>} : memref<4x128xi32, #tpu.memory_space<vmem>>, vector<1x16xi32>,
    %swap3A_358 = vector.shape_cast %swap3A_357 : vector<1x16xi32> to vector<16xi32>
    %swap3A_359 = vector.shape_cast %add3A_353 : vector<16xi32> to vector<1x16xi32>
    tpu.vector_store %arg9[%swap3A_355, %swap3A_356], %swap3A_359 {strides = array<i32>} : memref<4x128xi32, #tpu.memory_space<vmem>>, vector<1x16xi32>,
    %add3A_360 = arith.addi %add3A_345, %get3A_16 : vector<16xi32>
    %swap3A_361 = arith.constant 1 : i32
    %swap3A_362 = arith.index_cast %swap3A_361 : i32 to index
    %swap3A_363 = arith.constant 48 : index
    %swap3A_364 = tpu.vector_load %arg10[%swap3A_362, %swap3A_363] {strides = array<i32>} : memref<4x128xi32, #tpu.memory_space<vmem>>, vector<1x16xi32>,
    %swap3A_365 = vector.shape_cast %swap3A_364 : vector<1x16xi32> to vector<16xi32>
    %swap3A_366 = vector.shape_cast %add3A_360 : vector<16xi32> to vector<1x16xi32>
    tpu.vector_store %arg10[%swap3A_362, %swap3A_363], %swap3A_366 {strides = array<i32>} : memref<4x128xi32, #tpu.memory_space<vmem>>, vector<1x16xi32>,
    %add3A_367 = arith.constant 128 : i32
    %add3A_368 = arith.addi %mul3A_2, %add3A_367 : i32
    %add3A_369 = arith.constant 64 : i32
    %add3A_370 = arith.addi %add3A_368, %add3A_369 : i32
    %mul3A_371 = arith.constant 1000 : i32
    %mul3A_372 = arith.muli %add3A_370, %mul3A_371 : i32
    %add3A_373 = vector.broadcast %mul3A_372 : i32 to vector<16xi32>
    %add3A_374 = arith.addi %mul3A_19, %add3A_373 : vector<16xi32>
    %add3A_375 = arith.addi %add3A_374, %get3A_6 : vector<16xi32>
    %swap3A_376 = arith.constant 1 : i32
    %swap3A_377 = arith.index_cast %swap3A_376 : i32 to index
    %swap3A_378 = arith.constant 64 : index
    %swap3A_379 = tpu.vector_load %arg8[%swap3A_377, %swap3A_378] {strides = array<i32>} : memref<4x128xi32, #tpu.memory_space<vmem>>, vector<1x16xi32>,
    %swap3A_380 = vector.shape_cast %swap3A_379 : vector<1x16xi32> to vector<16xi32>
    %swap3A_381 = vector.shape_cast %add3A_375 : vector<16xi32> to vector<1x16xi32>
    tpu.vector_store %arg8[%swap3A_377, %swap3A_378], %swap3A_381 {strides = array<i32>} : memref<4x128xi32, #tpu.memory_space<vmem>>, vector<1x16xi32>,
    %add3A_382 = arith.addi %add3A_374, %get3A_11 : vector<16xi32>
    %swap3A_383 = arith.constant 1 : i32
    %swap3A_384 = arith.index_cast %swap3A_383 : i32 to index
    %swap3A_385 = arith.constant 64 : index
    %swap3A_386 = tpu.vector_load %arg9[%swap3A_384, %swap3A_385] {strides = array<i32>} : memref<4x128xi32, #tpu.memory_space<vmem>>, vector<1x16xi32>,
    %swap3A_387 = vector.shape_cast %swap3A_386 : vector<1x16xi32> to vector<16xi32>
    %swap3A_388 = vector.shape_cast %add3A_382 : vector<16xi32> to vector<1x16xi32>
    tpu.vector_store %arg9[%swap3A_384, %swap3A_385], %swap3A_388 {strides = array<i32>} : memref<4x128xi32, #tpu.memory_space<vmem>>, vector<1x16xi32>,
    %add3A_389 = arith.addi %add3A_374, %get3A_16 : vector<16xi32>
    %swap3A_390 = arith.constant 1 : i32
    %swap3A_391 = arith.index_cast %swap3A_390 : i32 to index
    %swap3A_392 = arith.constant 64 : index
    %swap3A_393 = tpu.vector_load %arg10[%swap3A_391, %swap3A_392] {strides = array<i32>} : memref<4x128xi32, #tpu.memory_space<vmem>>, vector<1x16xi32>,
    %swap3A_394 = vector.shape_cast %swap3A_393 : vector<1x16xi32> to vector<16xi32>
    %swap3A_395 = vector.shape_cast %add3A_389 : vector<16xi32> to vector<1x16xi32>
    tpu.vector_store %arg10[%swap3A_391, %swap3A_392], %swap3A_395 {strides = array<i32>} : memref<4x128xi32, #tpu.memory_space<vmem>>, vector<1x16xi32>,
    %add3A_396 = arith.constant 128 : i32
    %add3A_397 = arith.addi %mul3A_2, %add3A_396 : i32
    %add3A_398 = arith.constant 80 : i32
    %add3A_399 = arith.addi %add3A_397, %add3A_398 : i32
    %mul3A_400 = arith.constant 1000 : i32
    %mul3A_401 = arith.muli %add3A_399, %mul3A_400 : i32
    %add3A_402 = vector.broadcast %mul3A_401 : i32 to vector<16xi32>
    %add3A_403 = arith.addi %mul3A_19, %add3A_402 : vector<16xi32>
    %add3A_404 = arith.addi %add3A_403, %get3A_6 : vector<16xi32>
    %swap3A_405 = arith.constant 1 : i32
    %swap3A_406 = arith.index_cast %swap3A_405 : i32 to index
    %swap3A_407 = arith.constant 80 : index
    %swap3A_408 = tpu.vector_load %arg8[%swap3A_406, %swap3A_407] {strides = array<i32>} : memref<4x128xi32, #tpu.memory_space<vmem>>, vector<1x16xi32>,
    %swap3A_409 = vector.shape_cast %swap3A_408 : vector<1x16xi32> to vector<16xi32>
    %swap3A_410 = vector.shape_cast %add3A_404 : vector<16xi32> to vector<1x16xi32>
    tpu.vector_store %arg8[%swap3A_406, %swap3A_407], %swap3A_410 {strides = array<i32>} : memref<4x128xi32, #tpu.memory_space<vmem>>, vector<1x16xi32>,
    %add3A_411 = arith.addi %add3A_403, %get3A_11 : vector<16xi32>
    %swap3A_412 = arith.constant 1 : i32
    %swap3A_413 = arith.index_cast %swap3A_412 : i32 to index
    %swap3A_414 = arith.constant 80 : index
    %swap3A_415 = tpu.vector_load %arg9[%swap3A_413, %swap3A_414] {strides = array<i32>} : memref<4x128xi32, #tpu.memory_space<vmem>>, vector<1x16xi32>,
    %swap3A_416 = vector.shape_cast %swap3A_415 : vector<1x16xi32> to vector<16xi32>
    %swap3A_417 = vector.shape_cast %add3A_411 : vector<16xi32> to vector<1x16xi32>
    tpu.vector_store %arg9[%swap3A_413, %swap3A_414], %swap3A_417 {strides = array<i32>} : memref<4x128xi32, #tpu.memory_space<vmem>>, vector<1x16xi32>,
    %add3A_418 = arith.addi %add3A_403, %get3A_16 : vector<16xi32>
    %swap3A_419 = arith.constant 1 : i32
    %swap3A_420 = arith.index_cast %swap3A_419 : i32 to index
    %swap3A_421 = arith.constant 80 : index
    %swap3A_422 = tpu.vector_load %arg10[%swap3A_420, %swap3A_421] {strides = array<i32>} : memref<4x128xi32, #tpu.memory_space<vmem>>, vector<1x16xi32>,
    %swap3A_423 = vector.shape_cast %swap3A_422 : vector<1x16xi32> to vector<16xi32>
    %swap3A_424 = vector.shape_cast %add3A_418 : vector<16xi32> to vector<1x16xi32>
    tpu.vector_store %arg10[%swap3A_420, %swap3A_421], %swap3A_424 {strides = array<i32>} : memref<4x128xi32, #tpu.memory_space<vmem>>, vector<1x16xi32>,
    %add3A_425 = arith.constant 128 : i32
    %add3A_426 = arith.addi %mul3A_2, %add3A_425 : i32
    %add3A_427 = arith.constant 96 : i32
    %add3A_428 = arith.addi %add3A_426, %add3A_427 : i32
    %mul3A_429 = arith.constant 1000 : i32
    %mul3A_430 = arith.muli %add3A_428, %mul3A_429 : i32
    %add3A_431 = vector.broadcast %mul3A_430 : i32 to vector<16xi32>
    %add3A_432 = arith.addi %mul3A_19, %add3A_431 : vector<16xi32>
    %add3A_433 = arith.addi %add3A_432, %get3A_6 : vector<16xi32>
    %swap3A_434 = arith.constant 1 : i32
    %swap3A_435 = arith.index_cast %swap3A_434 : i32 to index
    %swap3A_436 = arith.constant 96 : index
    %swap3A_437 = tpu.vector_load %arg8[%swap3A_435, %swap3A_436] {strides = array<i32>} : memref<4x128xi32, #tpu.memory_space<vmem>>, vector<1x16xi32>,
    %swap3A_438 = vector.shape_cast %swap3A_437 : vector<1x16xi32> to vector<16xi32>
    %swap3A_439 = vector.shape_cast %add3A_433 : vector<16xi32> to vector<1x16xi32>
    tpu.vector_store %arg8[%swap3A_435, %swap3A_436], %swap3A_439 {strides = array<i32>} : memref<4x128xi32, #tpu.memory_space<vmem>>, vector<1x16xi32>,
    %add3A_440 = arith.addi %add3A_432, %get3A_11 : vector<16xi32>
    %swap3A_441 = arith.constant 1 : i32
    %swap3A_442 = arith.index_cast %swap3A_441 : i32 to index
    %swap3A_443 = arith.constant 96 : index
    %swap3A_444 = tpu.vector_load %arg9[%swap3A_442, %swap3A_443] {strides = array<i32>} : memref<4x128xi32, #tpu.memory_space<vmem>>, vector<1x16xi32>,
    %swap3A_445 = vector.shape_cast %swap3A_444 : vector<1x16xi32> to vector<16xi32>
    %swap3A_446 = vector.shape_cast %add3A_440 : vector<16xi32> to vector<1x16xi32>
    tpu.vector_store %arg9[%swap3A_442, %swap3A_443], %swap3A_446 {strides = array<i32>} : memref<4x128xi32, #tpu.memory_space<vmem>>, vector<1x16xi32>,
    %add3A_447 = arith.addi %add3A_432, %get3A_16 : vector<16xi32>
    %swap3A_448 = arith.constant 1 : i32
    %swap3A_449 = arith.index_cast %swap3A_448 : i32 to index
    %swap3A_450 = arith.constant 96 : index
    %swap3A_451 = tpu.vector_load %arg10[%swap3A_449, %swap3A_450] {strides = array<i32>} : memref<4x128xi32, #tpu.memory_space<vmem>>, vector<1x16xi32>,
    %swap3A_452 = vector.shape_cast %swap3A_451 : vector<1x16xi32> to vector<16xi32>
    %swap3A_453 = vector.shape_cast %add3A_447 : vector<16xi32> to vector<1x16xi32>
    tpu.vector_store %arg10[%swap3A_449, %swap3A_450], %swap3A_453 {strides = array<i32>} : memref<4x128xi32, #tpu.memory_space<vmem>>, vector<1x16xi32>,
    %add3A_454 = arith.constant 128 : i32
    %add3A_455 = arith.addi %mul3A_2, %add3A_454 : i32
    %add3A_456 = arith.constant 112 : i32
    %add3A_457 = arith.addi %add3A_455, %add3A_456 : i32
    %mul3A_458 = arith.constant 1000 : i32
    %mul3A_459 = arith.muli %add3A_457, %mul3A_458 : i32
    %add3A_460 = vector.broadcast %mul3A_459 : i32 to vector<16xi32>
    %add3A_461 = arith.addi %mul3A_19, %add3A_460 : vector<16xi32>
    %add3A_462 = arith.addi %add3A_461, %get3A_6 : vector<16xi32>
    %swap3A_463 = arith.constant 1 : i32
    %swap3A_464 = arith.index_cast %swap3A_463 : i32 to index
    %swap3A_465 = arith.constant 112 : index
    %swap3A_466 = tpu.vector_load %arg8[%swap3A_464, %swap3A_465] {strides = array<i32>} : memref<4x128xi32, #tpu.memory_space<vmem>>, vector<1x16xi32>,
    %swap3A_467 = vector.shape_cast %swap3A_466 : vector<1x16xi32> to vector<16xi32>
    %swap3A_468 = vector.shape_cast %add3A_462 : vector<16xi32> to vector<1x16xi32>
    tpu.vector_store %arg8[%swap3A_464, %swap3A_465], %swap3A_468 {strides = array<i32>} : memref<4x128xi32, #tpu.memory_space<vmem>>, vector<1x16xi32>,
    %add3A_469 = arith.addi %add3A_461, %get3A_11 : vector<16xi32>
    %swap3A_470 = arith.constant 1 : i32
    %swap3A_471 = arith.index_cast %swap3A_470 : i32 to index
    %swap3A_472 = arith.constant 112 : index
    %swap3A_473 = tpu.vector_load %arg9[%swap3A_471, %swap3A_472] {strides = array<i32>} : memref<4x128xi32, #tpu.memory_space<vmem>>, vector<1x16xi32>,
    %swap3A_474 = vector.shape_cast %swap3A_473 : vector<1x16xi32> to vector<16xi32>
    %swap3A_475 = vector.shape_cast %add3A_469 : vector<16xi32> to vector<1x16xi32>
    tpu.vector_store %arg9[%swap3A_471, %swap3A_472], %swap3A_475 {strides = array<i32>} : memref<4x128xi32, #tpu.memory_space<vmem>>, vector<1x16xi32>,
    %add3A_476 = arith.addi %add3A_461, %get3A_16 : vector<16xi32>
    %swap3A_477 = arith.constant 1 : i32
    %swap3A_478 = arith.index_cast %swap3A_477 : i32 to index
    %swap3A_479 = arith.constant 112 : index
    %swap3A_480 = tpu.vector_load %arg10[%swap3A_478, %swap3A_479] {strides = array<i32>} : memref<4x128xi32, #tpu.memory_space<vmem>>, vector<1x16xi32>,
    %swap3A_481 = vector.shape_cast %swap3A_480 : vector<1x16xi32> to vector<16xi32>
    %swap3A_482 = vector.shape_cast %add3A_476 : vector<16xi32> to vector<1x16xi32>
    tpu.vector_store %arg10[%swap3A_478, %swap3A_479], %swap3A_482 {strides = array<i32>} : memref<4x128xi32, #tpu.memory_space<vmem>>, vector<1x16xi32>,
    %add3A_483 = arith.constant 256 : i32
    %add3A_484 = arith.addi %mul3A_2, %add3A_483 : i32
    %add3A_485 = arith.constant 0 : i32
    %add3A_486 = arith.addi %add3A_484, %add3A_485 : i32
    %mul3A_487 = arith.constant 1000 : i32
    %mul3A_488 = arith.muli %add3A_486, %mul3A_487 : i32
    %add3A_489 = vector.broadcast %mul3A_488 : i32 to vector<16xi32>
    %add3A_490 = arith.addi %mul3A_19, %add3A_489 : vector<16xi32>
    %add3A_491 = arith.addi %add3A_490, %get3A_6 : vector<16xi32>
    %swap3A_492 = arith.constant 2 : i32
    %swap3A_493 = arith.index_cast %swap3A_492 : i32 to index
    %swap3A_494 = arith.constant 0 : index
    %swap3A_495 = tpu.vector_load %arg8[%swap3A_493, %swap3A_494] {strides = array<i32>} : memref<4x128xi32, #tpu.memory_space<vmem>>, vector<1x16xi32>,
    %swap3A_496 = vector.shape_cast %swap3A_495 : vector<1x16xi32> to vector<16xi32>
    %swap3A_497 = vector.shape_cast %add3A_491 : vector<16xi32> to vector<1x16xi32>
    tpu.vector_store %arg8[%swap3A_493, %swap3A_494], %swap3A_497 {strides = array<i32>} : memref<4x128xi32, #tpu.memory_space<vmem>>, vector<1x16xi32>,
    %add3A_498 = arith.addi %add3A_490, %get3A_11 : vector<16xi32>
    %swap3A_499 = arith.constant 2 : i32
    %swap3A_500 = arith.index_cast %swap3A_499 : i32 to index
    %swap3A_501 = arith.constant 0 : index
    %swap3A_502 = tpu.vector_load %arg9[%swap3A_500, %swap3A_501] {strides = array<i32>} : memref<4x128xi32, #tpu.memory_space<vmem>>, vector<1x16xi32>,
    %swap3A_503 = vector.shape_cast %swap3A_502 : vector<1x16xi32> to vector<16xi32>
    %swap3A_504 = vector.shape_cast %add3A_498 : vector<16xi32> to vector<1x16xi32>
    tpu.vector_store %arg9[%swap3A_500, %swap3A_501], %swap3A_504 {strides = array<i32>} : memref<4x128xi32, #tpu.memory_space<vmem>>, vector<1x16xi32>,
    %add3A_505 = arith.addi %add3A_490, %get3A_16 : vector<16xi32>
    %swap3A_506 = arith.constant 2 : i32
    %swap3A_507 = arith.index_cast %swap3A_506 : i32 to index
    %swap3A_508 = arith.constant 0 : index
    %swap3A_509 = tpu.vector_load %arg10[%swap3A_507, %swap3A_508] {strides = array<i32>} : memref<4x128xi32, #tpu.memory_space<vmem>>, vector<1x16xi32>,
    %swap3A_510 = vector.shape_cast %swap3A_509 : vector<1x16xi32> to vector<16xi32>
    %swap3A_511 = vector.shape_cast %add3A_505 : vector<16xi32> to vector<1x16xi32>
    tpu.vector_store %arg10[%swap3A_507, %swap3A_508], %swap3A_511 {strides = array<i32>} : memref<4x128xi32, #tpu.memory_space<vmem>>, vector<1x16xi32>,
    %add3A_512 = arith.constant 256 : i32
    %add3A_513 = arith.addi %mul3A_2, %add3A_512 : i32
    %add3A_514 = arith.constant 16 : i32
    %add3A_515 = arith.addi %add3A_513, %add3A_514 : i32
    %mul3A_516 = arith.constant 1000 : i32
    %mul3A_517 = arith.muli %add3A_515, %mul3A_516 : i32
    %add3A_518 = vector.broadcast %mul3A_517 : i32 to vector<16xi32>
    %add3A_519 = arith.addi %mul3A_19, %add3A_518 : vector<16xi32>
    %add3A_520 = arith.addi %add3A_519, %get3A_6 : vector<16xi32>
    %swap3A_521 = arith.constant 2 : i32
    %swap3A_522 = arith.index_cast %swap3A_521 : i32 to index
    %swap3A_523 = arith.constant 16 : index
    %swap3A_524 = tpu.vector_load %arg8[%swap3A_522, %swap3A_523] {strides = array<i32>} : memref<4x128xi32, #tpu.memory_space<vmem>>, vector<1x16xi32>,
    %swap3A_525 = vector.shape_cast %swap3A_524 : vector<1x16xi32> to vector<16xi32>
    %swap3A_526 = vector.shape_cast %add3A_520 : vector<16xi32> to vector<1x16xi32>
    tpu.vector_store %arg8[%swap3A_522, %swap3A_523], %swap3A_526 {strides = array<i32>} : memref<4x128xi32, #tpu.memory_space<vmem>>, vector<1x16xi32>,
    %add3A_527 = arith.addi %add3A_519, %get3A_11 : vector<16xi32>
    %swap3A_528 = arith.constant 2 : i32
    %swap3A_529 = arith.index_cast %swap3A_528 : i32 to index
    %swap3A_530 = arith.constant 16 : index
    %swap3A_531 = tpu.vector_load %arg9[%swap3A_529, %swap3A_530] {strides = array<i32>} : memref<4x128xi32, #tpu.memory_space<vmem>>, vector<1x16xi32>,
    %swap3A_532 = vector.shape_cast %swap3A_531 : vector<1x16xi32> to vector<16xi32>
    %swap3A_533 = vector.shape_cast %add3A_527 : vector<16xi32> to vector<1x16xi32>
    tpu.vector_store %arg9[%swap3A_529, %swap3A_530], %swap3A_533 {strides = array<i32>} : memref<4x128xi32, #tpu.memory_space<vmem>>, vector<1x16xi32>,
    %add3A_534 = arith.addi %add3A_519, %get3A_16 : vector<16xi32>
    %swap3A_535 = arith.constant 2 : i32
    %swap3A_536 = arith.index_cast %swap3A_535 : i32 to index
    %swap3A_537 = arith.constant 16 : index
    %swap3A_538 = tpu.vector_load %arg10[%swap3A_536, %swap3A_537] {strides = array<i32>} : memref<4x128xi32, #tpu.memory_space<vmem>>, vector<1x16xi32>,
    %swap3A_539 = vector.shape_cast %swap3A_538 : vector<1x16xi32> to vector<16xi32>
    %swap3A_540 = vector.shape_cast %add3A_534 : vector<16xi32> to vector<1x16xi32>
    tpu.vector_store %arg10[%swap3A_536, %swap3A_537], %swap3A_540 {strides = array<i32>} : memref<4x128xi32, #tpu.memory_space<vmem>>, vector<1x16xi32>,
    %add3A_541 = arith.constant 256 : i32
    %add3A_542 = arith.addi %mul3A_2, %add3A_541 : i32
    %add3A_543 = arith.constant 32 : i32
    %add3A_544 = arith.addi %add3A_542, %add3A_543 : i32
    %mul3A_545 = arith.constant 1000 : i32
    %mul3A_546 = arith.muli %add3A_544, %mul3A_545 : i32
    %add3A_547 = vector.broadcast %mul3A_546 : i32 to vector<16xi32>
    %add3A_548 = arith.addi %mul3A_19, %add3A_547 : vector<16xi32>
    %add3A_549 = arith.addi %add3A_548, %get3A_6 : vector<16xi32>
    %swap3A_550 = arith.constant 2 : i32
    %swap3A_551 = arith.index_cast %swap3A_550 : i32 to index
    %swap3A_552 = arith.constant 32 : index
    %swap3A_553 = tpu.vector_load %arg8[%swap3A_551, %swap3A_552] {strides = array<i32>} : memref<4x128xi32, #tpu.memory_space<vmem>>, vector<1x16xi32>,
    %swap3A_554 = vector.shape_cast %swap3A_553 : vector<1x16xi32> to vector<16xi32>
    %swap3A_555 = vector.shape_cast %add3A_549 : vector<16xi32> to vector<1x16xi32>
    tpu.vector_store %arg8[%swap3A_551, %swap3A_552], %swap3A_555 {strides = array<i32>} : memref<4x128xi32, #tpu.memory_space<vmem>>, vector<1x16xi32>,
    %add3A_556 = arith.addi %add3A_548, %get3A_11 : vector<16xi32>
    %swap3A_557 = arith.constant 2 : i32
    %swap3A_558 = arith.index_cast %swap3A_557 : i32 to index
    %swap3A_559 = arith.constant 32 : index
    %swap3A_560 = tpu.vector_load %arg9[%swap3A_558, %swap3A_559] {strides = array<i32>} : memref<4x128xi32, #tpu.memory_space<vmem>>, vector<1x16xi32>,
    %swap3A_561 = vector.shape_cast %swap3A_560 : vector<1x16xi32> to vector<16xi32>
    %swap3A_562 = vector.shape_cast %add3A_556 : vector<16xi32> to vector<1x16xi32>
    tpu.vector_store %arg9[%swap3A_558, %swap3A_559], %swap3A_562 {strides = array<i32>} : memref<4x128xi32, #tpu.memory_space<vmem>>, vector<1x16xi32>,
    %add3A_563 = arith.addi %add3A_548, %get3A_16 : vector<16xi32>
    %swap3A_564 = arith.constant 2 : i32
    %swap3A_565 = arith.index_cast %swap3A_564 : i32 to index
    %swap3A_566 = arith.constant 32 : index
    %swap3A_567 = tpu.vector_load %arg10[%swap3A_565, %swap3A_566] {strides = array<i32>} : memref<4x128xi32, #tpu.memory_space<vmem>>, vector<1x16xi32>,
    %swap3A_568 = vector.shape_cast %swap3A_567 : vector<1x16xi32> to vector<16xi32>
    %swap3A_569 = vector.shape_cast %add3A_563 : vector<16xi32> to vector<1x16xi32>
    tpu.vector_store %arg10[%swap3A_565, %swap3A_566], %swap3A_569 {strides = array<i32>} : memref<4x128xi32, #tpu.memory_space<vmem>>, vector<1x16xi32>,
    %add3A_570 = arith.constant 256 : i32
    %add3A_571 = arith.addi %mul3A_2, %add3A_570 : i32
    %add3A_572 = arith.constant 48 : i32
    %add3A_573 = arith.addi %add3A_571, %add3A_572 : i32
    %mul3A_574 = arith.constant 1000 : i32
    %mul3A_575 = arith.muli %add3A_573, %mul3A_574 : i32
    %add3A_576 = vector.broadcast %mul3A_575 : i32 to vector<16xi32>
    %add3A_577 = arith.addi %mul3A_19, %add3A_576 : vector<16xi32>
    %add3A_578 = arith.addi %add3A_577, %get3A_6 : vector<16xi32>
    %swap3A_579 = arith.constant 2 : i32
    %swap3A_580 = arith.index_cast %swap3A_579 : i32 to index
    %swap3A_581 = arith.constant 48 : index
    %swap3A_582 = tpu.vector_load %arg8[%swap3A_580, %swap3A_581] {strides = array<i32>} : memref<4x128xi32, #tpu.memory_space<vmem>>, vector<1x16xi32>,
    %swap3A_583 = vector.shape_cast %swap3A_582 : vector<1x16xi32> to vector<16xi32>
    %swap3A_584 = vector.shape_cast %add3A_578 : vector<16xi32> to vector<1x16xi32>
    tpu.vector_store %arg8[%swap3A_580, %swap3A_581], %swap3A_584 {strides = array<i32>} : memref<4x128xi32, #tpu.memory_space<vmem>>, vector<1x16xi32>,
    %add3A_585 = arith.addi %add3A_577, %get3A_11 : vector<16xi32>
    %swap3A_586 = arith.constant 2 : i32
    %swap3A_587 = arith.index_cast %swap3A_586 : i32 to index
    %swap3A_588 = arith.constant 48 : index
    %swap3A_589 = tpu.vector_load %arg9[%swap3A_587, %swap3A_588] {strides = array<i32>} : memref<4x128xi32, #tpu.memory_space<vmem>>, vector<1x16xi32>,
    %swap3A_590 = vector.shape_cast %swap3A_589 : vector<1x16xi32> to vector<16xi32>
    %swap3A_591 = vector.shape_cast %add3A_585 : vector<16xi32> to vector<1x16xi32>
    tpu.vector_store %arg9[%swap3A_587, %swap3A_588], %swap3A_591 {strides = array<i32>} : memref<4x128xi32, #tpu.memory_space<vmem>>, vector<1x16xi32>,
    %add3A_592 = arith.addi %add3A_577, %get3A_16 : vector<16xi32>
    %swap3A_593 = arith.constant 2 : i32
    %swap3A_594 = arith.index_cast %swap3A_593 : i32 to index
    %swap3A_595 = arith.constant 48 : index
    %swap3A_596 = tpu.vector_load %arg10[%swap3A_594, %swap3A_595] {strides = array<i32>} : memref<4x128xi32, #tpu.memory_space<vmem>>, vector<1x16xi32>,
    %swap3A_597 = vector.shape_cast %swap3A_596 : vector<1x16xi32> to vector<16xi32>
    %swap3A_598 = vector.shape_cast %add3A_592 : vector<16xi32> to vector<1x16xi32>
    tpu.vector_store %arg10[%swap3A_594, %swap3A_595], %swap3A_598 {strides = array<i32>} : memref<4x128xi32, #tpu.memory_space<vmem>>, vector<1x16xi32>,
    %add3A_599 = arith.constant 256 : i32
    %add3A_600 = arith.addi %mul3A_2, %add3A_599 : i32
    %add3A_601 = arith.constant 64 : i32
    %add3A_602 = arith.addi %add3A_600, %add3A_601 : i32
    %mul3A_603 = arith.constant 1000 : i32
    %mul3A_604 = arith.muli %add3A_602, %mul3A_603 : i32
    %add3A_605 = vector.broadcast %mul3A_604 : i32 to vector<16xi32>
    %add3A_606 = arith.addi %mul3A_19, %add3A_605 : vector<16xi32>
    %add3A_607 = arith.addi %add3A_606, %get3A_6 : vector<16xi32>
    %swap3A_608 = arith.constant 2 : i32
    %swap3A_609 = arith.index_cast %swap3A_608 : i32 to index
    %swap3A_610 = arith.constant 64 : index
    %swap3A_611 = tpu.vector_load %arg8[%swap3A_609, %swap3A_610] {strides = array<i32>} : memref<4x128xi32, #tpu.memory_space<vmem>>, vector<1x16xi32>,
    %swap3A_612 = vector.shape_cast %swap3A_611 : vector<1x16xi32> to vector<16xi32>
    %swap3A_613 = vector.shape_cast %add3A_607 : vector<16xi32> to vector<1x16xi32>
    tpu.vector_store %arg8[%swap3A_609, %swap3A_610], %swap3A_613 {strides = array<i32>} : memref<4x128xi32, #tpu.memory_space<vmem>>, vector<1x16xi32>,
    %add3A_614 = arith.addi %add3A_606, %get3A_11 : vector<16xi32>
    %swap3A_615 = arith.constant 2 : i32
    %swap3A_616 = arith.index_cast %swap3A_615 : i32 to index
    %swap3A_617 = arith.constant 64 : index
    %swap3A_618 = tpu.vector_load %arg9[%swap3A_616, %swap3A_617] {strides = array<i32>} : memref<4x128xi32, #tpu.memory_space<vmem>>, vector<1x16xi32>,
    %swap3A_619 = vector.shape_cast %swap3A_618 : vector<1x16xi32> to vector<16xi32>
    %swap3A_620 = vector.shape_cast %add3A_614 : vector<16xi32> to vector<1x16xi32>
    tpu.vector_store %arg9[%swap3A_616, %swap3A_617], %swap3A_620 {strides = array<i32>} : memref<4x128xi32, #tpu.memory_space<vmem>>, vector<1x16xi32>,
    %add3A_621 = arith.addi %add3A_606, %get3A_16 : vector<16xi32>
    %swap3A_622 = arith.constant 2 : i32
    %swap3A_623 = arith.index_cast %swap3A_622 : i32 to index
    %swap3A_624 = arith.constant 64 : index
    %swap3A_625 = tpu.vector_load %arg10[%swap3A_623, %swap3A_624] {strides = array<i32>} : memref<4x128xi32, #tpu.memory_space<vmem>>, vector<1x16xi32>,
    %swap3A_626 = vector.shape_cast %swap3A_625 : vector<1x16xi32> to vector<16xi32>
    %swap3A_627 = vector.shape_cast %add3A_621 : vector<16xi32> to vector<1x16xi32>
    tpu.vector_store %arg10[%swap3A_623, %swap3A_624], %swap3A_627 {strides = array<i32>} : memref<4x128xi32, #tpu.memory_space<vmem>>, vector<1x16xi32>,
    %add3A_628 = arith.constant 256 : i32
    %add3A_629 = arith.addi %mul3A_2, %add3A_628 : i32
    %add3A_630 = arith.constant 80 : i32
    %add3A_631 = arith.addi %add3A_629, %add3A_630 : i32
    %mul3A_632 = arith.constant 1000 : i32
    %mul3A_633 = arith.muli %add3A_631, %mul3A_632 : i32
    %add3A_634 = vector.broadcast %mul3A_633 : i32 to vector<16xi32>
    %add3A_635 = arith.addi %mul3A_19, %add3A_634 : vector<16xi32>
    %add3A_636 = arith.addi %add3A_635, %get3A_6 : vector<16xi32>
    %swap3A_637 = arith.constant 2 : i32
    %swap3A_638 = arith.index_cast %swap3A_637 : i32 to index
    %swap3A_639 = arith.constant 80 : index
    %swap3A_640 = tpu.vector_load %arg8[%swap3A_638, %swap3A_639] {strides = array<i32>} : memref<4x128xi32, #tpu.memory_space<vmem>>, vector<1x16xi32>,
    %swap3A_641 = vector.shape_cast %swap3A_640 : vector<1x16xi32> to vector<16xi32>
    %swap3A_642 = vector.shape_cast %add3A_636 : vector<16xi32> to vector<1x16xi32>
    tpu.vector_store %arg8[%swap3A_638, %swap3A_639], %swap3A_642 {strides = array<i32>} : memref<4x128xi32, #tpu.memory_space<vmem>>, vector<1x16xi32>,
    %add3A_643 = arith.addi %add3A_635, %get3A_11 : vector<16xi32>
    %swap3A_644 = arith.constant 2 : i32
    %swap3A_645 = arith.index_cast %swap3A_644 : i32 to index
    %swap3A_646 = arith.constant 80 : index
    %swap3A_647 = tpu.vector_load %arg9[%swap3A_645, %swap3A_646] {strides = array<i32>} : memref<4x128xi32, #tpu.memory_space<vmem>>, vector<1x16xi32>,
    %swap3A_648 = vector.shape_cast %swap3A_647 : vector<1x16xi32> to vector<16xi32>
    %swap3A_649 = vector.shape_cast %add3A_643 : vector<16xi32> to vector<1x16xi32>
    tpu.vector_store %arg9[%swap3A_645, %swap3A_646], %swap3A_649 {strides = array<i32>} : memref<4x128xi32, #tpu.memory_space<vmem>>, vector<1x16xi32>,
    %add3A_650 = arith.addi %add3A_635, %get3A_16 : vector<16xi32>
    %swap3A_651 = arith.constant 2 : i32
    %swap3A_652 = arith.index_cast %swap3A_651 : i32 to index
    %swap3A_653 = arith.constant 80 : index
    %swap3A_654 = tpu.vector_load %arg10[%swap3A_652, %swap3A_653] {strides = array<i32>} : memref<4x128xi32, #tpu.memory_space<vmem>>, vector<1x16xi32>,
    %swap3A_655 = vector.shape_cast %swap3A_654 : vector<1x16xi32> to vector<16xi32>
    %swap3A_656 = vector.shape_cast %add3A_650 : vector<16xi32> to vector<1x16xi32>
    tpu.vector_store %arg10[%swap3A_652, %swap3A_653], %swap3A_656 {strides = array<i32>} : memref<4x128xi32, #tpu.memory_space<vmem>>, vector<1x16xi32>,
    %add3A_657 = arith.constant 256 : i32
    %add3A_658 = arith.addi %mul3A_2, %add3A_657 : i32
    %add3A_659 = arith.constant 96 : i32
    %add3A_660 = arith.addi %add3A_658, %add3A_659 : i32
    %mul3A_661 = arith.constant 1000 : i32
    %mul3A_662 = arith.muli %add3A_660, %mul3A_661 : i32
    %add3A_663 = vector.broadcast %mul3A_662 : i32 to vector<16xi32>
    %add3A_664 = arith.addi %mul3A_19, %add3A_663 : vector<16xi32>
    %add3A_665 = arith.addi %add3A_664, %get3A_6 : vector<16xi32>
    %swap3A_666 = arith.constant 2 : i32
    %swap3A_667 = arith.index_cast %swap3A_666 : i32 to index
    %swap3A_668 = arith.constant 96 : index
    %swap3A_669 = tpu.vector_load %arg8[%swap3A_667, %swap3A_668] {strides = array<i32>} : memref<4x128xi32, #tpu.memory_space<vmem>>, vector<1x16xi32>,
    %swap3A_670 = vector.shape_cast %swap3A_669 : vector<1x16xi32> to vector<16xi32>
    %swap3A_671 = vector.shape_cast %add3A_665 : vector<16xi32> to vector<1x16xi32>
    tpu.vector_store %arg8[%swap3A_667, %swap3A_668], %swap3A_671 {strides = array<i32>} : memref<4x128xi32, #tpu.memory_space<vmem>>, vector<1x16xi32>,
    %add3A_672 = arith.addi %add3A_664, %get3A_11 : vector<16xi32>
    %swap3A_673 = arith.constant 2 : i32
    %swap3A_674 = arith.index_cast %swap3A_673 : i32 to index
    %swap3A_675 = arith.constant 96 : index
    %swap3A_676 = tpu.vector_load %arg9[%swap3A_674, %swap3A_675] {strides = array<i32>} : memref<4x128xi32, #tpu.memory_space<vmem>>, vector<1x16xi32>,
    %swap3A_677 = vector.shape_cast %swap3A_676 : vector<1x16xi32> to vector<16xi32>
    %swap3A_678 = vector.shape_cast %add3A_672 : vector<16xi32> to vector<1x16xi32>
    tpu.vector_store %arg9[%swap3A_674, %swap3A_675], %swap3A_678 {strides = array<i32>} : memref<4x128xi32, #tpu.memory_space<vmem>>, vector<1x16xi32>,
    %add3A_679 = arith.addi %add3A_664, %get3A_16 : vector<16xi32>
    %swap3A_680 = arith.constant 2 : i32
    %swap3A_681 = arith.index_cast %swap3A_680 : i32 to index
    %swap3A_682 = arith.constant 96 : index
    %swap3A_683 = tpu.vector_load %arg10[%swap3A_681, %swap3A_682] {strides = array<i32>} : memref<4x128xi32, #tpu.memory_space<vmem>>, vector<1x16xi32>,
    %swap3A_684 = vector.shape_cast %swap3A_683 : vector<1x16xi32> to vector<16xi32>
    %swap3A_685 = vector.shape_cast %add3A_679 : vector<16xi32> to vector<1x16xi32>
    tpu.vector_store %arg10[%swap3A_681, %swap3A_682], %swap3A_685 {strides = array<i32>} : memref<4x128xi32, #tpu.memory_space<vmem>>, vector<1x16xi32>,
    %add3A_686 = arith.constant 256 : i32
    %add3A_687 = arith.addi %mul3A_2, %add3A_686 : i32
    %add3A_688 = arith.constant 112 : i32
    %add3A_689 = arith.addi %add3A_687, %add3A_688 : i32
    %mul3A_690 = arith.constant 1000 : i32
    %mul3A_691 = arith.muli %add3A_689, %mul3A_690 : i32
    %add3A_692 = vector.broadcast %mul3A_691 : i32 to vector<16xi32>
    %add3A_693 = arith.addi %mul3A_19, %add3A_692 : vector<16xi32>
    %add3A_694 = arith.addi %add3A_693, %get3A_6 : vector<16xi32>
    %swap3A_695 = arith.constant 2 : i32
    %swap3A_696 = arith.index_cast %swap3A_695 : i32 to index
    %swap3A_697 = arith.constant 112 : index
    %swap3A_698 = tpu.vector_load %arg8[%swap3A_696, %swap3A_697] {strides = array<i32>} : memref<4x128xi32, #tpu.memory_space<vmem>>, vector<1x16xi32>,
    %swap3A_699 = vector.shape_cast %swap3A_698 : vector<1x16xi32> to vector<16xi32>
    %swap3A_700 = vector.shape_cast %add3A_694 : vector<16xi32> to vector<1x16xi32>
    tpu.vector_store %arg8[%swap3A_696, %swap3A_697], %swap3A_700 {strides = array<i32>} : memref<4x128xi32, #tpu.memory_space<vmem>>, vector<1x16xi32>,
    %add3A_701 = arith.addi %add3A_693, %get3A_11 : vector<16xi32>
    %swap3A_702 = arith.constant 2 : i32
    %swap3A_703 = arith.index_cast %swap3A_702 : i32 to index
    %swap3A_704 = arith.constant 112 : index
    %swap3A_705 = tpu.vector_load %arg9[%swap3A_703, %swap3A_704] {strides = array<i32>} : memref<4x128xi32, #tpu.memory_space<vmem>>, vector<1x16xi32>,
    %swap3A_706 = vector.shape_cast %swap3A_705 : vector<1x16xi32> to vector<16xi32>
    %swap3A_707 = vector.shape_cast %add3A_701 : vector<16xi32> to vector<1x16xi32>
    tpu.vector_store %arg9[%swap3A_703, %swap3A_704], %swap3A_707 {strides = array<i32>} : memref<4x128xi32, #tpu.memory_space<vmem>>, vector<1x16xi32>,
    %add3A_708 = arith.addi %add3A_693, %get3A_16 : vector<16xi32>
    %swap3A_709 = arith.constant 2 : i32
    %swap3A_710 = arith.index_cast %swap3A_709 : i32 to index
    %swap3A_711 = arith.constant 112 : index
    %swap3A_712 = tpu.vector_load %arg10[%swap3A_710, %swap3A_711] {strides = array<i32>} : memref<4x128xi32, #tpu.memory_space<vmem>>, vector<1x16xi32>,
    %swap3A_713 = vector.shape_cast %swap3A_712 : vector<1x16xi32> to vector<16xi32>
    %swap3A_714 = vector.shape_cast %add3A_708 : vector<16xi32> to vector<1x16xi32>
    tpu.vector_store %arg10[%swap3A_710, %swap3A_711], %swap3A_714 {strides = array<i32>} : memref<4x128xi32, #tpu.memory_space<vmem>>, vector<1x16xi32>,
    %add3A_715 = arith.constant 384 : i32
    %add3A_716 = arith.addi %mul3A_2, %add3A_715 : i32
    %add3A_717 = arith.constant 0 : i32
    %add3A_718 = arith.addi %add3A_716, %add3A_717 : i32
    %mul3A_719 = arith.constant 1000 : i32
    %mul3A_720 = arith.muli %add3A_718, %mul3A_719 : i32
    %add3A_721 = vector.broadcast %mul3A_720 : i32 to vector<16xi32>
    %add3A_722 = arith.addi %mul3A_19, %add3A_721 : vector<16xi32>
    %add3A_723 = arith.addi %add3A_722, %get3A_6 : vector<16xi32>
    %swap3A_724 = arith.constant 3 : i32
    %swap3A_725 = arith.index_cast %swap3A_724 : i32 to index
    %swap3A_726 = arith.constant 0 : index
    %swap3A_727 = tpu.vector_load %arg8[%swap3A_725, %swap3A_726] {strides = array<i32>} : memref<4x128xi32, #tpu.memory_space<vmem>>, vector<1x16xi32>,
    %swap3A_728 = vector.shape_cast %swap3A_727 : vector<1x16xi32> to vector<16xi32>
    %swap3A_729 = vector.shape_cast %add3A_723 : vector<16xi32> to vector<1x16xi32>
    tpu.vector_store %arg8[%swap3A_725, %swap3A_726], %swap3A_729 {strides = array<i32>} : memref<4x128xi32, #tpu.memory_space<vmem>>, vector<1x16xi32>,
    %add3A_730 = arith.addi %add3A_722, %get3A_11 : vector<16xi32>
    %swap3A_731 = arith.constant 3 : i32
    %swap3A_732 = arith.index_cast %swap3A_731 : i32 to index
    %swap3A_733 = arith.constant 0 : index
    %swap3A_734 = tpu.vector_load %arg9[%swap3A_732, %swap3A_733] {strides = array<i32>} : memref<4x128xi32, #tpu.memory_space<vmem>>, vector<1x16xi32>,
    %swap3A_735 = vector.shape_cast %swap3A_734 : vector<1x16xi32> to vector<16xi32>
    %swap3A_736 = vector.shape_cast %add3A_730 : vector<16xi32> to vector<1x16xi32>
    tpu.vector_store %arg9[%swap3A_732, %swap3A_733], %swap3A_736 {strides = array<i32>} : memref<4x128xi32, #tpu.memory_space<vmem>>, vector<1x16xi32>,
    %add3A_737 = arith.addi %add3A_722, %get3A_16 : vector<16xi32>
    %swap3A_738 = arith.constant 3 : i32
    %swap3A_739 = arith.index_cast %swap3A_738 : i32 to index
    %swap3A_740 = arith.constant 0 : index
    %swap3A_741 = tpu.vector_load %arg10[%swap3A_739, %swap3A_740] {strides = array<i32>} : memref<4x128xi32, #tpu.memory_space<vmem>>, vector<1x16xi32>,
    %swap3A_742 = vector.shape_cast %swap3A_741 : vector<1x16xi32> to vector<16xi32>
    %swap3A_743 = vector.shape_cast %add3A_737 : vector<16xi32> to vector<1x16xi32>
    tpu.vector_store %arg10[%swap3A_739, %swap3A_740], %swap3A_743 {strides = array<i32>} : memref<4x128xi32, #tpu.memory_space<vmem>>, vector<1x16xi32>,
    %add3A_744 = arith.constant 384 : i32
    %add3A_745 = arith.addi %mul3A_2, %add3A_744 : i32
    %add3A_746 = arith.constant 16 : i32
    %add3A_747 = arith.addi %add3A_745, %add3A_746 : i32
    %mul3A_748 = arith.constant 1000 : i32
    %mul3A_749 = arith.muli %add3A_747, %mul3A_748 : i32
    %add3A_750 = vector.broadcast %mul3A_749 : i32 to vector<16xi32>
    %add3A_751 = arith.addi %mul3A_19, %add3A_750 : vector<16xi32>
    %add3A_752 = arith.addi %add3A_751, %get3A_6 : vector<16xi32>
    %swap3A_753 = arith.constant 3 : i32
    %swap3A_754 = arith.index_cast %swap3A_753 : i32 to index
    %swap3A_755 = arith.constant 16 : index
    %swap3A_756 = tpu.vector_load %arg8[%swap3A_754, %swap3A_755] {strides = array<i32>} : memref<4x128xi32, #tpu.memory_space<vmem>>, vector<1x16xi32>,
    %swap3A_757 = vector.shape_cast %swap3A_756 : vector<1x16xi32> to vector<16xi32>
    %swap3A_758 = vector.shape_cast %add3A_752 : vector<16xi32> to vector<1x16xi32>
    tpu.vector_store %arg8[%swap3A_754, %swap3A_755], %swap3A_758 {strides = array<i32>} : memref<4x128xi32, #tpu.memory_space<vmem>>, vector<1x16xi32>,
    %add3A_759 = arith.addi %add3A_751, %get3A_11 : vector<16xi32>
    %swap3A_760 = arith.constant 3 : i32
    %swap3A_761 = arith.index_cast %swap3A_760 : i32 to index
    %swap3A_762 = arith.constant 16 : index
    %swap3A_763 = tpu.vector_load %arg9[%swap3A_761, %swap3A_762] {strides = array<i32>} : memref<4x128xi32, #tpu.memory_space<vmem>>, vector<1x16xi32>,
    %swap3A_764 = vector.shape_cast %swap3A_763 : vector<1x16xi32> to vector<16xi32>
    %swap3A_765 = vector.shape_cast %add3A_759 : vector<16xi32> to vector<1x16xi32>
    tpu.vector_store %arg9[%swap3A_761, %swap3A_762], %swap3A_765 {strides = array<i32>} : memref<4x128xi32, #tpu.memory_space<vmem>>, vector<1x16xi32>,
    %add3A_766 = arith.addi %add3A_751, %get3A_16 : vector<16xi32>
    %swap3A_767 = arith.constant 3 : i32
    %swap3A_768 = arith.index_cast %swap3A_767 : i32 to index
    %swap3A_769 = arith.constant 16 : index
    %swap3A_770 = tpu.vector_load %arg10[%swap3A_768, %swap3A_769] {strides = array<i32>} : memref<4x128xi32, #tpu.memory_space<vmem>>, vector<1x16xi32>,
    %swap3A_771 = vector.shape_cast %swap3A_770 : vector<1x16xi32> to vector<16xi32>
    %swap3A_772 = vector.shape_cast %add3A_766 : vector<16xi32> to vector<1x16xi32>
    tpu.vector_store %arg10[%swap3A_768, %swap3A_769], %swap3A_772 {strides = array<i32>} : memref<4x128xi32, #tpu.memory_space<vmem>>, vector<1x16xi32>,
    %add3A_773 = arith.constant 384 : i32
    %add3A_774 = arith.addi %mul3A_2, %add3A_773 : i32
    %add3A_775 = arith.constant 32 : i32
    %add3A_776 = arith.addi %add3A_774, %add3A_775 : i32
    %mul3A_777 = arith.constant 1000 : i32
    %mul3A_778 = arith.muli %add3A_776, %mul3A_777 : i32
    %add3A_779 = vector.broadcast %mul3A_778 : i32 to vector<16xi32>
    %add3A_780 = arith.addi %mul3A_19, %add3A_779 : vector<16xi32>
    %add3A_781 = arith.addi %add3A_780, %get3A_6 : vector<16xi32>
    %swap3A_782 = arith.constant 3 : i32
    %swap3A_783 = arith.index_cast %swap3A_782 : i32 to index
    %swap3A_784 = arith.constant 32 : index
    %swap3A_785 = tpu.vector_load %arg8[%swap3A_783, %swap3A_784] {strides = array<i32>} : memref<4x128xi32, #tpu.memory_space<vmem>>, vector<1x16xi32>,
    %swap3A_786 = vector.shape_cast %swap3A_785 : vector<1x16xi32> to vector<16xi32>
    %swap3A_787 = vector.shape_cast %add3A_781 : vector<16xi32> to vector<1x16xi32>
    tpu.vector_store %arg8[%swap3A_783, %swap3A_784], %swap3A_787 {strides = array<i32>} : memref<4x128xi32, #tpu.memory_space<vmem>>, vector<1x16xi32>,
    %add3A_788 = arith.addi %add3A_780, %get3A_11 : vector<16xi32>
    %swap3A_789 = arith.constant 3 : i32
    %swap3A_790 = arith.index_cast %swap3A_789 : i32 to index
    %swap3A_791 = arith.constant 32 : index
    %swap3A_792 = tpu.vector_load %arg9[%swap3A_790, %swap3A_791] {strides = array<i32>} : memref<4x128xi32, #tpu.memory_space<vmem>>, vector<1x16xi32>,
    %swap3A_793 = vector.shape_cast %swap3A_792 : vector<1x16xi32> to vector<16xi32>
    %swap3A_794 = vector.shape_cast %add3A_788 : vector<16xi32> to vector<1x16xi32>
    tpu.vector_store %arg9[%swap3A_790, %swap3A_791], %swap3A_794 {strides = array<i32>} : memref<4x128xi32, #tpu.memory_space<vmem>>, vector<1x16xi32>,
    %add3A_795 = arith.addi %add3A_780, %get3A_16 : vector<16xi32>
    %swap3A_796 = arith.constant 3 : i32
    %swap3A_797 = arith.index_cast %swap3A_796 : i32 to index
    %swap3A_798 = arith.constant 32 : index
    %swap3A_799 = tpu.vector_load %arg10[%swap3A_797, %swap3A_798] {strides = array<i32>} : memref<4x128xi32, #tpu.memory_space<vmem>>, vector<1x16xi32>,
    %swap3A_800 = vector.shape_cast %swap3A_799 : vector<1x16xi32> to vector<16xi32>
    %swap3A_801 = vector.shape_cast %add3A_795 : vector<16xi32> to vector<1x16xi32>
    tpu.vector_store %arg10[%swap3A_797, %swap3A_798], %swap3A_801 {strides = array<i32>} : memref<4x128xi32, #tpu.memory_space<vmem>>, vector<1x16xi32>,
    %add3A_802 = arith.constant 384 : i32
    %add3A_803 = arith.addi %mul3A_2, %add3A_802 : i32
    %add3A_804 = arith.constant 48 : i32
    %add3A_805 = arith.addi %add3A_803, %add3A_804 : i32
    %mul3A_806 = arith.constant 1000 : i32
    %mul3A_807 = arith.muli %add3A_805, %mul3A_806 : i32
    %add3A_808 = vector.broadcast %mul3A_807 : i32 to vector<16xi32>
    %add3A_809 = arith.addi %mul3A_19, %add3A_808 : vector<16xi32>
    %add3A_810 = arith.addi %add3A_809, %get3A_6 : vector<16xi32>
    %swap3A_811 = arith.constant 3 : i32
    %swap3A_812 = arith.index_cast %swap3A_811 : i32 to index
    %swap3A_813 = arith.constant 48 : index
    %swap3A_814 = tpu.vector_load %arg8[%swap3A_812, %swap3A_813] {strides = array<i32>} : memref<4x128xi32, #tpu.memory_space<vmem>>, vector<1x16xi32>,
    %swap3A_815 = vector.shape_cast %swap3A_814 : vector<1x16xi32> to vector<16xi32>
    %swap3A_816 = vector.shape_cast %add3A_810 : vector<16xi32> to vector<1x16xi32>
    tpu.vector_store %arg8[%swap3A_812, %swap3A_813], %swap3A_816 {strides = array<i32>} : memref<4x128xi32, #tpu.memory_space<vmem>>, vector<1x16xi32>,
    %add3A_817 = arith.addi %add3A_809, %get3A_11 : vector<16xi32>
    %swap3A_818 = arith.constant 3 : i32
    %swap3A_819 = arith.index_cast %swap3A_818 : i32 to index
    %swap3A_820 = arith.constant 48 : index
    %swap3A_821 = tpu.vector_load %arg9[%swap3A_819, %swap3A_820] {strides = array<i32>} : memref<4x128xi32, #tpu.memory_space<vmem>>, vector<1x16xi32>,
    %swap3A_822 = vector.shape_cast %swap3A_821 : vector<1x16xi32> to vector<16xi32>
    %swap3A_823 = vector.shape_cast %add3A_817 : vector<16xi32> to vector<1x16xi32>
    tpu.vector_store %arg9[%swap3A_819, %swap3A_820], %swap3A_823 {strides = array<i32>} : memref<4x128xi32, #tpu.memory_space<vmem>>, vector<1x16xi32>,
    %add3A_824 = arith.addi %add3A_809, %get3A_16 : vector<16xi32>
    %swap3A_825 = arith.constant 3 : i32
    %swap3A_826 = arith.index_cast %swap3A_825 : i32 to index
    %swap3A_827 = arith.constant 48 : index
    %swap3A_828 = tpu.vector_load %arg10[%swap3A_826, %swap3A_827] {strides = array<i32>} : memref<4x128xi32, #tpu.memory_space<vmem>>, vector<1x16xi32>,
    %swap3A_829 = vector.shape_cast %swap3A_828 : vector<1x16xi32> to vector<16xi32>
    %swap3A_830 = vector.shape_cast %add3A_824 : vector<16xi32> to vector<1x16xi32>
    tpu.vector_store %arg10[%swap3A_826, %swap3A_827], %swap3A_830 {strides = array<i32>} : memref<4x128xi32, #tpu.memory_space<vmem>>, vector<1x16xi32>,
    %add3A_831 = arith.constant 384 : i32
    %add3A_832 = arith.addi %mul3A_2, %add3A_831 : i32
    %add3A_833 = arith.constant 64 : i32
    %add3A_834 = arith.addi %add3A_832, %add3A_833 : i32
    %mul3A_835 = arith.constant 1000 : i32
    %mul3A_836 = arith.muli %add3A_834, %mul3A_835 : i32
    %add3A_837 = vector.broadcast %mul3A_836 : i32 to vector<16xi32>
    %add3A_838 = arith.addi %mul3A_19, %add3A_837 : vector<16xi32>
    %add3A_839 = arith.addi %add3A_838, %get3A_6 : vector<16xi32>
    %swap3A_840 = arith.constant 3 : i32
    %swap3A_841 = arith.index_cast %swap3A_840 : i32 to index
    %swap3A_842 = arith.constant 64 : index
    %swap3A_843 = tpu.vector_load %arg8[%swap3A_841, %swap3A_842] {strides = array<i32>} : memref<4x128xi32, #tpu.memory_space<vmem>>, vector<1x16xi32>,
    %swap3A_844 = vector.shape_cast %swap3A_843 : vector<1x16xi32> to vector<16xi32>
    %swap3A_845 = vector.shape_cast %add3A_839 : vector<16xi32> to vector<1x16xi32>
    tpu.vector_store %arg8[%swap3A_841, %swap3A_842], %swap3A_845 {strides = array<i32>} : memref<4x128xi32, #tpu.memory_space<vmem>>, vector<1x16xi32>,
    %add3A_846 = arith.addi %add3A_838, %get3A_11 : vector<16xi32>
    %swap3A_847 = arith.constant 3 : i32
    %swap3A_848 = arith.index_cast %swap3A_847 : i32 to index
    %swap3A_849 = arith.constant 64 : index
    %swap3A_850 = tpu.vector_load %arg9[%swap3A_848, %swap3A_849] {strides = array<i32>} : memref<4x128xi32, #tpu.memory_space<vmem>>, vector<1x16xi32>,
    %swap3A_851 = vector.shape_cast %swap3A_850 : vector<1x16xi32> to vector<16xi32>
    %swap3A_852 = vector.shape_cast %add3A_846 : vector<16xi32> to vector<1x16xi32>
    tpu.vector_store %arg9[%swap3A_848, %swap3A_849], %swap3A_852 {strides = array<i32>} : memref<4x128xi32, #tpu.memory_space<vmem>>, vector<1x16xi32>,
    %add3A_853 = arith.addi %add3A_838, %get3A_16 : vector<16xi32>
    %swap3A_854 = arith.constant 3 : i32
    %swap3A_855 = arith.index_cast %swap3A_854 : i32 to index
    %swap3A_856 = arith.constant 64 : index
    %swap3A_857 = tpu.vector_load %arg10[%swap3A_855, %swap3A_856] {strides = array<i32>} : memref<4x128xi32, #tpu.memory_space<vmem>>, vector<1x16xi32>,
    %swap3A_858 = vector.shape_cast %swap3A_857 : vector<1x16xi32> to vector<16xi32>
    %swap3A_859 = vector.shape_cast %add3A_853 : vector<16xi32> to vector<1x16xi32>
    tpu.vector_store %arg10[%swap3A_855, %swap3A_856], %swap3A_859 {strides = array<i32>} : memref<4x128xi32, #tpu.memory_space<vmem>>, vector<1x16xi32>,
    %add3A_860 = arith.constant 384 : i32
    %add3A_861 = arith.addi %mul3A_2, %add3A_860 : i32
    %add3A_862 = arith.constant 80 : i32
    %add3A_863 = arith.addi %add3A_861, %add3A_862 : i32
    %mul3A_864 = arith.constant 1000 : i32
    %mul3A_865 = arith.muli %add3A_863, %mul3A_864 : i32
    %add3A_866 = vector.broadcast %mul3A_865 : i32 to vector<16xi32>
    %add3A_867 = arith.addi %mul3A_19, %add3A_866 : vector<16xi32>
    %add3A_868 = arith.addi %add3A_867, %get3A_6 : vector<16xi32>
    %swap3A_869 = arith.constant 3 : i32
    %swap3A_870 = arith.index_cast %swap3A_869 : i32 to index
    %swap3A_871 = arith.constant 80 : index
    %swap3A_872 = tpu.vector_load %arg8[%swap3A_870, %swap3A_871] {strides = array<i32>} : memref<4x128xi32, #tpu.memory_space<vmem>>, vector<1x16xi32>,
    %swap3A_873 = vector.shape_cast %swap3A_872 : vector<1x16xi32> to vector<16xi32>
    %swap3A_874 = vector.shape_cast %add3A_868 : vector<16xi32> to vector<1x16xi32>
    tpu.vector_store %arg8[%swap3A_870, %swap3A_871], %swap3A_874 {strides = array<i32>} : memref<4x128xi32, #tpu.memory_space<vmem>>, vector<1x16xi32>,
    %add3A_875 = arith.addi %add3A_867, %get3A_11 : vector<16xi32>
    %swap3A_876 = arith.constant 3 : i32
    %swap3A_877 = arith.index_cast %swap3A_876 : i32 to index
    %swap3A_878 = arith.constant 80 : index
    %swap3A_879 = tpu.vector_load %arg9[%swap3A_877, %swap3A_878] {strides = array<i32>} : memref<4x128xi32, #tpu.memory_space<vmem>>, vector<1x16xi32>,
    %swap3A_880 = vector.shape_cast %swap3A_879 : vector<1x16xi32> to vector<16xi32>
    %swap3A_881 = vector.shape_cast %add3A_875 : vector<16xi32> to vector<1x16xi32>
    tpu.vector_store %arg9[%swap3A_877, %swap3A_878], %swap3A_881 {strides = array<i32>} : memref<4x128xi32, #tpu.memory_space<vmem>>, vector<1x16xi32>,
    %add3A_882 = arith.addi %add3A_867, %get3A_16 : vector<16xi32>
    %swap3A_883 = arith.constant 3 : i32
    %swap3A_884 = arith.index_cast %swap3A_883 : i32 to index
    %swap3A_885 = arith.constant 80 : index
    %swap3A_886 = tpu.vector_load %arg10[%swap3A_884, %swap3A_885] {strides = array<i32>} : memref<4x128xi32, #tpu.memory_space<vmem>>, vector<1x16xi32>,
    %swap3A_887 = vector.shape_cast %swap3A_886 : vector<1x16xi32> to vector<16xi32>
    %swap3A_888 = vector.shape_cast %add3A_882 : vector<16xi32> to vector<1x16xi32>
    tpu.vector_store %arg10[%swap3A_884, %swap3A_885], %swap3A_888 {strides = array<i32>} : memref<4x128xi32, #tpu.memory_space<vmem>>, vector<1x16xi32>,
    %add3A_889 = arith.constant 384 : i32
    %add3A_890 = arith.addi %mul3A_2, %add3A_889 : i32
    %add3A_891 = arith.constant 96 : i32
    %add3A_892 = arith.addi %add3A_890, %add3A_891 : i32
    %mul3A_893 = arith.constant 1000 : i32
    %mul3A_894 = arith.muli %add3A_892, %mul3A_893 : i32
    %add3A_895 = vector.broadcast %mul3A_894 : i32 to vector<16xi32>
    %add3A_896 = arith.addi %mul3A_19, %add3A_895 : vector<16xi32>
    %add3A_897 = arith.addi %add3A_896, %get3A_6 : vector<16xi32>
    %swap3A_898 = arith.constant 3 : i32
    %swap3A_899 = arith.index_cast %swap3A_898 : i32 to index
    %swap3A_900 = arith.constant 96 : index
    %swap3A_901 = tpu.vector_load %arg8[%swap3A_899, %swap3A_900] {strides = array<i32>} : memref<4x128xi32, #tpu.memory_space<vmem>>, vector<1x16xi32>,
    %swap3A_902 = vector.shape_cast %swap3A_901 : vector<1x16xi32> to vector<16xi32>
    %swap3A_903 = vector.shape_cast %add3A_897 : vector<16xi32> to vector<1x16xi32>
    tpu.vector_store %arg8[%swap3A_899, %swap3A_900], %swap3A_903 {strides = array<i32>} : memref<4x128xi32, #tpu.memory_space<vmem>>, vector<1x16xi32>,
    %add3A_904 = arith.addi %add3A_896, %get3A_11 : vector<16xi32>
    %swap3A_905 = arith.constant 3 : i32
    %swap3A_906 = arith.index_cast %swap3A_905 : i32 to index
    %swap3A_907 = arith.constant 96 : index
    %swap3A_908 = tpu.vector_load %arg9[%swap3A_906, %swap3A_907] {strides = array<i32>} : memref<4x128xi32, #tpu.memory_space<vmem>>, vector<1x16xi32>,
    %swap3A_909 = vector.shape_cast %swap3A_908 : vector<1x16xi32> to vector<16xi32>
    %swap3A_910 = vector.shape_cast %add3A_904 : vector<16xi32> to vector<1x16xi32>
    tpu.vector_store %arg9[%swap3A_906, %swap3A_907], %swap3A_910 {strides = array<i32>} : memref<4x128xi32, #tpu.memory_space<vmem>>, vector<1x16xi32>,
    %add3A_911 = arith.addi %add3A_896, %get3A_16 : vector<16xi32>
    %swap3A_912 = arith.constant 3 : i32
    %swap3A_913 = arith.index_cast %swap3A_912 : i32 to index
    %swap3A_914 = arith.constant 96 : index
    %swap3A_915 = tpu.vector_load %arg10[%swap3A_913, %swap3A_914] {strides = array<i32>} : memref<4x128xi32, #tpu.memory_space<vmem>>, vector<1x16xi32>,
    %swap3A_916 = vector.shape_cast %swap3A_915 : vector<1x16xi32> to vector<16xi32>
    %swap3A_917 = vector.shape_cast %add3A_911 : vector<16xi32> to vector<1x16xi32>
    tpu.vector_store %arg10[%swap3A_913, %swap3A_914], %swap3A_917 {strides = array<i32>} : memref<4x128xi32, #tpu.memory_space<vmem>>, vector<1x16xi32>,
    %add3A_918 = arith.constant 384 : i32
    %add3A_919 = arith.addi %mul3A_2, %add3A_918 : i32
    %add3A_920 = arith.constant 112 : i32
    %add3A_921 = arith.addi %add3A_919, %add3A_920 : i32
    %mul3A_922 = arith.constant 1000 : i32
    %mul3A_923 = arith.muli %add3A_921, %mul3A_922 : i32
    %add3A_924 = vector.broadcast %mul3A_923 : i32 to vector<16xi32>
    %add3A_925 = arith.addi %mul3A_19, %add3A_924 : vector<16xi32>
    %add3A_926 = arith.addi %add3A_925, %get3A_6 : vector<16xi32>
    %swap3A_927 = arith.constant 3 : i32
    %swap3A_928 = arith.index_cast %swap3A_927 : i32 to index
    %swap3A_929 = arith.constant 112 : index
    %swap3A_930 = tpu.vector_load %arg8[%swap3A_928, %swap3A_929] {strides = array<i32>} : memref<4x128xi32, #tpu.memory_space<vmem>>, vector<1x16xi32>,
    %swap3A_931 = vector.shape_cast %swap3A_930 : vector<1x16xi32> to vector<16xi32>
    %swap3A_932 = vector.shape_cast %add3A_926 : vector<16xi32> to vector<1x16xi32>
    tpu.vector_store %arg8[%swap3A_928, %swap3A_929], %swap3A_932 {strides = array<i32>} : memref<4x128xi32, #tpu.memory_space<vmem>>, vector<1x16xi32>,
    %add3A_933 = arith.addi %add3A_925, %get3A_11 : vector<16xi32>
    %swap3A_934 = arith.constant 3 : i32
    %swap3A_935 = arith.index_cast %swap3A_934 : i32 to index
    %swap3A_936 = arith.constant 112 : index
    %swap3A_937 = tpu.vector_load %arg9[%swap3A_935, %swap3A_936] {strides = array<i32>} : memref<4x128xi32, #tpu.memory_space<vmem>>, vector<1x16xi32>,
    %swap3A_938 = vector.shape_cast %swap3A_937 : vector<1x16xi32> to vector<16xi32>
    %swap3A_939 = vector.shape_cast %add3A_933 : vector<16xi32> to vector<1x16xi32>
    tpu.vector_store %arg9[%swap3A_935, %swap3A_936], %swap3A_939 {strides = array<i32>} : memref<4x128xi32, #tpu.memory_space<vmem>>, vector<1x16xi32>,
    %add3A_940 = arith.addi %add3A_925, %get3A_16 : vector<16xi32>
    %swap3A_941 = arith.constant 3 : i32
    %swap3A_942 = arith.index_cast %swap3A_941 : i32 to index
    %swap3A_943 = arith.constant 112 : index
    %swap3A_944 = tpu.vector_load %arg10[%swap3A_942, %swap3A_943] {strides = array<i32>} : memref<4x128xi32, #tpu.memory_space<vmem>>, vector<1x16xi32>,
    %swap3A_945 = vector.shape_cast %swap3A_944 : vector<1x16xi32> to vector<16xi32>
    %swap3A_946 = vector.shape_cast %add3A_940 : vector<16xi32> to vector<1x16xi32>
    tpu.vector_store %arg10[%swap3A_942, %swap3A_943], %swap3A_946 {strides = array<i32>} : memref<4x128xi32, #tpu.memory_space<vmem>>, vector<1x16xi32>,
    %dma_start3A = arith.constant 0 : i32
    %dma_start3A_947 = arith.constant 0 : i32
    %dma_start3A_948 = arith.constant 0 : i32
    %dma_start3A_949 = tpu.memref_slice %arg11[%dma_start3A_947, %dma_start3A_948] : memref<4x128xf32, #tpu.memory_space<vmem>> -> memref<1x128xf32, #tpu.memory_space<vmem>>
    %dma_start3A_950 = tpu.memref_squeeze %dma_start3A_949 : memref<1x128xf32, #tpu.memory_space<vmem>> -> memref<128xf32, #tpu.memory_space<vmem>>
    %dma_start3A_951 = arith.constant 0 : i32
    %dma_start3A_952 = tpu.memref_slice %arg8[%dma_start3A, %dma_start3A_951] : memref<4x128xi32, #tpu.memory_space<vmem>> -> memref<1x128xi32, #tpu.memory_space<vmem>>
    %dma_start3A_953 = tpu.memref_squeeze %dma_start3A_952 : memref<1x128xi32, #tpu.memory_space<vmem>> -> memref<128xi32, #tpu.memory_space<vmem>>
    %dma_start3A_954 = arith.constant 0 : i32
    %dma_start3A_955 = tpu.memref_slice %arg2[%dma_start3A_954] : memref<16384000xf32, #tpu.memory_space<hbm>> -> memref<16384000xf32, #tpu.memory_space<hbm>>
    tpu.enqueue_indirect_dma source(%dma_start3A_955 : memref<16384000xf32, #tpu.memory_space<hbm>>) target(%dma_start3A_950 : memref<128xf32, #tpu.memory_space<vmem>>) offsets(%dma_start3A_953 : memref<128xi32, #tpu.memory_space<vmem>>) semaphore(%arg15 : memref<!tpu.dma_semaphore, #tpu.memory_space<semaphore_mem>>)
    %dma_start3A_956 = arith.constant 0 : i32
    %dma_start3A_957 = arith.constant 0 : i32
    %dma_start3A_958 = arith.constant 0 : i32
    %dma_start3A_959 = tpu.memref_slice %arg12[%dma_start3A_957, %dma_start3A_958] : memref<4x128xf32, #tpu.memory_space<vmem>> -> memref<1x128xf32, #tpu.memory_space<vmem>>
    %dma_start3A_960 = tpu.memref_squeeze %dma_start3A_959 : memref<1x128xf32, #tpu.memory_space<vmem>> -> memref<128xf32, #tpu.memory_space<vmem>>
    %dma_start3A_961 = arith.constant 0 : i32
    %dma_start3A_962 = tpu.memref_slice %arg9[%dma_start3A_956, %dma_start3A_961] : memref<4x128xi32, #tpu.memory_space<vmem>> -> memref<1x128xi32, #tpu.memory_space<vmem>>
    %dma_start3A_963 = tpu.memref_squeeze %dma_start3A_962 : memref<1x128xi32, #tpu.memory_space<vmem>> -> memref<128xi32, #tpu.memory_space<vmem>>
    %dma_start3A_964 = arith.constant 0 : i32
    %dma_start3A_965 = tpu.memref_slice %arg3[%dma_start3A_964] : memref<16384000xf32, #tpu.memory_space<hbm>> -> memref<16384000xf32, #tpu.memory_space<hbm>>
    tpu.enqueue_indirect_dma source(%dma_start3A_965 : memref<16384000xf32, #tpu.memory_space<hbm>>) target(%dma_start3A_960 : memref<128xf32, #tpu.memory_space<vmem>>) offsets(%dma_start3A_963 : memref<128xi32, #tpu.memory_space<vmem>>) semaphore(%arg15 : memref<!tpu.dma_semaphore, #tpu.memory_space<semaphore_mem>>)
    %dma_start3A_966 = arith.constant 0 : i32
    %dma_start3A_967 = arith.constant 0 : i32
    %dma_start3A_968 = arith.constant 0 : i32
    %dma_start3A_969 = tpu.memref_slice %arg13[%dma_start3A_967, %dma_start3A_968] : memref<4x128xf32, #tpu.memory_space<vmem>> -> memref<1x128xf32, #tpu.memory_space<vmem>>
    %dma_start3A_970 = tpu.memref_squeeze %dma_start3A_969 : memref<1x128xf32, #tpu.memory_space<vmem>> -> memref<128xf32, #tpu.memory_space<vmem>>
    %dma_start3A_971 = arith.constant 0 : i32
    %dma_start3A_972 = tpu.memref_slice %arg10[%dma_start3A_966, %dma_start3A_971] : memref<4x128xi32, #tpu.memory_space<vmem>> -> memref<1x128xi32, #tpu.memory_space<vmem>>
    %dma_start3A_973 = tpu.memref_squeeze %dma_start3A_972 : memref<1x128xi32, #tpu.memory_space<vmem>> -> memref<128xi32, #tpu.memory_space<vmem>>
    %dma_start3A_974 = arith.constant 0 : i32
    %dma_start3A_975 = tpu.memref_slice %arg4[%dma_start3A_974] : memref<16384000xf32, #tpu.memory_space<hbm>> -> memref<16384000xf32, #tpu.memory_space<hbm>>
    tpu.enqueue_indirect_dma source(%dma_start3A_975 : memref<16384000xf32, #tpu.memory_space<hbm>>) target(%dma_start3A_970 : memref<128xf32, #tpu.memory_space<vmem>>) offsets(%dma_start3A_973 : memref<128xi32, #tpu.memory_space<vmem>>) semaphore(%arg15 : memref<!tpu.dma_semaphore, #tpu.memory_space<semaphore_mem>>)
    %dma_start3A_976 = arith.constant 1 : i32
    %dma_start3A_977 = arith.constant 1 : i32
    %dma_start3A_978 = arith.constant 0 : i32
    %dma_start3A_979 = tpu.memref_slice %arg11[%dma_start3A_977, %dma_start3A_978] : memref<4x128xf32, #tpu.memory_space<vmem>> -> memref<1x128xf32, #tpu.memory_space<vmem>>
    %dma_start3A_980 = tpu.memref_squeeze %dma_start3A_979 : memref<1x128xf32, #tpu.memory_space<vmem>> -> memref<128xf32, #tpu.memory_space<vmem>>
    %dma_start3A_981 = arith.constant 0 : i32
    %dma_start3A_982 = tpu.memref_slice %arg8[%dma_start3A_976, %dma_start3A_981] : memref<4x128xi32, #tpu.memory_space<vmem>> -> memref<1x128xi32, #tpu.memory_space<vmem>>
    %dma_start3A_983 = tpu.memref_squeeze %dma_start3A_982 : memref<1x128xi32, #tpu.memory_space<vmem>> -> memref<128xi32, #tpu.memory_space<vmem>>
    %dma_start3A_984 = arith.constant 0 : i32
    %dma_start3A_985 = tpu.memref_slice %arg2[%dma_start3A_984] : memref<16384000xf32, #tpu.memory_space<hbm>> -> memref<16384000xf32, #tpu.memory_space<hbm>>
    tpu.enqueue_indirect_dma source(%dma_start3A_985 : memref<16384000xf32, #tpu.memory_space<hbm>>) target(%dma_start3A_980 : memref<128xf32, #tpu.memory_space<vmem>>) offsets(%dma_start3A_983 : memref<128xi32, #tpu.memory_space<vmem>>) semaphore(%arg15 : memref<!tpu.dma_semaphore, #tpu.memory_space<semaphore_mem>>)
    %dma_start3A_986 = arith.constant 1 : i32
    %dma_start3A_987 = arith.constant 1 : i32
    %dma_start3A_988 = arith.constant 0 : i32
    %dma_start3A_989 = tpu.memref_slice %arg12[%dma_start3A_987, %dma_start3A_988] : memref<4x128xf32, #tpu.memory_space<vmem>> -> memref<1x128xf32, #tpu.memory_space<vmem>>
    %dma_start3A_990 = tpu.memref_squeeze %dma_start3A_989 : memref<1x128xf32, #tpu.memory_space<vmem>> -> memref<128xf32, #tpu.memory_space<vmem>>
    %dma_start3A_991 = arith.constant 0 : i32
    %dma_start3A_992 = tpu.memref_slice %arg9[%dma_start3A_986, %dma_start3A_991] : memref<4x128xi32, #tpu.memory_space<vmem>> -> memref<1x128xi32, #tpu.memory_space<vmem>>
    %dma_start3A_993 = tpu.memref_squeeze %dma_start3A_992 : memref<1x128xi32, #tpu.memory_space<vmem>> -> memref<128xi32, #tpu.memory_space<vmem>>
    %dma_start3A_994 = arith.constant 0 : i32
    %dma_start3A_995 = tpu.memref_slice %arg3[%dma_start3A_994] : memref<16384000xf32, #tpu.memory_space<hbm>> -> memref<16384000xf32, #tpu.memory_space<hbm>>
    tpu.enqueue_indirect_dma source(%dma_start3A_995 : memref<16384000xf32, #tpu.memory_space<hbm>>) target(%dma_start3A_990 : memref<128xf32, #tpu.memory_space<vmem>>) offsets(%dma_start3A_993 : memref<128xi32, #tpu.memory_space<vmem>>) semaphore(%arg15 : memref<!tpu.dma_semaphore, #tpu.memory_space<semaphore_mem>>)
    %dma_start3A_996 = arith.constant 1 : i32
    %dma_start3A_997 = arith.constant 1 : i32
    %dma_start3A_998 = arith.constant 0 : i32
    %dma_start3A_999 = tpu.memref_slice %arg13[%dma_start3A_997, %dma_start3A_998] : memref<4x128xf32, #tpu.memory_space<vmem>> -> memref<1x128xf32, #tpu.memory_space<vmem>>
    %dma_start3A_1000 = tpu.memref_squeeze %dma_start3A_999 : memref<1x128xf32, #tpu.memory_space<vmem>> -> memref<128xf32, #tpu.memory_space<vmem>>
    %dma_start3A_1001 = arith.constant 0 : i32
    %dma_start3A_1002 = tpu.memref_slice %arg10[%dma_start3A_996, %dma_start3A_1001] : memref<4x128xi32, #tpu.memory_space<vmem>> -> memref<1x128xi32, #tpu.memory_space<vmem>>
    %dma_start3A_1003 = tpu.memref_squeeze %dma_start3A_1002 : memref<1x128xi32, #tpu.memory_space<vmem>> -> memref<128xi32, #tpu.memory_space<vmem>>
    %dma_start3A_1004 = arith.constant 0 : i32
    %dma_start3A_1005 = tpu.memref_slice %arg4[%dma_start3A_1004] : memref<16384000xf32, #tpu.memory_space<hbm>> -> memref<16384000xf32, #tpu.memory_space<hbm>>
    tpu.enqueue_indirect_dma source(%dma_start3A_1005 : memref<16384000xf32, #tpu.memory_space<hbm>>) target(%dma_start3A_1000 : memref<128xf32, #tpu.memory_space<vmem>>) offsets(%dma_start3A_1003 : memref<128xi32, #tpu.memory_space<vmem>>) semaphore(%arg15 : memref<!tpu.dma_semaphore, #tpu.memory_space<semaphore_mem>>)
    %dma_start3A_1006 = arith.constant 2 : i32
    %dma_start3A_1007 = arith.constant 2 : i32
    %dma_start3A_1008 = arith.constant 0 : i32
    %dma_start3A_1009 = tpu.memref_slice %arg11[%dma_start3A_1007, %dma_start3A_1008] : memref<4x128xf32, #tpu.memory_space<vmem>> -> memref<1x128xf32, #tpu.memory_space<vmem>>
    %dma_start3A_1010 = tpu.memref_squeeze %dma_start3A_1009 : memref<1x128xf32, #tpu.memory_space<vmem>> -> memref<128xf32, #tpu.memory_space<vmem>>
    %dma_start3A_1011 = arith.constant 0 : i32
    %dma_start3A_1012 = tpu.memref_slice %arg8[%dma_start3A_1006, %dma_start3A_1011] : memref<4x128xi32, #tpu.memory_space<vmem>> -> memref<1x128xi32, #tpu.memory_space<vmem>>
    %dma_start3A_1013 = tpu.memref_squeeze %dma_start3A_1012 : memref<1x128xi32, #tpu.memory_space<vmem>> -> memref<128xi32, #tpu.memory_space<vmem>>
    %dma_start3A_1014 = arith.constant 0 : i32
    %dma_start3A_1015 = tpu.memref_slice %arg2[%dma_start3A_1014] : memref<16384000xf32, #tpu.memory_space<hbm>> -> memref<16384000xf32, #tpu.memory_space<hbm>>
    tpu.enqueue_indirect_dma source(%dma_start3A_1015 : memref<16384000xf32, #tpu.memory_space<hbm>>) target(%dma_start3A_1010 : memref<128xf32, #tpu.memory_space<vmem>>) offsets(%dma_start3A_1013 : memref<128xi32, #tpu.memory_space<vmem>>) semaphore(%arg15 : memref<!tpu.dma_semaphore, #tpu.memory_space<semaphore_mem>>)
    %dma_start3A_1016 = arith.constant 2 : i32
    %dma_start3A_1017 = arith.constant 2 : i32
    %dma_start3A_1018 = arith.constant 0 : i32
    %dma_start3A_1019 = tpu.memref_slice %arg12[%dma_start3A_1017, %dma_start3A_1018] : memref<4x128xf32, #tpu.memory_space<vmem>> -> memref<1x128xf32, #tpu.memory_space<vmem>>
    %dma_start3A_1020 = tpu.memref_squeeze %dma_start3A_1019 : memref<1x128xf32, #tpu.memory_space<vmem>> -> memref<128xf32, #tpu.memory_space<vmem>>
    %dma_start3A_1021 = arith.constant 0 : i32
    %dma_start3A_1022 = tpu.memref_slice %arg9[%dma_start3A_1016, %dma_start3A_1021] : memref<4x128xi32, #tpu.memory_space<vmem>> -> memref<1x128xi32, #tpu.memory_space<vmem>>
    %dma_start3A_1023 = tpu.memref_squeeze %dma_start3A_1022 : memref<1x128xi32, #tpu.memory_space<vmem>> -> memref<128xi32, #tpu.memory_space<vmem>>
    %dma_start3A_1024 = arith.constant 0 : i32
    %dma_start3A_1025 = tpu.memref_slice %arg3[%dma_start3A_1024] : memref<16384000xf32, #tpu.memory_space<hbm>> -> memref<16384000xf32, #tpu.memory_space<hbm>>
    tpu.enqueue_indirect_dma source(%dma_start3A_1025 : memref<16384000xf32, #tpu.memory_space<hbm>>) target(%dma_start3A_1020 : memref<128xf32, #tpu.memory_space<vmem>>) offsets(%dma_start3A_1023 : memref<128xi32, #tpu.memory_space<vmem>>) semaphore(%arg15 : memref<!tpu.dma_semaphore, #tpu.memory_space<semaphore_mem>>)
    %dma_start3A_1026 = arith.constant 2 : i32
    %dma_start3A_1027 = arith.constant 2 : i32
    %dma_start3A_1028 = arith.constant 0 : i32
    %dma_start3A_1029 = tpu.memref_slice %arg13[%dma_start3A_1027, %dma_start3A_1028] : memref<4x128xf32, #tpu.memory_space<vmem>> -> memref<1x128xf32, #tpu.memory_space<vmem>>
    %dma_start3A_1030 = tpu.memref_squeeze %dma_start3A_1029 : memref<1x128xf32, #tpu.memory_space<vmem>> -> memref<128xf32, #tpu.memory_space<vmem>>
    %dma_start3A_1031 = arith.constant 0 : i32
    %dma_start3A_1032 = tpu.memref_slice %arg10[%dma_start3A_1026, %dma_start3A_1031] : memref<4x128xi32, #tpu.memory_space<vmem>> -> memref<1x128xi32, #tpu.memory_space<vmem>>
    %dma_start3A_1033 = tpu.memref_squeeze %dma_start3A_1032 : memref<1x128xi32, #tpu.memory_space<vmem>> -> memref<128xi32, #tpu.memory_space<vmem>>
    %dma_start3A_1034 = arith.constant 0 : i32
    %dma_start3A_1035 = tpu.memref_slice %arg4[%dma_start3A_1034] : memref<16384000xf32, #tpu.memory_space<hbm>> -> memref<16384000xf32, #tpu.memory_space<hbm>>
    tpu.enqueue_indirect_dma source(%dma_start3A_1035 : memref<16384000xf32, #tpu.memory_space<hbm>>) target(%dma_start3A_1030 : memref<128xf32, #tpu.memory_space<vmem>>) offsets(%dma_start3A_1033 : memref<128xi32, #tpu.memory_space<vmem>>) semaphore(%arg15 : memref<!tpu.dma_semaphore, #tpu.memory_space<semaphore_mem>>)
    %dma_start3A_1036 = arith.constant 3 : i32
    %dma_start3A_1037 = arith.constant 3 : i32
    %dma_start3A_1038 = arith.constant 0 : i32
    %dma_start3A_1039 = tpu.memref_slice %arg11[%dma_start3A_1037, %dma_start3A_1038] : memref<4x128xf32, #tpu.memory_space<vmem>> -> memref<1x128xf32, #tpu.memory_space<vmem>>
    %dma_start3A_1040 = tpu.memref_squeeze %dma_start3A_1039 : memref<1x128xf32, #tpu.memory_space<vmem>> -> memref<128xf32, #tpu.memory_space<vmem>>
    %dma_start3A_1041 = arith.constant 0 : i32
    %dma_start3A_1042 = tpu.memref_slice %arg8[%dma_start3A_1036, %dma_start3A_1041] : memref<4x128xi32, #tpu.memory_space<vmem>> -> memref<1x128xi32, #tpu.memory_space<vmem>>
    %dma_start3A_1043 = tpu.memref_squeeze %dma_start3A_1042 : memref<1x128xi32, #tpu.memory_space<vmem>> -> memref<128xi32, #tpu.memory_space<vmem>>
    %dma_start3A_1044 = arith.constant 0 : i32
    %dma_start3A_1045 = tpu.memref_slice %arg2[%dma_start3A_1044] : memref<16384000xf32, #tpu.memory_space<hbm>> -> memref<16384000xf32, #tpu.memory_space<hbm>>
    tpu.enqueue_indirect_dma source(%dma_start3A_1045 : memref<16384000xf32, #tpu.memory_space<hbm>>) target(%dma_start3A_1040 : memref<128xf32, #tpu.memory_space<vmem>>) offsets(%dma_start3A_1043 : memref<128xi32, #tpu.memory_space<vmem>>) semaphore(%arg15 : memref<!tpu.dma_semaphore, #tpu.memory_space<semaphore_mem>>)
    %dma_start3A_1046 = arith.constant 3 : i32
    %dma_start3A_1047 = arith.constant 3 : i32
    %dma_start3A_1048 = arith.constant 0 : i32
    %dma_start3A_1049 = tpu.memref_slice %arg12[%dma_start3A_1047, %dma_start3A_1048] : memref<4x128xf32, #tpu.memory_space<vmem>> -> memref<1x128xf32, #tpu.memory_space<vmem>>
    %dma_start3A_1050 = tpu.memref_squeeze %dma_start3A_1049 : memref<1x128xf32, #tpu.memory_space<vmem>> -> memref<128xf32, #tpu.memory_space<vmem>>
    %dma_start3A_1051 = arith.constant 0 : i32
    %dma_start3A_1052 = tpu.memref_slice %arg9[%dma_start3A_1046, %dma_start3A_1051] : memref<4x128xi32, #tpu.memory_space<vmem>> -> memref<1x128xi32, #tpu.memory_space<vmem>>
    %dma_start3A_1053 = tpu.memref_squeeze %dma_start3A_1052 : memref<1x128xi32, #tpu.memory_space<vmem>> -> memref<128xi32, #tpu.memory_space<vmem>>
    %dma_start3A_1054 = arith.constant 0 : i32
    %dma_start3A_1055 = tpu.memref_slice %arg3[%dma_start3A_1054] : memref<16384000xf32, #tpu.memory_space<hbm>> -> memref<16384000xf32, #tpu.memory_space<hbm>>
    tpu.enqueue_indirect_dma source(%dma_start3A_1055 : memref<16384000xf32, #tpu.memory_space<hbm>>) target(%dma_start3A_1050 : memref<128xf32, #tpu.memory_space<vmem>>) offsets(%dma_start3A_1053 : memref<128xi32, #tpu.memory_space<vmem>>) semaphore(%arg15 : memref<!tpu.dma_semaphore, #tpu.memory_space<semaphore_mem>>)
    %dma_start3A_1056 = arith.constant 3 : i32
    %dma_start3A_1057 = arith.constant 3 : i32
    %dma_start3A_1058 = arith.constant 0 : i32
    %dma_start3A_1059 = tpu.memref_slice %arg13[%dma_start3A_1057, %dma_start3A_1058] : memref<4x128xf32, #tpu.memory_space<vmem>> -> memref<1x128xf32, #tpu.memory_space<vmem>>
    %dma_start3A_1060 = tpu.memref_squeeze %dma_start3A_1059 : memref<1x128xf32, #tpu.memory_space<vmem>> -> memref<128xf32, #tpu.memory_space<vmem>>
    %dma_start3A_1061 = arith.constant 0 : i32
    %dma_start3A_1062 = tpu.memref_slice %arg10[%dma_start3A_1056, %dma_start3A_1061] : memref<4x128xi32, #tpu.memory_space<vmem>> -> memref<1x128xi32, #tpu.memory_space<vmem>>
    %dma_start3A_1063 = tpu.memref_squeeze %dma_start3A_1062 : memref<1x128xi32, #tpu.memory_space<vmem>> -> memref<128xi32, #tpu.memory_space<vmem>>
    %dma_start3A_1064 = arith.constant 0 : i32
    %dma_start3A_1065 = tpu.memref_slice %arg4[%dma_start3A_1064] : memref<16384000xf32, #tpu.memory_space<hbm>> -> memref<16384000xf32, #tpu.memory_space<hbm>>
    tpu.enqueue_indirect_dma source(%dma_start3A_1065 : memref<16384000xf32, #tpu.memory_space<hbm>>) target(%dma_start3A_1060 : memref<128xf32, #tpu.memory_space<vmem>>) offsets(%dma_start3A_1063 : memref<128xi32, #tpu.memory_space<vmem>>) semaphore(%arg15 : memref<!tpu.dma_semaphore, #tpu.memory_space<semaphore_mem>>)
    %dma_wait3A = arith.constant 0 : i32
    %dma_wait3A_1066 = arith.constant 0 : i32
    %dma_wait3A_1067 = arith.constant 0 : i32
    %dma_wait3A_1068 = tpu.memref_slice %arg11[%dma_wait3A_1066, %dma_wait3A_1067] : memref<4x128xf32, #tpu.memory_space<vmem>> -> memref<1x128xf32, #tpu.memory_space<vmem>>
    %dma_wait3A_1069 = tpu.memref_squeeze %dma_wait3A_1068 : memref<1x128xf32, #tpu.memory_space<vmem>> -> memref<128xf32, #tpu.memory_space<vmem>>
    %dma_wait3A_1070 = arith.constant 0 : i32
    %dma_wait3A_1071 = tpu.memref_slice %arg8[%dma_wait3A, %dma_wait3A_1070] : memref<4x128xi32, #tpu.memory_space<vmem>> -> memref<1x128xi32, #tpu.memory_space<vmem>>
    %dma_wait3A_1072 = tpu.memref_squeeze %dma_wait3A_1071 : memref<1x128xi32, #tpu.memory_space<vmem>> -> memref<128xi32, #tpu.memory_space<vmem>>
    %dma_wait3A_1073 = arith.constant 0 : i32
    %dma_wait3A_1074 = tpu.memref_slice %arg2[%dma_wait3A_1073] : memref<16384000xf32, #tpu.memory_space<hbm>> -> memref<16384000xf32, #tpu.memory_space<hbm>>
    tpu.wait_indirect_dma semaphore(%arg15 : memref<!tpu.dma_semaphore, #tpu.memory_space<semaphore_mem>>) src(%dma_wait3A_1074 : memref<16384000xf32, #tpu.memory_space<hbm>>) dst(%dma_wait3A_1069 : memref<128xf32, #tpu.memory_space<vmem>>)
    %dma_wait3A_1075 = arith.constant 0 : i32
    %dma_wait3A_1076 = arith.constant 0 : i32
    %dma_wait3A_1077 = arith.constant 0 : i32
    %dma_wait3A_1078 = tpu.memref_slice %arg12[%dma_wait3A_1076, %dma_wait3A_1077] : memref<4x128xf32, #tpu.memory_space<vmem>> -> memref<1x128xf32, #tpu.memory_space<vmem>>
    %dma_wait3A_1079 = tpu.memref_squeeze %dma_wait3A_1078 : memref<1x128xf32, #tpu.memory_space<vmem>> -> memref<128xf32, #tpu.memory_space<vmem>>
    %dma_wait3A_1080 = arith.constant 0 : i32
    %dma_wait3A_1081 = tpu.memref_slice %arg9[%dma_wait3A_1075, %dma_wait3A_1080] : memref<4x128xi32, #tpu.memory_space<vmem>> -> memref<1x128xi32, #tpu.memory_space<vmem>>
    %dma_wait3A_1082 = tpu.memref_squeeze %dma_wait3A_1081 : memref<1x128xi32, #tpu.memory_space<vmem>> -> memref<128xi32, #tpu.memory_space<vmem>>
    %dma_wait3A_1083 = arith.constant 0 : i32
    %dma_wait3A_1084 = tpu.memref_slice %arg3[%dma_wait3A_1083] : memref<16384000xf32, #tpu.memory_space<hbm>> -> memref<16384000xf32, #tpu.memory_space<hbm>>
    tpu.wait_indirect_dma semaphore(%arg15 : memref<!tpu.dma_semaphore, #tpu.memory_space<semaphore_mem>>) src(%dma_wait3A_1084 : memref<16384000xf32, #tpu.memory_space<hbm>>) dst(%dma_wait3A_1079 : memref<128xf32, #tpu.memory_space<vmem>>)
    %dma_wait3A_1085 = arith.constant 0 : i32
    %dma_wait3A_1086 = arith.constant 0 : i32
    %dma_wait3A_1087 = arith.constant 0 : i32
    %dma_wait3A_1088 = tpu.memref_slice %arg13[%dma_wait3A_1086, %dma_wait3A_1087] : memref<4x128xf32, #tpu.memory_space<vmem>> -> memref<1x128xf32, #tpu.memory_space<vmem>>
    %dma_wait3A_1089 = tpu.memref_squeeze %dma_wait3A_1088 : memref<1x128xf32, #tpu.memory_space<vmem>> -> memref<128xf32, #tpu.memory_space<vmem>>
    %dma_wait3A_1090 = arith.constant 0 : i32
    %dma_wait3A_1091 = tpu.memref_slice %arg10[%dma_wait3A_1085, %dma_wait3A_1090] : memref<4x128xi32, #tpu.memory_space<vmem>> -> memref<1x128xi32, #tpu.memory_space<vmem>>
    %dma_wait3A_1092 = tpu.memref_squeeze %dma_wait3A_1091 : memref<1x128xi32, #tpu.memory_space<vmem>> -> memref<128xi32, #tpu.memory_space<vmem>>
    %dma_wait3A_1093 = arith.constant 0 : i32
    %dma_wait3A_1094 = tpu.memref_slice %arg4[%dma_wait3A_1093] : memref<16384000xf32, #tpu.memory_space<hbm>> -> memref<16384000xf32, #tpu.memory_space<hbm>>
    tpu.wait_indirect_dma semaphore(%arg15 : memref<!tpu.dma_semaphore, #tpu.memory_space<semaphore_mem>>) src(%dma_wait3A_1094 : memref<16384000xf32, #tpu.memory_space<hbm>>) dst(%dma_wait3A_1089 : memref<128xf32, #tpu.memory_space<vmem>>)
    %dma_wait3A_1095 = arith.constant 1 : i32
    %dma_wait3A_1096 = arith.constant 1 : i32
    %dma_wait3A_1097 = arith.constant 0 : i32
    %dma_wait3A_1098 = tpu.memref_slice %arg11[%dma_wait3A_1096, %dma_wait3A_1097] : memref<4x128xf32, #tpu.memory_space<vmem>> -> memref<1x128xf32, #tpu.memory_space<vmem>>
    %dma_wait3A_1099 = tpu.memref_squeeze %dma_wait3A_1098 : memref<1x128xf32, #tpu.memory_space<vmem>> -> memref<128xf32, #tpu.memory_space<vmem>>
    %dma_wait3A_1100 = arith.constant 0 : i32
    %dma_wait3A_1101 = tpu.memref_slice %arg8[%dma_wait3A_1095, %dma_wait3A_1100] : memref<4x128xi32, #tpu.memory_space<vmem>> -> memref<1x128xi32, #tpu.memory_space<vmem>>
    %dma_wait3A_1102 = tpu.memref_squeeze %dma_wait3A_1101 : memref<1x128xi32, #tpu.memory_space<vmem>> -> memref<128xi32, #tpu.memory_space<vmem>>
    %dma_wait3A_1103 = arith.constant 0 : i32
    %dma_wait3A_1104 = tpu.memref_slice %arg2[%dma_wait3A_1103] : memref<16384000xf32, #tpu.memory_space<hbm>> -> memref<16384000xf32, #tpu.memory_space<hbm>>
    tpu.wait_indirect_dma semaphore(%arg15 : memref<!tpu.dma_semaphore, #tpu.memory_space<semaphore_mem>>) src(%dma_wait3A_1104 : memref<16384000xf32, #tpu.memory_space<hbm>>) dst(%dma_wait3A_1099 : memref<128xf32, #tpu.memory_space<vmem>>)
    %dma_wait3A_1105 = arith.constant 1 : i32
    %dma_wait3A_1106 = arith.constant 1 : i32
    %dma_wait3A_1107 = arith.constant 0 : i32
    %dma_wait3A_1108 = tpu.memref_slice %arg12[%dma_wait3A_1106, %dma_wait3A_1107] : memref<4x128xf32, #tpu.memory_space<vmem>> -> memref<1x128xf32, #tpu.memory_space<vmem>>
    %dma_wait3A_1109 = tpu.memref_squeeze %dma_wait3A_1108 : memref<1x128xf32, #tpu.memory_space<vmem>> -> memref<128xf32, #tpu.memory_space<vmem>>
    %dma_wait3A_1110 = arith.constant 0 : i32
    %dma_wait3A_1111 = tpu.memref_slice %arg9[%dma_wait3A_1105, %dma_wait3A_1110] : memref<4x128xi32, #tpu.memory_space<vmem>> -> memref<1x128xi32, #tpu.memory_space<vmem>>
    %dma_wait3A_1112 = tpu.memref_squeeze %dma_wait3A_1111 : memref<1x128xi32, #tpu.memory_space<vmem>> -> memref<128xi32, #tpu.memory_space<vmem>>
    %dma_wait3A_1113 = arith.constant 0 : i32
    %dma_wait3A_1114 = tpu.memref_slice %arg3[%dma_wait3A_1113] : memref<16384000xf32, #tpu.memory_space<hbm>> -> memref<16384000xf32, #tpu.memory_space<hbm>>
    tpu.wait_indirect_dma semaphore(%arg15 : memref<!tpu.dma_semaphore, #tpu.memory_space<semaphore_mem>>) src(%dma_wait3A_1114 : memref<16384000xf32, #tpu.memory_space<hbm>>) dst(%dma_wait3A_1109 : memref<128xf32, #tpu.memory_space<vmem>>)
    %dma_wait3A_1115 = arith.constant 1 : i32
    %dma_wait3A_1116 = arith.constant 1 : i32
    %dma_wait3A_1117 = arith.constant 0 : i32
    %dma_wait3A_1118 = tpu.memref_slice %arg13[%dma_wait3A_1116, %dma_wait3A_1117] : memref<4x128xf32, #tpu.memory_space<vmem>> -> memref<1x128xf32, #tpu.memory_space<vmem>>
    %dma_wait3A_1119 = tpu.memref_squeeze %dma_wait3A_1118 : memref<1x128xf32, #tpu.memory_space<vmem>> -> memref<128xf32, #tpu.memory_space<vmem>>
    %dma_wait3A_1120 = arith.constant 0 : i32
    %dma_wait3A_1121 = tpu.memref_slice %arg10[%dma_wait3A_1115, %dma_wait3A_1120] : memref<4x128xi32, #tpu.memory_space<vmem>> -> memref<1x128xi32, #tpu.memory_space<vmem>>
    %dma_wait3A_1122 = tpu.memref_squeeze %dma_wait3A_1121 : memref<1x128xi32, #tpu.memory_space<vmem>> -> memref<128xi32, #tpu.memory_space<vmem>>
    %dma_wait3A_1123 = arith.constant 0 : i32
    %dma_wait3A_1124 = tpu.memref_slice %arg4[%dma_wait3A_1123] : memref<16384000xf32, #tpu.memory_space<hbm>> -> memref<16384000xf32, #tpu.memory_space<hbm>>
    tpu.wait_indirect_dma semaphore(%arg15 : memref<!tpu.dma_semaphore, #tpu.memory_space<semaphore_mem>>) src(%dma_wait3A_1124 : memref<16384000xf32, #tpu.memory_space<hbm>>) dst(%dma_wait3A_1119 : memref<128xf32, #tpu.memory_space<vmem>>)
    %dma_wait3A_1125 = arith.constant 2 : i32
    %dma_wait3A_1126 = arith.constant 2 : i32
    %dma_wait3A_1127 = arith.constant 0 : i32
    %dma_wait3A_1128 = tpu.memref_slice %arg11[%dma_wait3A_1126, %dma_wait3A_1127] : memref<4x128xf32, #tpu.memory_space<vmem>> -> memref<1x128xf32, #tpu.memory_space<vmem>>
    %dma_wait3A_1129 = tpu.memref_squeeze %dma_wait3A_1128 : memref<1x128xf32, #tpu.memory_space<vmem>> -> memref<128xf32, #tpu.memory_space<vmem>>
    %dma_wait3A_1130 = arith.constant 0 : i32
    %dma_wait3A_1131 = tpu.memref_slice %arg8[%dma_wait3A_1125, %dma_wait3A_1130] : memref<4x128xi32, #tpu.memory_space<vmem>> -> memref<1x128xi32, #tpu.memory_space<vmem>>
    %dma_wait3A_1132 = tpu.memref_squeeze %dma_wait3A_1131 : memref<1x128xi32, #tpu.memory_space<vmem>> -> memref<128xi32, #tpu.memory_space<vmem>>
    %dma_wait3A_1133 = arith.constant 0 : i32
    %dma_wait3A_1134 = tpu.memref_slice %arg2[%dma_wait3A_1133] : memref<16384000xf32, #tpu.memory_space<hbm>> -> memref<16384000xf32, #tpu.memory_space<hbm>>
    tpu.wait_indirect_dma semaphore(%arg15 : memref<!tpu.dma_semaphore, #tpu.memory_space<semaphore_mem>>) src(%dma_wait3A_1134 : memref<16384000xf32, #tpu.memory_space<hbm>>) dst(%dma_wait3A_1129 : memref<128xf32, #tpu.memory_space<vmem>>)
    %dma_wait3A_1135 = arith.constant 2 : i32
    %dma_wait3A_1136 = arith.constant 2 : i32
    %dma_wait3A_1137 = arith.constant 0 : i32
    %dma_wait3A_1138 = tpu.memref_slice %arg12[%dma_wait3A_1136, %dma_wait3A_1137] : memref<4x128xf32, #tpu.memory_space<vmem>> -> memref<1x128xf32, #tpu.memory_space<vmem>>
    %dma_wait3A_1139 = tpu.memref_squeeze %dma_wait3A_1138 : memref<1x128xf32, #tpu.memory_space<vmem>> -> memref<128xf32, #tpu.memory_space<vmem>>
    %dma_wait3A_1140 = arith.constant 0 : i32
    %dma_wait3A_1141 = tpu.memref_slice %arg9[%dma_wait3A_1135, %dma_wait3A_1140] : memref<4x128xi32, #tpu.memory_space<vmem>> -> memref<1x128xi32, #tpu.memory_space<vmem>>
    %dma_wait3A_1142 = tpu.memref_squeeze %dma_wait3A_1141 : memref<1x128xi32, #tpu.memory_space<vmem>> -> memref<128xi32, #tpu.memory_space<vmem>>
    %dma_wait3A_1143 = arith.constant 0 : i32
    %dma_wait3A_1144 = tpu.memref_slice %arg3[%dma_wait3A_1143] : memref<16384000xf32, #tpu.memory_space<hbm>> -> memref<16384000xf32, #tpu.memory_space<hbm>>
    tpu.wait_indirect_dma semaphore(%arg15 : memref<!tpu.dma_semaphore, #tpu.memory_space<semaphore_mem>>) src(%dma_wait3A_1144 : memref<16384000xf32, #tpu.memory_space<hbm>>) dst(%dma_wait3A_1139 : memref<128xf32, #tpu.memory_space<vmem>>)
    %dma_wait3A_1145 = arith.constant 2 : i32
    %dma_wait3A_1146 = arith.constant 2 : i32
    %dma_wait3A_1147 = arith.constant 0 : i32
    %dma_wait3A_1148 = tpu.memref_slice %arg13[%dma_wait3A_1146, %dma_wait3A_1147] : memref<4x128xf32, #tpu.memory_space<vmem>> -> memref<1x128xf32, #tpu.memory_space<vmem>>
    %dma_wait3A_1149 = tpu.memref_squeeze %dma_wait3A_1148 : memref<1x128xf32, #tpu.memory_space<vmem>> -> memref<128xf32, #tpu.memory_space<vmem>>
    %dma_wait3A_1150 = arith.constant 0 : i32
    %dma_wait3A_1151 = tpu.memref_slice %arg10[%dma_wait3A_1145, %dma_wait3A_1150] : memref<4x128xi32, #tpu.memory_space<vmem>> -> memref<1x128xi32, #tpu.memory_space<vmem>>
    %dma_wait3A_1152 = tpu.memref_squeeze %dma_wait3A_1151 : memref<1x128xi32, #tpu.memory_space<vmem>> -> memref<128xi32, #tpu.memory_space<vmem>>
    %dma_wait3A_1153 = arith.constant 0 : i32
    %dma_wait3A_1154 = tpu.memref_slice %arg4[%dma_wait3A_1153] : memref<16384000xf32, #tpu.memory_space<hbm>> -> memref<16384000xf32, #tpu.memory_space<hbm>>
    tpu.wait_indirect_dma semaphore(%arg15 : memref<!tpu.dma_semaphore, #tpu.memory_space<semaphore_mem>>) src(%dma_wait3A_1154 : memref<16384000xf32, #tpu.memory_space<hbm>>) dst(%dma_wait3A_1149 : memref<128xf32, #tpu.memory_space<vmem>>)
    %dma_wait3A_1155 = arith.constant 3 : i32
    %dma_wait3A_1156 = arith.constant 3 : i32
    %dma_wait3A_1157 = arith.constant 0 : i32
    %dma_wait3A_1158 = tpu.memref_slice %arg11[%dma_wait3A_1156, %dma_wait3A_1157] : memref<4x128xf32, #tpu.memory_space<vmem>> -> memref<1x128xf32, #tpu.memory_space<vmem>>
    %dma_wait3A_1159 = tpu.memref_squeeze %dma_wait3A_1158 : memref<1x128xf32, #tpu.memory_space<vmem>> -> memref<128xf32, #tpu.memory_space<vmem>>
    %dma_wait3A_1160 = arith.constant 0 : i32
    %dma_wait3A_1161 = tpu.memref_slice %arg8[%dma_wait3A_1155, %dma_wait3A_1160] : memref<4x128xi32, #tpu.memory_space<vmem>> -> memref<1x128xi32, #tpu.memory_space<vmem>>
    %dma_wait3A_1162 = tpu.memref_squeeze %dma_wait3A_1161 : memref<1x128xi32, #tpu.memory_space<vmem>> -> memref<128xi32, #tpu.memory_space<vmem>>
    %dma_wait3A_1163 = arith.constant 0 : i32
    %dma_wait3A_1164 = tpu.memref_slice %arg2[%dma_wait3A_1163] : memref<16384000xf32, #tpu.memory_space<hbm>> -> memref<16384000xf32, #tpu.memory_space<hbm>>
    tpu.wait_indirect_dma semaphore(%arg15 : memref<!tpu.dma_semaphore, #tpu.memory_space<semaphore_mem>>) src(%dma_wait3A_1164 : memref<16384000xf32, #tpu.memory_space<hbm>>) dst(%dma_wait3A_1159 : memref<128xf32, #tpu.memory_space<vmem>>)
    %dma_wait3A_1165 = arith.constant 3 : i32
    %dma_wait3A_1166 = arith.constant 3 : i32
    %dma_wait3A_1167 = arith.constant 0 : i32
    %dma_wait3A_1168 = tpu.memref_slice %arg12[%dma_wait3A_1166, %dma_wait3A_1167] : memref<4x128xf32, #tpu.memory_space<vmem>> -> memref<1x128xf32, #tpu.memory_space<vmem>>
    %dma_wait3A_1169 = tpu.memref_squeeze %dma_wait3A_1168 : memref<1x128xf32, #tpu.memory_space<vmem>> -> memref<128xf32, #tpu.memory_space<vmem>>
    %dma_wait3A_1170 = arith.constant 0 : i32
    %dma_wait3A_1171 = tpu.memref_slice %arg9[%dma_wait3A_1165, %dma_wait3A_1170] : memref<4x128xi32, #tpu.memory_space<vmem>> -> memref<1x128xi32, #tpu.memory_space<vmem>>
    %dma_wait3A_1172 = tpu.memref_squeeze %dma_wait3A_1171 : memref<1x128xi32, #tpu.memory_space<vmem>> -> memref<128xi32, #tpu.memory_space<vmem>>
    %dma_wait3A_1173 = arith.constant 0 : i32
    %dma_wait3A_1174 = tpu.memref_slice %arg3[%dma_wait3A_1173] : memref<16384000xf32, #tpu.memory_space<hbm>> -> memref<16384000xf32, #tpu.memory_space<hbm>>
    tpu.wait_indirect_dma semaphore(%arg15 : memref<!tpu.dma_semaphore, #tpu.memory_space<semaphore_mem>>) src(%dma_wait3A_1174 : memref<16384000xf32, #tpu.memory_space<hbm>>) dst(%dma_wait3A_1169 : memref<128xf32, #tpu.memory_space<vmem>>)
    %dma_wait3A_1175 = arith.constant 3 : i32
    %dma_wait3A_1176 = arith.constant 3 : i32
    %dma_wait3A_1177 = arith.constant 0 : i32
    %dma_wait3A_1178 = tpu.memref_slice %arg13[%dma_wait3A_1176, %dma_wait3A_1177] : memref<4x128xf32, #tpu.memory_space<vmem>> -> memref<1x128xf32, #tpu.memory_space<vmem>>
    %dma_wait3A_1179 = tpu.memref_squeeze %dma_wait3A_1178 : memref<1x128xf32, #tpu.memory_space<vmem>> -> memref<128xf32, #tpu.memory_space<vmem>>
    %dma_wait3A_1180 = arith.constant 0 : i32
    %dma_wait3A_1181 = tpu.memref_slice %arg10[%dma_wait3A_1175, %dma_wait3A_1180] : memref<4x128xi32, #tpu.memory_space<vmem>> -> memref<1x128xi32, #tpu.memory_space<vmem>>
    %dma_wait3A_1182 = tpu.memref_squeeze %dma_wait3A_1181 : memref<1x128xi32, #tpu.memory_space<vmem>> -> memref<128xi32, #tpu.memory_space<vmem>>
    %dma_wait3A_1183 = arith.constant 0 : i32
    %dma_wait3A_1184 = tpu.memref_slice %arg4[%dma_wait3A_1183] : memref<16384000xf32, #tpu.memory_space<hbm>> -> memref<16384000xf32, #tpu.memory_space<hbm>>
    tpu.wait_indirect_dma semaphore(%arg15 : memref<!tpu.dma_semaphore, #tpu.memory_space<semaphore_mem>>) src(%dma_wait3A_1184 : memref<16384000xf32, #tpu.memory_space<hbm>>) dst(%dma_wait3A_1179 : memref<128xf32, #tpu.memory_space<vmem>>)
    %get3A_1185 = arith.constant 0 : i32
    %get3A_1186 = arith.index_cast %get3A_1185 : i32 to index
    %get3A_1187 = arith.constant 0 : index
    %get3A_1188 = tpu.vector_load %arg11[%get3A_1186, %get3A_1187] {strides = array<i32>} : memref<4x128xf32, #tpu.memory_space<vmem>>, vector<1x16xf32>,
    %get3A_1189 = vector.shape_cast %get3A_1188 : vector<1x16xf32> to vector<16xf32>
    %get3A_1190 = arith.constant 0 : i32
    %get3A_1191 = arith.index_cast %get3A_1190 : i32 to index
    %get3A_1192 = arith.constant 0 : index
    %get3A_1193 = tpu.vector_load %arg12[%get3A_1191, %get3A_1192] {strides = array<i32>} : memref<4x128xf32, #tpu.memory_space<vmem>>, vector<1x16xf32>,
    %get3A_1194 = vector.shape_cast %get3A_1193 : vector<1x16xf32> to vector<16xf32>
    %add3A_1195 = arith.addf %get3A_1189, %get3A_1194 : vector<16xf32>
    %get3A_1196 = arith.constant 0 : i32
    %get3A_1197 = arith.index_cast %get3A_1196 : i32 to index
    %get3A_1198 = arith.constant 0 : index
    %get3A_1199 = tpu.vector_load %arg13[%get3A_1197, %get3A_1198] {strides = array<i32>} : memref<4x128xf32, #tpu.memory_space<vmem>>, vector<1x16xf32>,
    %get3A_1200 = vector.shape_cast %get3A_1199 : vector<1x16xf32> to vector<16xf32>
    %sub3A = arith.subf %add3A_1195, %get3A_1200 : vector<16xf32>
    %max3A = arith.constant 0.000000e+00 : f32
    %max3A_1201 = vector.broadcast %max3A : f32 to vector<16xf32>
    %max3A_1202 = arith.maximumf %sub3A, %max3A_1201 : vector<16xf32>
    %swap3A_1203 = arith.constant 0 : index
    %swap3A_1204 = tpu.vector_load %arg14[%swap3A_1203] {strides = array<i32>} : memref<512xf32, #tpu.memory_space<vmem>>, vector<16xf32>,
    %swap3A_1205 = vector.shape_cast %swap3A_1204 : vector<16xf32> to vector<16xf32>
    %swap3A_1206 = vector.shape_cast %max3A_1202 : vector<16xf32> to vector<16xf32>
    tpu.vector_store %arg14[%swap3A_1203], %swap3A_1206 {strides = array<i32>} : memref<512xf32, #tpu.memory_space<vmem>>, vector<16xf32>,
    %get3A_1207 = arith.constant 0 : i32
    %get3A_1208 = arith.index_cast %get3A_1207 : i32 to index
    %get3A_1209 = arith.constant 16 : index
    %get3A_1210 = tpu.vector_load %arg11[%get3A_1208, %get3A_1209] {strides = array<i32>} : memref<4x128xf32, #tpu.memory_space<vmem>>, vector<1x16xf32>,
    %get3A_1211 = vector.shape_cast %get3A_1210 : vector<1x16xf32> to vector<16xf32>
    %get3A_1212 = arith.constant 0 : i32
    %get3A_1213 = arith.index_cast %get3A_1212 : i32 to index
    %get3A_1214 = arith.constant 16 : index
    %get3A_1215 = tpu.vector_load %arg12[%get3A_1213, %get3A_1214] {strides = array<i32>} : memref<4x128xf32, #tpu.memory_space<vmem>>, vector<1x16xf32>,
    %get3A_1216 = vector.shape_cast %get3A_1215 : vector<1x16xf32> to vector<16xf32>
    %add3A_1217 = arith.addf %get3A_1211, %get3A_1216 : vector<16xf32>
    %get3A_1218 = arith.constant 0 : i32
    %get3A_1219 = arith.index_cast %get3A_1218 : i32 to index
    %get3A_1220 = arith.constant 16 : index
    %get3A_1221 = tpu.vector_load %arg13[%get3A_1219, %get3A_1220] {strides = array<i32>} : memref<4x128xf32, #tpu.memory_space<vmem>>, vector<1x16xf32>,
    %get3A_1222 = vector.shape_cast %get3A_1221 : vector<1x16xf32> to vector<16xf32>
    %sub3A_1223 = arith.subf %add3A_1217, %get3A_1222 : vector<16xf32>
    %max3A_1224 = arith.constant 0.000000e+00 : f32
    %max3A_1225 = vector.broadcast %max3A_1224 : f32 to vector<16xf32>
    %max3A_1226 = arith.maximumf %sub3A_1223, %max3A_1225 : vector<16xf32>
    %swap3A_1227 = arith.constant 16 : index
    %swap3A_1228 = tpu.vector_load %arg14[%swap3A_1227] {strides = array<i32>} : memref<512xf32, #tpu.memory_space<vmem>>, vector<16xf32>,
    %swap3A_1229 = vector.shape_cast %swap3A_1228 : vector<16xf32> to vector<16xf32>
    %swap3A_1230 = vector.shape_cast %max3A_1226 : vector<16xf32> to vector<16xf32>
    tpu.vector_store %arg14[%swap3A_1227], %swap3A_1230 {strides = array<i32>} : memref<512xf32, #tpu.memory_space<vmem>>, vector<16xf32>,
    %get3A_1231 = arith.constant 0 : i32
    %get3A_1232 = arith.index_cast %get3A_1231 : i32 to index
    %get3A_1233 = arith.constant 32 : index
    %get3A_1234 = tpu.vector_load %arg11[%get3A_1232, %get3A_1233] {strides = array<i32>} : memref<4x128xf32, #tpu.memory_space<vmem>>, vector<1x16xf32>,
    %get3A_1235 = vector.shape_cast %get3A_1234 : vector<1x16xf32> to vector<16xf32>
    %get3A_1236 = arith.constant 0 : i32
    %get3A_1237 = arith.index_cast %get3A_1236 : i32 to index
    %get3A_1238 = arith.constant 32 : index
    %get3A_1239 = tpu.vector_load %arg12[%get3A_1237, %get3A_1238] {strides = array<i32>} : memref<4x128xf32, #tpu.memory_space<vmem>>, vector<1x16xf32>,
    %get3A_1240 = vector.shape_cast %get3A_1239 : vector<1x16xf32> to vector<16xf32>
    %add3A_1241 = arith.addf %get3A_1235, %get3A_1240 : vector<16xf32>
    %get3A_1242 = arith.constant 0 : i32
    %get3A_1243 = arith.index_cast %get3A_1242 : i32 to index
    %get3A_1244 = arith.constant 32 : index
    %get3A_1245 = tpu.vector_load %arg13[%get3A_1243, %get3A_1244] {strides = array<i32>} : memref<4x128xf32, #tpu.memory_space<vmem>>, vector<1x16xf32>,
    %get3A_1246 = vector.shape_cast %get3A_1245 : vector<1x16xf32> to vector<16xf32>
    %sub3A_1247 = arith.subf %add3A_1241, %get3A_1246 : vector<16xf32>
    %max3A_1248 = arith.constant 0.000000e+00 : f32
    %max3A_1249 = vector.broadcast %max3A_1248 : f32 to vector<16xf32>
    %max3A_1250 = arith.maximumf %sub3A_1247, %max3A_1249 : vector<16xf32>
    %swap3A_1251 = arith.constant 32 : index
    %swap3A_1252 = tpu.vector_load %arg14[%swap3A_1251] {strides = array<i32>} : memref<512xf32, #tpu.memory_space<vmem>>, vector<16xf32>,
    %swap3A_1253 = vector.shape_cast %swap3A_1252 : vector<16xf32> to vector<16xf32>
    %swap3A_1254 = vector.shape_cast %max3A_1250 : vector<16xf32> to vector<16xf32>
    tpu.vector_store %arg14[%swap3A_1251], %swap3A_1254 {strides = array<i32>} : memref<512xf32, #tpu.memory_space<vmem>>, vector<16xf32>,
    %get3A_1255 = arith.constant 0 : i32
    %get3A_1256 = arith.index_cast %get3A_1255 : i32 to index
    %get3A_1257 = arith.constant 48 : index
    %get3A_1258 = tpu.vector_load %arg11[%get3A_1256, %get3A_1257] {strides = array<i32>} : memref<4x128xf32, #tpu.memory_space<vmem>>, vector<1x16xf32>,
    %get3A_1259 = vector.shape_cast %get3A_1258 : vector<1x16xf32> to vector<16xf32>
    %get3A_1260 = arith.constant 0 : i32
    %get3A_1261 = arith.index_cast %get3A_1260 : i32 to index
    %get3A_1262 = arith.constant 48 : index
    %get3A_1263 = tpu.vector_load %arg12[%get3A_1261, %get3A_1262] {strides = array<i32>} : memref<4x128xf32, #tpu.memory_space<vmem>>, vector<1x16xf32>,
    %get3A_1264 = vector.shape_cast %get3A_1263 : vector<1x16xf32> to vector<16xf32>
    %add3A_1265 = arith.addf %get3A_1259, %get3A_1264 : vector<16xf32>
    %get3A_1266 = arith.constant 0 : i32
    %get3A_1267 = arith.index_cast %get3A_1266 : i32 to index
    %get3A_1268 = arith.constant 48 : index
    %get3A_1269 = tpu.vector_load %arg13[%get3A_1267, %get3A_1268] {strides = array<i32>} : memref<4x128xf32, #tpu.memory_space<vmem>>, vector<1x16xf32>,
    %get3A_1270 = vector.shape_cast %get3A_1269 : vector<1x16xf32> to vector<16xf32>
    %sub3A_1271 = arith.subf %add3A_1265, %get3A_1270 : vector<16xf32>
    %max3A_1272 = arith.constant 0.000000e+00 : f32
    %max3A_1273 = vector.broadcast %max3A_1272 : f32 to vector<16xf32>
    %max3A_1274 = arith.maximumf %sub3A_1271, %max3A_1273 : vector<16xf32>
    %swap3A_1275 = arith.constant 48 : index
    %swap3A_1276 = tpu.vector_load %arg14[%swap3A_1275] {strides = array<i32>} : memref<512xf32, #tpu.memory_space<vmem>>, vector<16xf32>,
    %swap3A_1277 = vector.shape_cast %swap3A_1276 : vector<16xf32> to vector<16xf32>
    %swap3A_1278 = vector.shape_cast %max3A_1274 : vector<16xf32> to vector<16xf32>
    tpu.vector_store %arg14[%swap3A_1275], %swap3A_1278 {strides = array<i32>} : memref<512xf32, #tpu.memory_space<vmem>>, vector<16xf32>,
    %get3A_1279 = arith.constant 0 : i32
    %get3A_1280 = arith.index_cast %get3A_1279 : i32 to index
    %get3A_1281 = arith.constant 64 : index
    %get3A_1282 = tpu.vector_load %arg11[%get3A_1280, %get3A_1281] {strides = array<i32>} : memref<4x128xf32, #tpu.memory_space<vmem>>, vector<1x16xf32>,
    %get3A_1283 = vector.shape_cast %get3A_1282 : vector<1x16xf32> to vector<16xf32>
    %get3A_1284 = arith.constant 0 : i32
    %get3A_1285 = arith.index_cast %get3A_1284 : i32 to index
    %get3A_1286 = arith.constant 64 : index
    %get3A_1287 = tpu.vector_load %arg12[%get3A_1285, %get3A_1286] {strides = array<i32>} : memref<4x128xf32, #tpu.memory_space<vmem>>, vector<1x16xf32>,
    %get3A_1288 = vector.shape_cast %get3A_1287 : vector<1x16xf32> to vector<16xf32>
    %add3A_1289 = arith.addf %get3A_1283, %get3A_1288 : vector<16xf32>
    %get3A_1290 = arith.constant 0 : i32
    %get3A_1291 = arith.index_cast %get3A_1290 : i32 to index
    %get3A_1292 = arith.constant 64 : index
    %get3A_1293 = tpu.vector_load %arg13[%get3A_1291, %get3A_1292] {strides = array<i32>} : memref<4x128xf32, #tpu.memory_space<vmem>>, vector<1x16xf32>,
    %get3A_1294 = vector.shape_cast %get3A_1293 : vector<1x16xf32> to vector<16xf32>
    %sub3A_1295 = arith.subf %add3A_1289, %get3A_1294 : vector<16xf32>
    %max3A_1296 = arith.constant 0.000000e+00 : f32
    %max3A_1297 = vector.broadcast %max3A_1296 : f32 to vector<16xf32>
    %max3A_1298 = arith.maximumf %sub3A_1295, %max3A_1297 : vector<16xf32>
    %swap3A_1299 = arith.constant 64 : index
    %swap3A_1300 = tpu.vector_load %arg14[%swap3A_1299] {strides = array<i32>} : memref<512xf32, #tpu.memory_space<vmem>>, vector<16xf32>,
    %swap3A_1301 = vector.shape_cast %swap3A_1300 : vector<16xf32> to vector<16xf32>
    %swap3A_1302 = vector.shape_cast %max3A_1298 : vector<16xf32> to vector<16xf32>
    tpu.vector_store %arg14[%swap3A_1299], %swap3A_1302 {strides = array<i32>} : memref<512xf32, #tpu.memory_space<vmem>>, vector<16xf32>,
    %get3A_1303 = arith.constant 0 : i32
    %get3A_1304 = arith.index_cast %get3A_1303 : i32 to index
    %get3A_1305 = arith.constant 80 : index
    %get3A_1306 = tpu.vector_load %arg11[%get3A_1304, %get3A_1305] {strides = array<i32>} : memref<4x128xf32, #tpu.memory_space<vmem>>, vector<1x16xf32>,
    %get3A_1307 = vector.shape_cast %get3A_1306 : vector<1x16xf32> to vector<16xf32>
    %get3A_1308 = arith.constant 0 : i32
    %get3A_1309 = arith.index_cast %get3A_1308 : i32 to index
    %get3A_1310 = arith.constant 80 : index
    %get3A_1311 = tpu.vector_load %arg12[%get3A_1309, %get3A_1310] {strides = array<i32>} : memref<4x128xf32, #tpu.memory_space<vmem>>, vector<1x16xf32>,
    %get3A_1312 = vector.shape_cast %get3A_1311 : vector<1x16xf32> to vector<16xf32>
    %add3A_1313 = arith.addf %get3A_1307, %get3A_1312 : vector<16xf32>
    %get3A_1314 = arith.constant 0 : i32
    %get3A_1315 = arith.index_cast %get3A_1314 : i32 to index
    %get3A_1316 = arith.constant 80 : index
    %get3A_1317 = tpu.vector_load %arg13[%get3A_1315, %get3A_1316] {strides = array<i32>} : memref<4x128xf32, #tpu.memory_space<vmem>>, vector<1x16xf32>,
    %get3A_1318 = vector.shape_cast %get3A_1317 : vector<1x16xf32> to vector<16xf32>
    %sub3A_1319 = arith.subf %add3A_1313, %get3A_1318 : vector<16xf32>
    %max3A_1320 = arith.constant 0.000000e+00 : f32
    %max3A_1321 = vector.broadcast %max3A_1320 : f32 to vector<16xf32>
    %max3A_1322 = arith.maximumf %sub3A_1319, %max3A_1321 : vector<16xf32>
    %swap3A_1323 = arith.constant 80 : index
    %swap3A_1324 = tpu.vector_load %arg14[%swap3A_1323] {strides = array<i32>} : memref<512xf32, #tpu.memory_space<vmem>>, vector<16xf32>,
    %swap3A_1325 = vector.shape_cast %swap3A_1324 : vector<16xf32> to vector<16xf32>
    %swap3A_1326 = vector.shape_cast %max3A_1322 : vector<16xf32> to vector<16xf32>
    tpu.vector_store %arg14[%swap3A_1323], %swap3A_1326 {strides = array<i32>} : memref<512xf32, #tpu.memory_space<vmem>>, vector<16xf32>,
    %get3A_1327 = arith.constant 0 : i32
    %get3A_1328 = arith.index_cast %get3A_1327 : i32 to index
    %get3A_1329 = arith.constant 96 : index
    %get3A_1330 = tpu.vector_load %arg11[%get3A_1328, %get3A_1329] {strides = array<i32>} : memref<4x128xf32, #tpu.memory_space<vmem>>, vector<1x16xf32>,
    %get3A_1331 = vector.shape_cast %get3A_1330 : vector<1x16xf32> to vector<16xf32>
    %get3A_1332 = arith.constant 0 : i32
    %get3A_1333 = arith.index_cast %get3A_1332 : i32 to index
    %get3A_1334 = arith.constant 96 : index
    %get3A_1335 = tpu.vector_load %arg12[%get3A_1333, %get3A_1334] {strides = array<i32>} : memref<4x128xf32, #tpu.memory_space<vmem>>, vector<1x16xf32>,
    %get3A_1336 = vector.shape_cast %get3A_1335 : vector<1x16xf32> to vector<16xf32>
    %add3A_1337 = arith.addf %get3A_1331, %get3A_1336 : vector<16xf32>
    %get3A_1338 = arith.constant 0 : i32
    %get3A_1339 = arith.index_cast %get3A_1338 : i32 to index
    %get3A_1340 = arith.constant 96 : index
    %get3A_1341 = tpu.vector_load %arg13[%get3A_1339, %get3A_1340] {strides = array<i32>} : memref<4x128xf32, #tpu.memory_space<vmem>>, vector<1x16xf32>,
    %get3A_1342 = vector.shape_cast %get3A_1341 : vector<1x16xf32> to vector<16xf32>
    %sub3A_1343 = arith.subf %add3A_1337, %get3A_1342 : vector<16xf32>
    %max3A_1344 = arith.constant 0.000000e+00 : f32
    %max3A_1345 = vector.broadcast %max3A_1344 : f32 to vector<16xf32>
    %max3A_1346 = arith.maximumf %sub3A_1343, %max3A_1345 : vector<16xf32>
    %swap3A_1347 = arith.constant 96 : index
    %swap3A_1348 = tpu.vector_load %arg14[%swap3A_1347] {strides = array<i32>} : memref<512xf32, #tpu.memory_space<vmem>>, vector<16xf32>,
    %swap3A_1349 = vector.shape_cast %swap3A_1348 : vector<16xf32> to vector<16xf32>
    %swap3A_1350 = vector.shape_cast %max3A_1346 : vector<16xf32> to vector<16xf32>
    tpu.vector_store %arg14[%swap3A_1347], %swap3A_1350 {strides = array<i32>} : memref<512xf32, #tpu.memory_space<vmem>>, vector<16xf32>,
    %get3A_1351 = arith.constant 0 : i32
    %get3A_1352 = arith.index_cast %get3A_1351 : i32 to index
    %get3A_1353 = arith.constant 112 : index
    %get3A_1354 = tpu.vector_load %arg11[%get3A_1352, %get3A_1353] {strides = array<i32>} : memref<4x128xf32, #tpu.memory_space<vmem>>, vector<1x16xf32>,
    %get3A_1355 = vector.shape_cast %get3A_1354 : vector<1x16xf32> to vector<16xf32>
    %get3A_1356 = arith.constant 0 : i32
    %get3A_1357 = arith.index_cast %get3A_1356 : i32 to index
    %get3A_1358 = arith.constant 112 : index
    %get3A_1359 = tpu.vector_load %arg12[%get3A_1357, %get3A_1358] {strides = array<i32>} : memref<4x128xf32, #tpu.memory_space<vmem>>, vector<1x16xf32>,
    %get3A_1360 = vector.shape_cast %get3A_1359 : vector<1x16xf32> to vector<16xf32>
    %add3A_1361 = arith.addf %get3A_1355, %get3A_1360 : vector<16xf32>
    %get3A_1362 = arith.constant 0 : i32
    %get3A_1363 = arith.index_cast %get3A_1362 : i32 to index
    %get3A_1364 = arith.constant 112 : index
    %get3A_1365 = tpu.vector_load %arg13[%get3A_1363, %get3A_1364] {strides = array<i32>} : memref<4x128xf32, #tpu.memory_space<vmem>>, vector<1x16xf32>,
    %get3A_1366 = vector.shape_cast %get3A_1365 : vector<1x16xf32> to vector<16xf32>
    %sub3A_1367 = arith.subf %add3A_1361, %get3A_1366 : vector<16xf32>
    %max3A_1368 = arith.constant 0.000000e+00 : f32
    %max3A_1369 = vector.broadcast %max3A_1368 : f32 to vector<16xf32>
    %max3A_1370 = arith.maximumf %sub3A_1367, %max3A_1369 : vector<16xf32>
    %swap3A_1371 = arith.constant 112 : index
    %swap3A_1372 = tpu.vector_load %arg14[%swap3A_1371] {strides = array<i32>} : memref<512xf32, #tpu.memory_space<vmem>>, vector<16xf32>,
    %swap3A_1373 = vector.shape_cast %swap3A_1372 : vector<16xf32> to vector<16xf32>
    %swap3A_1374 = vector.shape_cast %max3A_1370 : vector<16xf32> to vector<16xf32>
    tpu.vector_store %arg14[%swap3A_1371], %swap3A_1374 {strides = array<i32>} : memref<512xf32, #tpu.memory_space<vmem>>, vector<16xf32>,
    %get3A_1375 = arith.constant 1 : i32
    %get3A_1376 = arith.index_cast %get3A_1375 : i32 to index
    %get3A_1377 = arith.constant 0 : index
    %get3A_1378 = tpu.vector_load %arg11[%get3A_1376, %get3A_1377] {strides = array<i32>} : memref<4x128xf32, #tpu.memory_space<vmem>>, vector<1x16xf32>,
    %get3A_1379 = vector.shape_cast %get3A_1378 : vector<1x16xf32> to vector<16xf32>
    %get3A_1380 = arith.constant 1 : i32
    %get3A_1381 = arith.index_cast %get3A_1380 : i32 to index
    %get3A_1382 = arith.constant 0 : index
    %get3A_1383 = tpu.vector_load %arg12[%get3A_1381, %get3A_1382] {strides = array<i32>} : memref<4x128xf32, #tpu.memory_space<vmem>>, vector<1x16xf32>,
    %get3A_1384 = vector.shape_cast %get3A_1383 : vector<1x16xf32> to vector<16xf32>
    %add3A_1385 = arith.addf %get3A_1379, %get3A_1384 : vector<16xf32>
    %get3A_1386 = arith.constant 1 : i32
    %get3A_1387 = arith.index_cast %get3A_1386 : i32 to index
    %get3A_1388 = arith.constant 0 : index
    %get3A_1389 = tpu.vector_load %arg13[%get3A_1387, %get3A_1388] {strides = array<i32>} : memref<4x128xf32, #tpu.memory_space<vmem>>, vector<1x16xf32>,
    %get3A_1390 = vector.shape_cast %get3A_1389 : vector<1x16xf32> to vector<16xf32>
    %sub3A_1391 = arith.subf %add3A_1385, %get3A_1390 : vector<16xf32>
    %max3A_1392 = arith.constant 0.000000e+00 : f32
    %max3A_1393 = vector.broadcast %max3A_1392 : f32 to vector<16xf32>
    %max3A_1394 = arith.maximumf %sub3A_1391, %max3A_1393 : vector<16xf32>
    %swap3A_1395 = arith.constant 128 : index
    %swap3A_1396 = tpu.vector_load %arg14[%swap3A_1395] {strides = array<i32>} : memref<512xf32, #tpu.memory_space<vmem>>, vector<16xf32>,
    %swap3A_1397 = vector.shape_cast %swap3A_1396 : vector<16xf32> to vector<16xf32>
    %swap3A_1398 = vector.shape_cast %max3A_1394 : vector<16xf32> to vector<16xf32>
    tpu.vector_store %arg14[%swap3A_1395], %swap3A_1398 {strides = array<i32>} : memref<512xf32, #tpu.memory_space<vmem>>, vector<16xf32>,
    %get3A_1399 = arith.constant 1 : i32
    %get3A_1400 = arith.index_cast %get3A_1399 : i32 to index
    %get3A_1401 = arith.constant 16 : index
    %get3A_1402 = tpu.vector_load %arg11[%get3A_1400, %get3A_1401] {strides = array<i32>} : memref<4x128xf32, #tpu.memory_space<vmem>>, vector<1x16xf32>,
    %get3A_1403 = vector.shape_cast %get3A_1402 : vector<1x16xf32> to vector<16xf32>
    %get3A_1404 = arith.constant 1 : i32
    %get3A_1405 = arith.index_cast %get3A_1404 : i32 to index
    %get3A_1406 = arith.constant 16 : index
    %get3A_1407 = tpu.vector_load %arg12[%get3A_1405, %get3A_1406] {strides = array<i32>} : memref<4x128xf32, #tpu.memory_space<vmem>>, vector<1x16xf32>,
    %get3A_1408 = vector.shape_cast %get3A_1407 : vector<1x16xf32> to vector<16xf32>
    %add3A_1409 = arith.addf %get3A_1403, %get3A_1408 : vector<16xf32>
    %get3A_1410 = arith.constant 1 : i32
    %get3A_1411 = arith.index_cast %get3A_1410 : i32 to index
    %get3A_1412 = arith.constant 16 : index
    %get3A_1413 = tpu.vector_load %arg13[%get3A_1411, %get3A_1412] {strides = array<i32>} : memref<4x128xf32, #tpu.memory_space<vmem>>, vector<1x16xf32>,
    %get3A_1414 = vector.shape_cast %get3A_1413 : vector<1x16xf32> to vector<16xf32>
    %sub3A_1415 = arith.subf %add3A_1409, %get3A_1414 : vector<16xf32>
    %max3A_1416 = arith.constant 0.000000e+00 : f32
    %max3A_1417 = vector.broadcast %max3A_1416 : f32 to vector<16xf32>
    %max3A_1418 = arith.maximumf %sub3A_1415, %max3A_1417 : vector<16xf32>
    %swap3A_1419 = arith.constant 144 : index
    %swap3A_1420 = tpu.vector_load %arg14[%swap3A_1419] {strides = array<i32>} : memref<512xf32, #tpu.memory_space<vmem>>, vector<16xf32>,
    %swap3A_1421 = vector.shape_cast %swap3A_1420 : vector<16xf32> to vector<16xf32>
    %swap3A_1422 = vector.shape_cast %max3A_1418 : vector<16xf32> to vector<16xf32>
    tpu.vector_store %arg14[%swap3A_1419], %swap3A_1422 {strides = array<i32>} : memref<512xf32, #tpu.memory_space<vmem>>, vector<16xf32>,
    %get3A_1423 = arith.constant 1 : i32
    %get3A_1424 = arith.index_cast %get3A_1423 : i32 to index
    %get3A_1425 = arith.constant 32 : index
    %get3A_1426 = tpu.vector_load %arg11[%get3A_1424, %get3A_1425] {strides = array<i32>} : memref<4x128xf32, #tpu.memory_space<vmem>>, vector<1x16xf32>,
    %get3A_1427 = vector.shape_cast %get3A_1426 : vector<1x16xf32> to vector<16xf32>
    %get3A_1428 = arith.constant 1 : i32
    %get3A_1429 = arith.index_cast %get3A_1428 : i32 to index
    %get3A_1430 = arith.constant 32 : index
    %get3A_1431 = tpu.vector_load %arg12[%get3A_1429, %get3A_1430] {strides = array<i32>} : memref<4x128xf32, #tpu.memory_space<vmem>>, vector<1x16xf32>,
    %get3A_1432 = vector.shape_cast %get3A_1431 : vector<1x16xf32> to vector<16xf32>
    %add3A_1433 = arith.addf %get3A_1427, %get3A_1432 : vector<16xf32>
    %get3A_1434 = arith.constant 1 : i32
    %get3A_1435 = arith.index_cast %get3A_1434 : i32 to index
    %get3A_1436 = arith.constant 32 : index
    %get3A_1437 = tpu.vector_load %arg13[%get3A_1435, %get3A_1436] {strides = array<i32>} : memref<4x128xf32, #tpu.memory_space<vmem>>, vector<1x16xf32>,
    %get3A_1438 = vector.shape_cast %get3A_1437 : vector<1x16xf32> to vector<16xf32>
    %sub3A_1439 = arith.subf %add3A_1433, %get3A_1438 : vector<16xf32>
    %max3A_1440 = arith.constant 0.000000e+00 : f32
    %max3A_1441 = vector.broadcast %max3A_1440 : f32 to vector<16xf32>
    %max3A_1442 = arith.maximumf %sub3A_1439, %max3A_1441 : vector<16xf32>
    %swap3A_1443 = arith.constant 160 : index
    %swap3A_1444 = tpu.vector_load %arg14[%swap3A_1443] {strides = array<i32>} : memref<512xf32, #tpu.memory_space<vmem>>, vector<16xf32>,
    %swap3A_1445 = vector.shape_cast %swap3A_1444 : vector<16xf32> to vector<16xf32>
    %swap3A_1446 = vector.shape_cast %max3A_1442 : vector<16xf32> to vector<16xf32>
    tpu.vector_store %arg14[%swap3A_1443], %swap3A_1446 {strides = array<i32>} : memref<512xf32, #tpu.memory_space<vmem>>, vector<16xf32>,
    %get3A_1447 = arith.constant 1 : i32
    %get3A_1448 = arith.index_cast %get3A_1447 : i32 to index
    %get3A_1449 = arith.constant 48 : index
    %get3A_1450 = tpu.vector_load %arg11[%get3A_1448, %get3A_1449] {strides = array<i32>} : memref<4x128xf32, #tpu.memory_space<vmem>>, vector<1x16xf32>,
    %get3A_1451 = vector.shape_cast %get3A_1450 : vector<1x16xf32> to vector<16xf32>
    %get3A_1452 = arith.constant 1 : i32
    %get3A_1453 = arith.index_cast %get3A_1452 : i32 to index
    %get3A_1454 = arith.constant 48 : index
    %get3A_1455 = tpu.vector_load %arg12[%get3A_1453, %get3A_1454] {strides = array<i32>} : memref<4x128xf32, #tpu.memory_space<vmem>>, vector<1x16xf32>,
    %get3A_1456 = vector.shape_cast %get3A_1455 : vector<1x16xf32> to vector<16xf32>
    %add3A_1457 = arith.addf %get3A_1451, %get3A_1456 : vector<16xf32>
    %get3A_1458 = arith.constant 1 : i32
    %get3A_1459 = arith.index_cast %get3A_1458 : i32 to index
    %get3A_1460 = arith.constant 48 : index
    %get3A_1461 = tpu.vector_load %arg13[%get3A_1459, %get3A_1460] {strides = array<i32>} : memref<4x128xf32, #tpu.memory_space<vmem>>, vector<1x16xf32>,
    %get3A_1462 = vector.shape_cast %get3A_1461 : vector<1x16xf32> to vector<16xf32>
    %sub3A_1463 = arith.subf %add3A_1457, %get3A_1462 : vector<16xf32>
    %max3A_1464 = arith.constant 0.000000e+00 : f32
    %max3A_1465 = vector.broadcast %max3A_1464 : f32 to vector<16xf32>
    %max3A_1466 = arith.maximumf %sub3A_1463, %max3A_1465 : vector<16xf32>
    %swap3A_1467 = arith.constant 176 : index
    %swap3A_1468 = tpu.vector_load %arg14[%swap3A_1467] {strides = array<i32>} : memref<512xf32, #tpu.memory_space<vmem>>, vector<16xf32>,
    %swap3A_1469 = vector.shape_cast %swap3A_1468 : vector<16xf32> to vector<16xf32>
    %swap3A_1470 = vector.shape_cast %max3A_1466 : vector<16xf32> to vector<16xf32>
    tpu.vector_store %arg14[%swap3A_1467], %swap3A_1470 {strides = array<i32>} : memref<512xf32, #tpu.memory_space<vmem>>, vector<16xf32>,
    %get3A_1471 = arith.constant 1 : i32
    %get3A_1472 = arith.index_cast %get3A_1471 : i32 to index
    %get3A_1473 = arith.constant 64 : index
    %get3A_1474 = tpu.vector_load %arg11[%get3A_1472, %get3A_1473] {strides = array<i32>} : memref<4x128xf32, #tpu.memory_space<vmem>>, vector<1x16xf32>,
    %get3A_1475 = vector.shape_cast %get3A_1474 : vector<1x16xf32> to vector<16xf32>
    %get3A_1476 = arith.constant 1 : i32
    %get3A_1477 = arith.index_cast %get3A_1476 : i32 to index
    %get3A_1478 = arith.constant 64 : index
    %get3A_1479 = tpu.vector_load %arg12[%get3A_1477, %get3A_1478] {strides = array<i32>} : memref<4x128xf32, #tpu.memory_space<vmem>>, vector<1x16xf32>,
    %get3A_1480 = vector.shape_cast %get3A_1479 : vector<1x16xf32> to vector<16xf32>
    %add3A_1481 = arith.addf %get3A_1475, %get3A_1480 : vector<16xf32>
    %get3A_1482 = arith.constant 1 : i32
    %get3A_1483 = arith.index_cast %get3A_1482 : i32 to index
    %get3A_1484 = arith.constant 64 : index
    %get3A_1485 = tpu.vector_load %arg13[%get3A_1483, %get3A_1484] {strides = array<i32>} : memref<4x128xf32, #tpu.memory_space<vmem>>, vector<1x16xf32>,
    %get3A_1486 = vector.shape_cast %get3A_1485 : vector<1x16xf32> to vector<16xf32>
    %sub3A_1487 = arith.subf %add3A_1481, %get3A_1486 : vector<16xf32>
    %max3A_1488 = arith.constant 0.000000e+00 : f32
    %max3A_1489 = vector.broadcast %max3A_1488 : f32 to vector<16xf32>
    %max3A_1490 = arith.maximumf %sub3A_1487, %max3A_1489 : vector<16xf32>
    %swap3A_1491 = arith.constant 192 : index
    %swap3A_1492 = tpu.vector_load %arg14[%swap3A_1491] {strides = array<i32>} : memref<512xf32, #tpu.memory_space<vmem>>, vector<16xf32>,
    %swap3A_1493 = vector.shape_cast %swap3A_1492 : vector<16xf32> to vector<16xf32>
    %swap3A_1494 = vector.shape_cast %max3A_1490 : vector<16xf32> to vector<16xf32>
    tpu.vector_store %arg14[%swap3A_1491], %swap3A_1494 {strides = array<i32>} : memref<512xf32, #tpu.memory_space<vmem>>, vector<16xf32>,
    %get3A_1495 = arith.constant 1 : i32
    %get3A_1496 = arith.index_cast %get3A_1495 : i32 to index
    %get3A_1497 = arith.constant 80 : index
    %get3A_1498 = tpu.vector_load %arg11[%get3A_1496, %get3A_1497] {strides = array<i32>} : memref<4x128xf32, #tpu.memory_space<vmem>>, vector<1x16xf32>,
    %get3A_1499 = vector.shape_cast %get3A_1498 : vector<1x16xf32> to vector<16xf32>
    %get3A_1500 = arith.constant 1 : i32
    %get3A_1501 = arith.index_cast %get3A_1500 : i32 to index
    %get3A_1502 = arith.constant 80 : index
    %get3A_1503 = tpu.vector_load %arg12[%get3A_1501, %get3A_1502] {strides = array<i32>} : memref<4x128xf32, #tpu.memory_space<vmem>>, vector<1x16xf32>,
    %get3A_1504 = vector.shape_cast %get3A_1503 : vector<1x16xf32> to vector<16xf32>
    %add3A_1505 = arith.addf %get3A_1499, %get3A_1504 : vector<16xf32>
    %get3A_1506 = arith.constant 1 : i32
    %get3A_1507 = arith.index_cast %get3A_1506 : i32 to index
    %get3A_1508 = arith.constant 80 : index
    %get3A_1509 = tpu.vector_load %arg13[%get3A_1507, %get3A_1508] {strides = array<i32>} : memref<4x128xf32, #tpu.memory_space<vmem>>, vector<1x16xf32>,
    %get3A_1510 = vector.shape_cast %get3A_1509 : vector<1x16xf32> to vector<16xf32>
    %sub3A_1511 = arith.subf %add3A_1505, %get3A_1510 : vector<16xf32>
    %max3A_1512 = arith.constant 0.000000e+00 : f32
    %max3A_1513 = vector.broadcast %max3A_1512 : f32 to vector<16xf32>
    %max3A_1514 = arith.maximumf %sub3A_1511, %max3A_1513 : vector<16xf32>
    %swap3A_1515 = arith.constant 208 : index
    %swap3A_1516 = tpu.vector_load %arg14[%swap3A_1515] {strides = array<i32>} : memref<512xf32, #tpu.memory_space<vmem>>, vector<16xf32>,
    %swap3A_1517 = vector.shape_cast %swap3A_1516 : vector<16xf32> to vector<16xf32>
    %swap3A_1518 = vector.shape_cast %max3A_1514 : vector<16xf32> to vector<16xf32>
    tpu.vector_store %arg14[%swap3A_1515], %swap3A_1518 {strides = array<i32>} : memref<512xf32, #tpu.memory_space<vmem>>, vector<16xf32>,
    %get3A_1519 = arith.constant 1 : i32
    %get3A_1520 = arith.index_cast %get3A_1519 : i32 to index
    %get3A_1521 = arith.constant 96 : index
    %get3A_1522 = tpu.vector_load %arg11[%get3A_1520, %get3A_1521] {strides = array<i32>} : memref<4x128xf32, #tpu.memory_space<vmem>>, vector<1x16xf32>,
    %get3A_1523 = vector.shape_cast %get3A_1522 : vector<1x16xf32> to vector<16xf32>
    %get3A_1524 = arith.constant 1 : i32
    %get3A_1525 = arith.index_cast %get3A_1524 : i32 to index
    %get3A_1526 = arith.constant 96 : index
    %get3A_1527 = tpu.vector_load %arg12[%get3A_1525, %get3A_1526] {strides = array<i32>} : memref<4x128xf32, #tpu.memory_space<vmem>>, vector<1x16xf32>,
    %get3A_1528 = vector.shape_cast %get3A_1527 : vector<1x16xf32> to vector<16xf32>
    %add3A_1529 = arith.addf %get3A_1523, %get3A_1528 : vector<16xf32>
    %get3A_1530 = arith.constant 1 : i32
    %get3A_1531 = arith.index_cast %get3A_1530 : i32 to index
    %get3A_1532 = arith.constant 96 : index
    %get3A_1533 = tpu.vector_load %arg13[%get3A_1531, %get3A_1532] {strides = array<i32>} : memref<4x128xf32, #tpu.memory_space<vmem>>, vector<1x16xf32>,
    %get3A_1534 = vector.shape_cast %get3A_1533 : vector<1x16xf32> to vector<16xf32>
    %sub3A_1535 = arith.subf %add3A_1529, %get3A_1534 : vector<16xf32>
    %max3A_1536 = arith.constant 0.000000e+00 : f32
    %max3A_1537 = vector.broadcast %max3A_1536 : f32 to vector<16xf32>
    %max3A_1538 = arith.maximumf %sub3A_1535, %max3A_1537 : vector<16xf32>
    %swap3A_1539 = arith.constant 224 : index
    %swap3A_1540 = tpu.vector_load %arg14[%swap3A_1539] {strides = array<i32>} : memref<512xf32, #tpu.memory_space<vmem>>, vector<16xf32>,
    %swap3A_1541 = vector.shape_cast %swap3A_1540 : vector<16xf32> to vector<16xf32>
    %swap3A_1542 = vector.shape_cast %max3A_1538 : vector<16xf32> to vector<16xf32>
    tpu.vector_store %arg14[%swap3A_1539], %swap3A_1542 {strides = array<i32>} : memref<512xf32, #tpu.memory_space<vmem>>, vector<16xf32>,
    %get3A_1543 = arith.constant 1 : i32
    %get3A_1544 = arith.index_cast %get3A_1543 : i32 to index
    %get3A_1545 = arith.constant 112 : index
    %get3A_1546 = tpu.vector_load %arg11[%get3A_1544, %get3A_1545] {strides = array<i32>} : memref<4x128xf32, #tpu.memory_space<vmem>>, vector<1x16xf32>,
    %get3A_1547 = vector.shape_cast %get3A_1546 : vector<1x16xf32> to vector<16xf32>
    %get3A_1548 = arith.constant 1 : i32
    %get3A_1549 = arith.index_cast %get3A_1548 : i32 to index
    %get3A_1550 = arith.constant 112 : index
    %get3A_1551 = tpu.vector_load %arg12[%get3A_1549, %get3A_1550] {strides = array<i32>} : memref<4x128xf32, #tpu.memory_space<vmem>>, vector<1x16xf32>,
    %get3A_1552 = vector.shape_cast %get3A_1551 : vector<1x16xf32> to vector<16xf32>
    %add3A_1553 = arith.addf %get3A_1547, %get3A_1552 : vector<16xf32>
    %get3A_1554 = arith.constant 1 : i32
    %get3A_1555 = arith.index_cast %get3A_1554 : i32 to index
    %get3A_1556 = arith.constant 112 : index
    %get3A_1557 = tpu.vector_load %arg13[%get3A_1555, %get3A_1556] {strides = array<i32>} : memref<4x128xf32, #tpu.memory_space<vmem>>, vector<1x16xf32>,
    %get3A_1558 = vector.shape_cast %get3A_1557 : vector<1x16xf32> to vector<16xf32>
    %sub3A_1559 = arith.subf %add3A_1553, %get3A_1558 : vector<16xf32>
    %max3A_1560 = arith.constant 0.000000e+00 : f32
    %max3A_1561 = vector.broadcast %max3A_1560 : f32 to vector<16xf32>
    %max3A_1562 = arith.maximumf %sub3A_1559, %max3A_1561 : vector<16xf32>
    %swap3A_1563 = arith.constant 240 : index
    %swap3A_1564 = tpu.vector_load %arg14[%swap3A_1563] {strides = array<i32>} : memref<512xf32, #tpu.memory_space<vmem>>, vector<16xf32>,
    %swap3A_1565 = vector.shape_cast %swap3A_1564 : vector<16xf32> to vector<16xf32>
    %swap3A_1566 = vector.shape_cast %max3A_1562 : vector<16xf32> to vector<16xf32>
    tpu.vector_store %arg14[%swap3A_1563], %swap3A_1566 {strides = array<i32>} : memref<512xf32, #tpu.memory_space<vmem>>, vector<16xf32>,
    %get3A_1567 = arith.constant 2 : i32
    %get3A_1568 = arith.index_cast %get3A_1567 : i32 to index
    %get3A_1569 = arith.constant 0 : index
    %get3A_1570 = tpu.vector_load %arg11[%get3A_1568, %get3A_1569] {strides = array<i32>} : memref<4x128xf32, #tpu.memory_space<vmem>>, vector<1x16xf32>,
    %get3A_1571 = vector.shape_cast %get3A_1570 : vector<1x16xf32> to vector<16xf32>
    %get3A_1572 = arith.constant 2 : i32
    %get3A_1573 = arith.index_cast %get3A_1572 : i32 to index
    %get3A_1574 = arith.constant 0 : index
    %get3A_1575 = tpu.vector_load %arg12[%get3A_1573, %get3A_1574] {strides = array<i32>} : memref<4x128xf32, #tpu.memory_space<vmem>>, vector<1x16xf32>,
    %get3A_1576 = vector.shape_cast %get3A_1575 : vector<1x16xf32> to vector<16xf32>
    %add3A_1577 = arith.addf %get3A_1571, %get3A_1576 : vector<16xf32>
    %get3A_1578 = arith.constant 2 : i32
    %get3A_1579 = arith.index_cast %get3A_1578 : i32 to index
    %get3A_1580 = arith.constant 0 : index
    %get3A_1581 = tpu.vector_load %arg13[%get3A_1579, %get3A_1580] {strides = array<i32>} : memref<4x128xf32, #tpu.memory_space<vmem>>, vector<1x16xf32>,
    %get3A_1582 = vector.shape_cast %get3A_1581 : vector<1x16xf32> to vector<16xf32>
    %sub3A_1583 = arith.subf %add3A_1577, %get3A_1582 : vector<16xf32>
    %max3A_1584 = arith.constant 0.000000e+00 : f32
    %max3A_1585 = vector.broadcast %max3A_1584 : f32 to vector<16xf32>
    %max3A_1586 = arith.maximumf %sub3A_1583, %max3A_1585 : vector<16xf32>
    %swap3A_1587 = arith.constant 256 : index
    %swap3A_1588 = tpu.vector_load %arg14[%swap3A_1587] {strides = array<i32>} : memref<512xf32, #tpu.memory_space<vmem>>, vector<16xf32>,
    %swap3A_1589 = vector.shape_cast %swap3A_1588 : vector<16xf32> to vector<16xf32>
    %swap3A_1590 = vector.shape_cast %max3A_1586 : vector<16xf32> to vector<16xf32>
    tpu.vector_store %arg14[%swap3A_1587], %swap3A_1590 {strides = array<i32>} : memref<512xf32, #tpu.memory_space<vmem>>, vector<16xf32>,
    %get3A_1591 = arith.constant 2 : i32
    %get3A_1592 = arith.index_cast %get3A_1591 : i32 to index
    %get3A_1593 = arith.constant 16 : index
    %get3A_1594 = tpu.vector_load %arg11[%get3A_1592, %get3A_1593] {strides = array<i32>} : memref<4x128xf32, #tpu.memory_space<vmem>>, vector<1x16xf32>,
    %get3A_1595 = vector.shape_cast %get3A_1594 : vector<1x16xf32> to vector<16xf32>
    %get3A_1596 = arith.constant 2 : i32
    %get3A_1597 = arith.index_cast %get3A_1596 : i32 to index
    %get3A_1598 = arith.constant 16 : index
    %get3A_1599 = tpu.vector_load %arg12[%get3A_1597, %get3A_1598] {strides = array<i32>} : memref<4x128xf32, #tpu.memory_space<vmem>>, vector<1x16xf32>,
    %get3A_1600 = vector.shape_cast %get3A_1599 : vector<1x16xf32> to vector<16xf32>
    %add3A_1601 = arith.addf %get3A_1595, %get3A_1600 : vector<16xf32>
    %get3A_1602 = arith.constant 2 : i32
    %get3A_1603 = arith.index_cast %get3A_1602 : i32 to index
    %get3A_1604 = arith.constant 16 : index
    %get3A_1605 = tpu.vector_load %arg13[%get3A_1603, %get3A_1604] {strides = array<i32>} : memref<4x128xf32, #tpu.memory_space<vmem>>, vector<1x16xf32>,
    %get3A_1606 = vector.shape_cast %get3A_1605 : vector<1x16xf32> to vector<16xf32>
    %sub3A_1607 = arith.subf %add3A_1601, %get3A_1606 : vector<16xf32>
    %max3A_1608 = arith.constant 0.000000e+00 : f32
    %max3A_1609 = vector.broadcast %max3A_1608 : f32 to vector<16xf32>
    %max3A_1610 = arith.maximumf %sub3A_1607, %max3A_1609 : vector<16xf32>
    %swap3A_1611 = arith.constant 272 : index
    %swap3A_1612 = tpu.vector_load %arg14[%swap3A_1611] {strides = array<i32>} : memref<512xf32, #tpu.memory_space<vmem>>, vector<16xf32>,
    %swap3A_1613 = vector.shape_cast %swap3A_1612 : vector<16xf32> to vector<16xf32>
    %swap3A_1614 = vector.shape_cast %max3A_1610 : vector<16xf32> to vector<16xf32>
    tpu.vector_store %arg14[%swap3A_1611], %swap3A_1614 {strides = array<i32>} : memref<512xf32, #tpu.memory_space<vmem>>, vector<16xf32>,
    %get3A_1615 = arith.constant 2 : i32
    %get3A_1616 = arith.index_cast %get3A_1615 : i32 to index
    %get3A_1617 = arith.constant 32 : index
    %get3A_1618 = tpu.vector_load %arg11[%get3A_1616, %get3A_1617] {strides = array<i32>} : memref<4x128xf32, #tpu.memory_space<vmem>>, vector<1x16xf32>,
    %get3A_1619 = vector.shape_cast %get3A_1618 : vector<1x16xf32> to vector<16xf32>
    %get3A_1620 = arith.constant 2 : i32
    %get3A_1621 = arith.index_cast %get3A_1620 : i32 to index
    %get3A_1622 = arith.constant 32 : index
    %get3A_1623 = tpu.vector_load %arg12[%get3A_1621, %get3A_1622] {strides = array<i32>} : memref<4x128xf32, #tpu.memory_space<vmem>>, vector<1x16xf32>,
    %get3A_1624 = vector.shape_cast %get3A_1623 : vector<1x16xf32> to vector<16xf32>
    %add3A_1625 = arith.addf %get3A_1619, %get3A_1624 : vector<16xf32>
    %get3A_1626 = arith.constant 2 : i32
    %get3A_1627 = arith.index_cast %get3A_1626 : i32 to index
    %get3A_1628 = arith.constant 32 : index
    %get3A_1629 = tpu.vector_load %arg13[%get3A_1627, %get3A_1628] {strides = array<i32>} : memref<4x128xf32, #tpu.memory_space<vmem>>, vector<1x16xf32>,
    %get3A_1630 = vector.shape_cast %get3A_1629 : vector<1x16xf32> to vector<16xf32>
    %sub3A_1631 = arith.subf %add3A_1625, %get3A_1630 : vector<16xf32>
    %max3A_1632 = arith.constant 0.000000e+00 : f32
    %max3A_1633 = vector.broadcast %max3A_1632 : f32 to vector<16xf32>
    %max3A_1634 = arith.maximumf %sub3A_1631, %max3A_1633 : vector<16xf32>
    %swap3A_1635 = arith.constant 288 : index
    %swap3A_1636 = tpu.vector_load %arg14[%swap3A_1635] {strides = array<i32>} : memref<512xf32, #tpu.memory_space<vmem>>, vector<16xf32>,
    %swap3A_1637 = vector.shape_cast %swap3A_1636 : vector<16xf32> to vector<16xf32>
    %swap3A_1638 = vector.shape_cast %max3A_1634 : vector<16xf32> to vector<16xf32>
    tpu.vector_store %arg14[%swap3A_1635], %swap3A_1638 {strides = array<i32>} : memref<512xf32, #tpu.memory_space<vmem>>, vector<16xf32>,
    %get3A_1639 = arith.constant 2 : i32
    %get3A_1640 = arith.index_cast %get3A_1639 : i32 to index
    %get3A_1641 = arith.constant 48 : index
    %get3A_1642 = tpu.vector_load %arg11[%get3A_1640, %get3A_1641] {strides = array<i32>} : memref<4x128xf32, #tpu.memory_space<vmem>>, vector<1x16xf32>,
    %get3A_1643 = vector.shape_cast %get3A_1642 : vector<1x16xf32> to vector<16xf32>
    %get3A_1644 = arith.constant 2 : i32
    %get3A_1645 = arith.index_cast %get3A_1644 : i32 to index
    %get3A_1646 = arith.constant 48 : index
    %get3A_1647 = tpu.vector_load %arg12[%get3A_1645, %get3A_1646] {strides = array<i32>} : memref<4x128xf32, #tpu.memory_space<vmem>>, vector<1x16xf32>,
    %get3A_1648 = vector.shape_cast %get3A_1647 : vector<1x16xf32> to vector<16xf32>
    %add3A_1649 = arith.addf %get3A_1643, %get3A_1648 : vector<16xf32>
    %get3A_1650 = arith.constant 2 : i32
    %get3A_1651 = arith.index_cast %get3A_1650 : i32 to index
    %get3A_1652 = arith.constant 48 : index
    %get3A_1653 = tpu.vector_load %arg13[%get3A_1651, %get3A_1652] {strides = array<i32>} : memref<4x128xf32, #tpu.memory_space<vmem>>, vector<1x16xf32>,
    %get3A_1654 = vector.shape_cast %get3A_1653 : vector<1x16xf32> to vector<16xf32>
    %sub3A_1655 = arith.subf %add3A_1649, %get3A_1654 : vector<16xf32>
    %max3A_1656 = arith.constant 0.000000e+00 : f32
    %max3A_1657 = vector.broadcast %max3A_1656 : f32 to vector<16xf32>
    %max3A_1658 = arith.maximumf %sub3A_1655, %max3A_1657 : vector<16xf32>
    %swap3A_1659 = arith.constant 304 : index
    %swap3A_1660 = tpu.vector_load %arg14[%swap3A_1659] {strides = array<i32>} : memref<512xf32, #tpu.memory_space<vmem>>, vector<16xf32>,
    %swap3A_1661 = vector.shape_cast %swap3A_1660 : vector<16xf32> to vector<16xf32>
    %swap3A_1662 = vector.shape_cast %max3A_1658 : vector<16xf32> to vector<16xf32>
    tpu.vector_store %arg14[%swap3A_1659], %swap3A_1662 {strides = array<i32>} : memref<512xf32, #tpu.memory_space<vmem>>, vector<16xf32>,
    %get3A_1663 = arith.constant 2 : i32
    %get3A_1664 = arith.index_cast %get3A_1663 : i32 to index
    %get3A_1665 = arith.constant 64 : index
    %get3A_1666 = tpu.vector_load %arg11[%get3A_1664, %get3A_1665] {strides = array<i32>} : memref<4x128xf32, #tpu.memory_space<vmem>>, vector<1x16xf32>,
    %get3A_1667 = vector.shape_cast %get3A_1666 : vector<1x16xf32> to vector<16xf32>
    %get3A_1668 = arith.constant 2 : i32
    %get3A_1669 = arith.index_cast %get3A_1668 : i32 to index
    %get3A_1670 = arith.constant 64 : index
    %get3A_1671 = tpu.vector_load %arg12[%get3A_1669, %get3A_1670] {strides = array<i32>} : memref<4x128xf32, #tpu.memory_space<vmem>>, vector<1x16xf32>,
    %get3A_1672 = vector.shape_cast %get3A_1671 : vector<1x16xf32> to vector<16xf32>
    %add3A_1673 = arith.addf %get3A_1667, %get3A_1672 : vector<16xf32>
    %get3A_1674 = arith.constant 2 : i32
    %get3A_1675 = arith.index_cast %get3A_1674 : i32 to index
    %get3A_1676 = arith.constant 64 : index
    %get3A_1677 = tpu.vector_load %arg13[%get3A_1675, %get3A_1676] {strides = array<i32>} : memref<4x128xf32, #tpu.memory_space<vmem>>, vector<1x16xf32>,
    %get3A_1678 = vector.shape_cast %get3A_1677 : vector<1x16xf32> to vector<16xf32>
    %sub3A_1679 = arith.subf %add3A_1673, %get3A_1678 : vector<16xf32>
    %max3A_1680 = arith.constant 0.000000e+00 : f32
    %max3A_1681 = vector.broadcast %max3A_1680 : f32 to vector<16xf32>
    %max3A_1682 = arith.maximumf %sub3A_1679, %max3A_1681 : vector<16xf32>
    %swap3A_1683 = arith.constant 320 : index
    %swap3A_1684 = tpu.vector_load %arg14[%swap3A_1683] {strides = array<i32>} : memref<512xf32, #tpu.memory_space<vmem>>, vector<16xf32>,
    %swap3A_1685 = vector.shape_cast %swap3A_1684 : vector<16xf32> to vector<16xf32>
    %swap3A_1686 = vector.shape_cast %max3A_1682 : vector<16xf32> to vector<16xf32>
    tpu.vector_store %arg14[%swap3A_1683], %swap3A_1686 {strides = array<i32>} : memref<512xf32, #tpu.memory_space<vmem>>, vector<16xf32>,
    %get3A_1687 = arith.constant 2 : i32
    %get3A_1688 = arith.index_cast %get3A_1687 : i32 to index
    %get3A_1689 = arith.constant 80 : index
    %get3A_1690 = tpu.vector_load %arg11[%get3A_1688, %get3A_1689] {strides = array<i32>} : memref<4x128xf32, #tpu.memory_space<vmem>>, vector<1x16xf32>,
    %get3A_1691 = vector.shape_cast %get3A_1690 : vector<1x16xf32> to vector<16xf32>
    %get3A_1692 = arith.constant 2 : i32
    %get3A_1693 = arith.index_cast %get3A_1692 : i32 to index
    %get3A_1694 = arith.constant 80 : index
    %get3A_1695 = tpu.vector_load %arg12[%get3A_1693, %get3A_1694] {strides = array<i32>} : memref<4x128xf32, #tpu.memory_space<vmem>>, vector<1x16xf32>,
    %get3A_1696 = vector.shape_cast %get3A_1695 : vector<1x16xf32> to vector<16xf32>
    %add3A_1697 = arith.addf %get3A_1691, %get3A_1696 : vector<16xf32>
    %get3A_1698 = arith.constant 2 : i32
    %get3A_1699 = arith.index_cast %get3A_1698 : i32 to index
    %get3A_1700 = arith.constant 80 : index
    %get3A_1701 = tpu.vector_load %arg13[%get3A_1699, %get3A_1700] {strides = array<i32>} : memref<4x128xf32, #tpu.memory_space<vmem>>, vector<1x16xf32>,
    %get3A_1702 = vector.shape_cast %get3A_1701 : vector<1x16xf32> to vector<16xf32>
    %sub3A_1703 = arith.subf %add3A_1697, %get3A_1702 : vector<16xf32>
    %max3A_1704 = arith.constant 0.000000e+00 : f32
    %max3A_1705 = vector.broadcast %max3A_1704 : f32 to vector<16xf32>
    %max3A_1706 = arith.maximumf %sub3A_1703, %max3A_1705 : vector<16xf32>
    %swap3A_1707 = arith.constant 336 : index
    %swap3A_1708 = tpu.vector_load %arg14[%swap3A_1707] {strides = array<i32>} : memref<512xf32, #tpu.memory_space<vmem>>, vector<16xf32>,
    %swap3A_1709 = vector.shape_cast %swap3A_1708 : vector<16xf32> to vector<16xf32>
    %swap3A_1710 = vector.shape_cast %max3A_1706 : vector<16xf32> to vector<16xf32>
    tpu.vector_store %arg14[%swap3A_1707], %swap3A_1710 {strides = array<i32>} : memref<512xf32, #tpu.memory_space<vmem>>, vector<16xf32>,
    %get3A_1711 = arith.constant 2 : i32
    %get3A_1712 = arith.index_cast %get3A_1711 : i32 to index
    %get3A_1713 = arith.constant 96 : index
    %get3A_1714 = tpu.vector_load %arg11[%get3A_1712, %get3A_1713] {strides = array<i32>} : memref<4x128xf32, #tpu.memory_space<vmem>>, vector<1x16xf32>,
    %get3A_1715 = vector.shape_cast %get3A_1714 : vector<1x16xf32> to vector<16xf32>
    %get3A_1716 = arith.constant 2 : i32
    %get3A_1717 = arith.index_cast %get3A_1716 : i32 to index
    %get3A_1718 = arith.constant 96 : index
    %get3A_1719 = tpu.vector_load %arg12[%get3A_1717, %get3A_1718] {strides = array<i32>} : memref<4x128xf32, #tpu.memory_space<vmem>>, vector<1x16xf32>,
    %get3A_1720 = vector.shape_cast %get3A_1719 : vector<1x16xf32> to vector<16xf32>
    %add3A_1721 = arith.addf %get3A_1715, %get3A_1720 : vector<16xf32>
    %get3A_1722 = arith.constant 2 : i32
    %get3A_1723 = arith.index_cast %get3A_1722 : i32 to index
    %get3A_1724 = arith.constant 96 : index
    %get3A_1725 = tpu.vector_load %arg13[%get3A_1723, %get3A_1724] {strides = array<i32>} : memref<4x128xf32, #tpu.memory_space<vmem>>, vector<1x16xf32>,
    %get3A_1726 = vector.shape_cast %get3A_1725 : vector<1x16xf32> to vector<16xf32>
    %sub3A_1727 = arith.subf %add3A_1721, %get3A_1726 : vector<16xf32>
    %max3A_1728 = arith.constant 0.000000e+00 : f32
    %max3A_1729 = vector.broadcast %max3A_1728 : f32 to vector<16xf32>
    %max3A_1730 = arith.maximumf %sub3A_1727, %max3A_1729 : vector<16xf32>
    %swap3A_1731 = arith.constant 352 : index
    %swap3A_1732 = tpu.vector_load %arg14[%swap3A_1731] {strides = array<i32>} : memref<512xf32, #tpu.memory_space<vmem>>, vector<16xf32>,
    %swap3A_1733 = vector.shape_cast %swap3A_1732 : vector<16xf32> to vector<16xf32>
    %swap3A_1734 = vector.shape_cast %max3A_1730 : vector<16xf32> to vector<16xf32>
    tpu.vector_store %arg14[%swap3A_1731], %swap3A_1734 {strides = array<i32>} : memref<512xf32, #tpu.memory_space<vmem>>, vector<16xf32>,
    %get3A_1735 = arith.constant 2 : i32
    %get3A_1736 = arith.index_cast %get3A_1735 : i32 to index
    %get3A_1737 = arith.constant 112 : index
    %get3A_1738 = tpu.vector_load %arg11[%get3A_1736, %get3A_1737] {strides = array<i32>} : memref<4x128xf32, #tpu.memory_space<vmem>>, vector<1x16xf32>,
    %get3A_1739 = vector.shape_cast %get3A_1738 : vector<1x16xf32> to vector<16xf32>
    %get3A_1740 = arith.constant 2 : i32
    %get3A_1741 = arith.index_cast %get3A_1740 : i32 to index
    %get3A_1742 = arith.constant 112 : index
    %get3A_1743 = tpu.vector_load %arg12[%get3A_1741, %get3A_1742] {strides = array<i32>} : memref<4x128xf32, #tpu.memory_space<vmem>>, vector<1x16xf32>,
    %get3A_1744 = vector.shape_cast %get3A_1743 : vector<1x16xf32> to vector<16xf32>
    %add3A_1745 = arith.addf %get3A_1739, %get3A_1744 : vector<16xf32>
    %get3A_1746 = arith.constant 2 : i32
    %get3A_1747 = arith.index_cast %get3A_1746 : i32 to index
    %get3A_1748 = arith.constant 112 : index
    %get3A_1749 = tpu.vector_load %arg13[%get3A_1747, %get3A_1748] {strides = array<i32>} : memref<4x128xf32, #tpu.memory_space<vmem>>, vector<1x16xf32>,
    %get3A_1750 = vector.shape_cast %get3A_1749 : vector<1x16xf32> to vector<16xf32>
    %sub3A_1751 = arith.subf %add3A_1745, %get3A_1750 : vector<16xf32>
    %max3A_1752 = arith.constant 0.000000e+00 : f32
    %max3A_1753 = vector.broadcast %max3A_1752 : f32 to vector<16xf32>
    %max3A_1754 = arith.maximumf %sub3A_1751, %max3A_1753 : vector<16xf32>
    %swap3A_1755 = arith.constant 368 : index
    %swap3A_1756 = tpu.vector_load %arg14[%swap3A_1755] {strides = array<i32>} : memref<512xf32, #tpu.memory_space<vmem>>, vector<16xf32>,
    %swap3A_1757 = vector.shape_cast %swap3A_1756 : vector<16xf32> to vector<16xf32>
    %swap3A_1758 = vector.shape_cast %max3A_1754 : vector<16xf32> to vector<16xf32>
    tpu.vector_store %arg14[%swap3A_1755], %swap3A_1758 {strides = array<i32>} : memref<512xf32, #tpu.memory_space<vmem>>, vector<16xf32>,
    %get3A_1759 = arith.constant 3 : i32
    %get3A_1760 = arith.index_cast %get3A_1759 : i32 to index
    %get3A_1761 = arith.constant 0 : index
    %get3A_1762 = tpu.vector_load %arg11[%get3A_1760, %get3A_1761] {strides = array<i32>} : memref<4x128xf32, #tpu.memory_space<vmem>>, vector<1x16xf32>,
    %get3A_1763 = vector.shape_cast %get3A_1762 : vector<1x16xf32> to vector<16xf32>
    %get3A_1764 = arith.constant 3 : i32
    %get3A_1765 = arith.index_cast %get3A_1764 : i32 to index
    %get3A_1766 = arith.constant 0 : index
    %get3A_1767 = tpu.vector_load %arg12[%get3A_1765, %get3A_1766] {strides = array<i32>} : memref<4x128xf32, #tpu.memory_space<vmem>>, vector<1x16xf32>,
    %get3A_1768 = vector.shape_cast %get3A_1767 : vector<1x16xf32> to vector<16xf32>
    %add3A_1769 = arith.addf %get3A_1763, %get3A_1768 : vector<16xf32>
    %get3A_1770 = arith.constant 3 : i32
    %get3A_1771 = arith.index_cast %get3A_1770 : i32 to index
    %get3A_1772 = arith.constant 0 : index
    %get3A_1773 = tpu.vector_load %arg13[%get3A_1771, %get3A_1772] {strides = array<i32>} : memref<4x128xf32, #tpu.memory_space<vmem>>, vector<1x16xf32>,
    %get3A_1774 = vector.shape_cast %get3A_1773 : vector<1x16xf32> to vector<16xf32>
    %sub3A_1775 = arith.subf %add3A_1769, %get3A_1774 : vector<16xf32>
    %max3A_1776 = arith.constant 0.000000e+00 : f32
    %max3A_1777 = vector.broadcast %max3A_1776 : f32 to vector<16xf32>
    %max3A_1778 = arith.maximumf %sub3A_1775, %max3A_1777 : vector<16xf32>
    %swap3A_1779 = arith.constant 384 : index
    %swap3A_1780 = tpu.vector_load %arg14[%swap3A_1779] {strides = array<i32>} : memref<512xf32, #tpu.memory_space<vmem>>, vector<16xf32>,
    %swap3A_1781 = vector.shape_cast %swap3A_1780 : vector<16xf32> to vector<16xf32>
    %swap3A_1782 = vector.shape_cast %max3A_1778 : vector<16xf32> to vector<16xf32>
    tpu.vector_store %arg14[%swap3A_1779], %swap3A_1782 {strides = array<i32>} : memref<512xf32, #tpu.memory_space<vmem>>, vector<16xf32>,
    %get3A_1783 = arith.constant 3 : i32
    %get3A_1784 = arith.index_cast %get3A_1783 : i32 to index
    %get3A_1785 = arith.constant 16 : index
    %get3A_1786 = tpu.vector_load %arg11[%get3A_1784, %get3A_1785] {strides = array<i32>} : memref<4x128xf32, #tpu.memory_space<vmem>>, vector<1x16xf32>,
    %get3A_1787 = vector.shape_cast %get3A_1786 : vector<1x16xf32> to vector<16xf32>
    %get3A_1788 = arith.constant 3 : i32
    %get3A_1789 = arith.index_cast %get3A_1788 : i32 to index
    %get3A_1790 = arith.constant 16 : index
    %get3A_1791 = tpu.vector_load %arg12[%get3A_1789, %get3A_1790] {strides = array<i32>} : memref<4x128xf32, #tpu.memory_space<vmem>>, vector<1x16xf32>,
    %get3A_1792 = vector.shape_cast %get3A_1791 : vector<1x16xf32> to vector<16xf32>
    %add3A_1793 = arith.addf %get3A_1787, %get3A_1792 : vector<16xf32>
    %get3A_1794 = arith.constant 3 : i32
    %get3A_1795 = arith.index_cast %get3A_1794 : i32 to index
    %get3A_1796 = arith.constant 16 : index
    %get3A_1797 = tpu.vector_load %arg13[%get3A_1795, %get3A_1796] {strides = array<i32>} : memref<4x128xf32, #tpu.memory_space<vmem>>, vector<1x16xf32>,
    %get3A_1798 = vector.shape_cast %get3A_1797 : vector<1x16xf32> to vector<16xf32>
    %sub3A_1799 = arith.subf %add3A_1793, %get3A_1798 : vector<16xf32>
    %max3A_1800 = arith.constant 0.000000e+00 : f32
    %max3A_1801 = vector.broadcast %max3A_1800 : f32 to vector<16xf32>
    %max3A_1802 = arith.maximumf %sub3A_1799, %max3A_1801 : vector<16xf32>
    %swap3A_1803 = arith.constant 400 : index
    %swap3A_1804 = tpu.vector_load %arg14[%swap3A_1803] {strides = array<i32>} : memref<512xf32, #tpu.memory_space<vmem>>, vector<16xf32>,
    %swap3A_1805 = vector.shape_cast %swap3A_1804 : vector<16xf32> to vector<16xf32>
    %swap3A_1806 = vector.shape_cast %max3A_1802 : vector<16xf32> to vector<16xf32>
    tpu.vector_store %arg14[%swap3A_1803], %swap3A_1806 {strides = array<i32>} : memref<512xf32, #tpu.memory_space<vmem>>, vector<16xf32>,
    %get3A_1807 = arith.constant 3 : i32
    %get3A_1808 = arith.index_cast %get3A_1807 : i32 to index
    %get3A_1809 = arith.constant 32 : index
    %get3A_1810 = tpu.vector_load %arg11[%get3A_1808, %get3A_1809] {strides = array<i32>} : memref<4x128xf32, #tpu.memory_space<vmem>>, vector<1x16xf32>,
    %get3A_1811 = vector.shape_cast %get3A_1810 : vector<1x16xf32> to vector<16xf32>
    %get3A_1812 = arith.constant 3 : i32
    %get3A_1813 = arith.index_cast %get3A_1812 : i32 to index
    %get3A_1814 = arith.constant 32 : index
    %get3A_1815 = tpu.vector_load %arg12[%get3A_1813, %get3A_1814] {strides = array<i32>} : memref<4x128xf32, #tpu.memory_space<vmem>>, vector<1x16xf32>,
    %get3A_1816 = vector.shape_cast %get3A_1815 : vector<1x16xf32> to vector<16xf32>
    %add3A_1817 = arith.addf %get3A_1811, %get3A_1816 : vector<16xf32>
    %get3A_1818 = arith.constant 3 : i32
    %get3A_1819 = arith.index_cast %get3A_1818 : i32 to index
    %get3A_1820 = arith.constant 32 : index
    %get3A_1821 = tpu.vector_load %arg13[%get3A_1819, %get3A_1820] {strides = array<i32>} : memref<4x128xf32, #tpu.memory_space<vmem>>, vector<1x16xf32>,
    %get3A_1822 = vector.shape_cast %get3A_1821 : vector<1x16xf32> to vector<16xf32>
    %sub3A_1823 = arith.subf %add3A_1817, %get3A_1822 : vector<16xf32>
    %max3A_1824 = arith.constant 0.000000e+00 : f32
    %max3A_1825 = vector.broadcast %max3A_1824 : f32 to vector<16xf32>
    %max3A_1826 = arith.maximumf %sub3A_1823, %max3A_1825 : vector<16xf32>
    %swap3A_1827 = arith.constant 416 : index
    %swap3A_1828 = tpu.vector_load %arg14[%swap3A_1827] {strides = array<i32>} : memref<512xf32, #tpu.memory_space<vmem>>, vector<16xf32>,
    %swap3A_1829 = vector.shape_cast %swap3A_1828 : vector<16xf32> to vector<16xf32>
    %swap3A_1830 = vector.shape_cast %max3A_1826 : vector<16xf32> to vector<16xf32>
    tpu.vector_store %arg14[%swap3A_1827], %swap3A_1830 {strides = array<i32>} : memref<512xf32, #tpu.memory_space<vmem>>, vector<16xf32>,
    %get3A_1831 = arith.constant 3 : i32
    %get3A_1832 = arith.index_cast %get3A_1831 : i32 to index
    %get3A_1833 = arith.constant 48 : index
    %get3A_1834 = tpu.vector_load %arg11[%get3A_1832, %get3A_1833] {strides = array<i32>} : memref<4x128xf32, #tpu.memory_space<vmem>>, vector<1x16xf32>,
    %get3A_1835 = vector.shape_cast %get3A_1834 : vector<1x16xf32> to vector<16xf32>
    %get3A_1836 = arith.constant 3 : i32
    %get3A_1837 = arith.index_cast %get3A_1836 : i32 to index
    %get3A_1838 = arith.constant 48 : index
    %get3A_1839 = tpu.vector_load %arg12[%get3A_1837, %get3A_1838] {strides = array<i32>} : memref<4x128xf32, #tpu.memory_space<vmem>>, vector<1x16xf32>,
    %get3A_1840 = vector.shape_cast %get3A_1839 : vector<1x16xf32> to vector<16xf32>
    %add3A_1841 = arith.addf %get3A_1835, %get3A_1840 : vector<16xf32>
    %get3A_1842 = arith.constant 3 : i32
    %get3A_1843 = arith.index_cast %get3A_1842 : i32 to index
    %get3A_1844 = arith.constant 48 : index
    %get3A_1845 = tpu.vector_load %arg13[%get3A_1843, %get3A_1844] {strides = array<i32>} : memref<4x128xf32, #tpu.memory_space<vmem>>, vector<1x16xf32>,
    %get3A_1846 = vector.shape_cast %get3A_1845 : vector<1x16xf32> to vector<16xf32>
    %sub3A_1847 = arith.subf %add3A_1841, %get3A_1846 : vector<16xf32>
    %max3A_1848 = arith.constant 0.000000e+00 : f32
    %max3A_1849 = vector.broadcast %max3A_1848 : f32 to vector<16xf32>
    %max3A_1850 = arith.maximumf %sub3A_1847, %max3A_1849 : vector<16xf32>
    %swap3A_1851 = arith.constant 432 : index
    %swap3A_1852 = tpu.vector_load %arg14[%swap3A_1851] {strides = array<i32>} : memref<512xf32, #tpu.memory_space<vmem>>, vector<16xf32>,
    %swap3A_1853 = vector.shape_cast %swap3A_1852 : vector<16xf32> to vector<16xf32>
    %swap3A_1854 = vector.shape_cast %max3A_1850 : vector<16xf32> to vector<16xf32>
    tpu.vector_store %arg14[%swap3A_1851], %swap3A_1854 {strides = array<i32>} : memref<512xf32, #tpu.memory_space<vmem>>, vector<16xf32>,
    %get3A_1855 = arith.constant 3 : i32
    %get3A_1856 = arith.index_cast %get3A_1855 : i32 to index
    %get3A_1857 = arith.constant 64 : index
    %get3A_1858 = tpu.vector_load %arg11[%get3A_1856, %get3A_1857] {strides = array<i32>} : memref<4x128xf32, #tpu.memory_space<vmem>>, vector<1x16xf32>,
    %get3A_1859 = vector.shape_cast %get3A_1858 : vector<1x16xf32> to vector<16xf32>
    %get3A_1860 = arith.constant 3 : i32
    %get3A_1861 = arith.index_cast %get3A_1860 : i32 to index
    %get3A_1862 = arith.constant 64 : index
    %get3A_1863 = tpu.vector_load %arg12[%get3A_1861, %get3A_1862] {strides = array<i32>} : memref<4x128xf32, #tpu.memory_space<vmem>>, vector<1x16xf32>,
    %get3A_1864 = vector.shape_cast %get3A_1863 : vector<1x16xf32> to vector<16xf32>
    %add3A_1865 = arith.addf %get3A_1859, %get3A_1864 : vector<16xf32>
    %get3A_1866 = arith.constant 3 : i32
    %get3A_1867 = arith.index_cast %get3A_1866 : i32 to index
    %get3A_1868 = arith.constant 64 : index
    %get3A_1869 = tpu.vector_load %arg13[%get3A_1867, %get3A_1868] {strides = array<i32>} : memref<4x128xf32, #tpu.memory_space<vmem>>, vector<1x16xf32>,
    %get3A_1870 = vector.shape_cast %get3A_1869 : vector<1x16xf32> to vector<16xf32>
    %sub3A_1871 = arith.subf %add3A_1865, %get3A_1870 : vector<16xf32>
    %max3A_1872 = arith.constant 0.000000e+00 : f32
    %max3A_1873 = vector.broadcast %max3A_1872 : f32 to vector<16xf32>
    %max3A_1874 = arith.maximumf %sub3A_1871, %max3A_1873 : vector<16xf32>
    %swap3A_1875 = arith.constant 448 : index
    %swap3A_1876 = tpu.vector_load %arg14[%swap3A_1875] {strides = array<i32>} : memref<512xf32, #tpu.memory_space<vmem>>, vector<16xf32>,
    %swap3A_1877 = vector.shape_cast %swap3A_1876 : vector<16xf32> to vector<16xf32>
    %swap3A_1878 = vector.shape_cast %max3A_1874 : vector<16xf32> to vector<16xf32>
    tpu.vector_store %arg14[%swap3A_1875], %swap3A_1878 {strides = array<i32>} : memref<512xf32, #tpu.memory_space<vmem>>, vector<16xf32>,
    %get3A_1879 = arith.constant 3 : i32
    %get3A_1880 = arith.index_cast %get3A_1879 : i32 to index
    %get3A_1881 = arith.constant 80 : index
    %get3A_1882 = tpu.vector_load %arg11[%get3A_1880, %get3A_1881] {strides = array<i32>} : memref<4x128xf32, #tpu.memory_space<vmem>>, vector<1x16xf32>,
    %get3A_1883 = vector.shape_cast %get3A_1882 : vector<1x16xf32> to vector<16xf32>
    %get3A_1884 = arith.constant 3 : i32
    %get3A_1885 = arith.index_cast %get3A_1884 : i32 to index
    %get3A_1886 = arith.constant 80 : index
    %get3A_1887 = tpu.vector_load %arg12[%get3A_1885, %get3A_1886] {strides = array<i32>} : memref<4x128xf32, #tpu.memory_space<vmem>>, vector<1x16xf32>,
    %get3A_1888 = vector.shape_cast %get3A_1887 : vector<1x16xf32> to vector<16xf32>
    %add3A_1889 = arith.addf %get3A_1883, %get3A_1888 : vector<16xf32>
    %get3A_1890 = arith.constant 3 : i32
    %get3A_1891 = arith.index_cast %get3A_1890 : i32 to index
    %get3A_1892 = arith.constant 80 : index
    %get3A_1893 = tpu.vector_load %arg13[%get3A_1891, %get3A_1892] {strides = array<i32>} : memref<4x128xf32, #tpu.memory_space<vmem>>, vector<1x16xf32>,
    %get3A_1894 = vector.shape_cast %get3A_1893 : vector<1x16xf32> to vector<16xf32>
    %sub3A_1895 = arith.subf %add3A_1889, %get3A_1894 : vector<16xf32>
    %max3A_1896 = arith.constant 0.000000e+00 : f32
    %max3A_1897 = vector.broadcast %max3A_1896 : f32 to vector<16xf32>
    %max3A_1898 = arith.maximumf %sub3A_1895, %max3A_1897 : vector<16xf32>
    %swap3A_1899 = arith.constant 464 : index
    %swap3A_1900 = tpu.vector_load %arg14[%swap3A_1899] {strides = array<i32>} : memref<512xf32, #tpu.memory_space<vmem>>, vector<16xf32>,
    %swap3A_1901 = vector.shape_cast %swap3A_1900 : vector<16xf32> to vector<16xf32>
    %swap3A_1902 = vector.shape_cast %max3A_1898 : vector<16xf32> to vector<16xf32>
    tpu.vector_store %arg14[%swap3A_1899], %swap3A_1902 {strides = array<i32>} : memref<512xf32, #tpu.memory_space<vmem>>, vector<16xf32>,
    %get3A_1903 = arith.constant 3 : i32
    %get3A_1904 = arith.index_cast %get3A_1903 : i32 to index
    %get3A_1905 = arith.constant 96 : index
    %get3A_1906 = tpu.vector_load %arg11[%get3A_1904, %get3A_1905] {strides = array<i32>} : memref<4x128xf32, #tpu.memory_space<vmem>>, vector<1x16xf32>,
    %get3A_1907 = vector.shape_cast %get3A_1906 : vector<1x16xf32> to vector<16xf32>
    %get3A_1908 = arith.constant 3 : i32
    %get3A_1909 = arith.index_cast %get3A_1908 : i32 to index
    %get3A_1910 = arith.constant 96 : index
    %get3A_1911 = tpu.vector_load %arg12[%get3A_1909, %get3A_1910] {strides = array<i32>} : memref<4x128xf32, #tpu.memory_space<vmem>>, vector<1x16xf32>,
    %get3A_1912 = vector.shape_cast %get3A_1911 : vector<1x16xf32> to vector<16xf32>
    %add3A_1913 = arith.addf %get3A_1907, %get3A_1912 : vector<16xf32>
    %get3A_1914 = arith.constant 3 : i32
    %get3A_1915 = arith.index_cast %get3A_1914 : i32 to index
    %get3A_1916 = arith.constant 96 : index
    %get3A_1917 = tpu.vector_load %arg13[%get3A_1915, %get3A_1916] {strides = array<i32>} : memref<4x128xf32, #tpu.memory_space<vmem>>, vector<1x16xf32>,
    %get3A_1918 = vector.shape_cast %get3A_1917 : vector<1x16xf32> to vector<16xf32>
    %sub3A_1919 = arith.subf %add3A_1913, %get3A_1918 : vector<16xf32>
    %max3A_1920 = arith.constant 0.000000e+00 : f32
    %max3A_1921 = vector.broadcast %max3A_1920 : f32 to vector<16xf32>
    %max3A_1922 = arith.maximumf %sub3A_1919, %max3A_1921 : vector<16xf32>
    %swap3A_1923 = arith.constant 480 : index
    %swap3A_1924 = tpu.vector_load %arg14[%swap3A_1923] {strides = array<i32>} : memref<512xf32, #tpu.memory_space<vmem>>, vector<16xf32>,
    %swap3A_1925 = vector.shape_cast %swap3A_1924 : vector<16xf32> to vector<16xf32>
    %swap3A_1926 = vector.shape_cast %max3A_1922 : vector<16xf32> to vector<16xf32>
    tpu.vector_store %arg14[%swap3A_1923], %swap3A_1926 {strides = array<i32>} : memref<512xf32, #tpu.memory_space<vmem>>, vector<16xf32>,
    %get3A_1927 = arith.constant 3 : i32
    %get3A_1928 = arith.index_cast %get3A_1927 : i32 to index
    %get3A_1929 = arith.constant 112 : index
    %get3A_1930 = tpu.vector_load %arg11[%get3A_1928, %get3A_1929] {strides = array<i32>} : memref<4x128xf32, #tpu.memory_space<vmem>>, vector<1x16xf32>,
    %get3A_1931 = vector.shape_cast %get3A_1930 : vector<1x16xf32> to vector<16xf32>
    %get3A_1932 = arith.constant 3 : i32
    %get3A_1933 = arith.index_cast %get3A_1932 : i32 to index
    %get3A_1934 = arith.constant 112 : index
    %get3A_1935 = tpu.vector_load %arg12[%get3A_1933, %get3A_1934] {strides = array<i32>} : memref<4x128xf32, #tpu.memory_space<vmem>>, vector<1x16xf32>,
    %get3A_1936 = vector.shape_cast %get3A_1935 : vector<1x16xf32> to vector<16xf32>
    %add3A_1937 = arith.addf %get3A_1931, %get3A_1936 : vector<16xf32>
    %get3A_1938 = arith.constant 3 : i32
    %get3A_1939 = arith.index_cast %get3A_1938 : i32 to index
    %get3A_1940 = arith.constant 112 : index
    %get3A_1941 = tpu.vector_load %arg13[%get3A_1939, %get3A_1940] {strides = array<i32>} : memref<4x128xf32, #tpu.memory_space<vmem>>, vector<1x16xf32>,
    %get3A_1942 = vector.shape_cast %get3A_1941 : vector<1x16xf32> to vector<16xf32>
    %sub3A_1943 = arith.subf %add3A_1937, %get3A_1942 : vector<16xf32>
    %max3A_1944 = arith.constant 0.000000e+00 : f32
    %max3A_1945 = vector.broadcast %max3A_1944 : f32 to vector<16xf32>
    %max3A_1946 = arith.maximumf %sub3A_1943, %max3A_1945 : vector<16xf32>
    %swap3A_1947 = arith.constant 496 : index
    %swap3A_1948 = tpu.vector_load %arg14[%swap3A_1947] {strides = array<i32>} : memref<512xf32, #tpu.memory_space<vmem>>, vector<16xf32>,
    %swap3A_1949 = vector.shape_cast %swap3A_1948 : vector<16xf32> to vector<16xf32>
    %swap3A_1950 = vector.shape_cast %max3A_1946 : vector<16xf32> to vector<16xf32>
    tpu.vector_store %arg14[%swap3A_1947], %swap3A_1950 {strides = array<i32>} : memref<512xf32, #tpu.memory_space<vmem>>, vector<16xf32>,
    "tpu.region"() ({
      %run_scoped3A = tpu.sem_alloc : memref<!tpu.dma_semaphore, #tpu.memory_space<semaphore_mem>>
      %dma_start3A_1951 = tpu.memref_slice %arg6[%mul3A_2] : memref<16384xf32, #tpu.memory_space<hbm>> -> memref<512xf32, #tpu.memory_space<hbm>>
      %dma_start3A_1952 = tpu.memref_slice %arg6[%mul3A_2] : memref<16384xf32, #tpu.memory_space<hbm>> -> memref<512xf32, #tpu.memory_space<hbm>>
      tpu.enqueue_dma source(%arg14 : memref<512xf32, #tpu.memory_space<vmem>>) target(%dma_start3A_1952 : memref<512xf32, #tpu.memory_space<hbm>>) target_semaphore(%run_scoped3A : memref<!tpu.dma_semaphore, #tpu.memory_space<semaphore_mem>>)
      %dma_wait3A_1953 = tpu.memref_slice %arg6[%mul3A_2] : memref<16384xf32, #tpu.memory_space<hbm>> -> memref<512xf32, #tpu.memory_space<hbm>>
      %dma_wait3A_1954 = tpu.memref_slice %arg6[%mul3A_2] : memref<16384xf32, #tpu.memory_space<hbm>> -> memref<512xf32, #tpu.memory_space<hbm>>
      tpu.wait_dma2 semaphore(%run_scoped3A : memref<!tpu.dma_semaphore, #tpu.memory_space<semaphore_mem>>) src(%arg14 : memref<512xf32, #tpu.memory_space<vmem>>) dst(%dma_wait3A_1954 : memref<512xf32, #tpu.memory_space<hbm>>)
      tpu.yield
    }) : () -> ()
    return
  }
}

</mosaic_0001>

<sc_bundles>
// kernel: kernel.3.cloned.1.call-start
scs
__scs_entry_jumppad:
0x0: {  	(pc) =	sbr.rel $0x88, $3  }
0x1: {  	(tag) =	ssettag $0x0;
	lr =	simm.s32 $0x1  }
0x2: {  	[smem:$0x3F9B] =	sst lr;
	_ =	strace $0xD0000000  }
0x3: {  	_ = 	snop  }
0x4: {  	_ = 	snop  }
0x5: {  	_ = 	snop  }
0x6: {  	_ = 	snop  }
0x7: {  	_ = 	snop  }
__scs_overlays_trampoline_lowered:
0x8: {  	[smem:$0x3FAA] =	sst s0  }
0x9: {  	[smem:$0x3FAB] =	sst s1  }
0xa: {  	[smem:$0x3FAC] =	sst s2  }
0xb: {  	[smem:$0x3FAD] =	sst s3  }
0xc: {  	[smem:$0x3FAE] =	sst s4  }
0xd: {  	[smem:$0x3FAF] =	sst s5  }
0xe: {  	[smem:$0x3FB0] =	sst s6  }
0xf: {  	[smem:$0x3FB1] =	sst s7  }
0x10: {  	[smem:$0x3FB2] =	sst s8  }
0x11: {  	[smem:$0x3FB3] =	sst s9;
	s0 =	simm.s32 @!p0 $0x0  }
0x12: {  	s1 =	sld [smem:$0x3F99];
	s0 =	simm.s32 @p0 $0x1  }
0x13: {  	[smem:$0x3FB4] =	sst s0;
	s0 =	simm.s32 @!p1 $0x0  }
0x14: {  	s2 =	sld [smem:$0x3F98];
	s0 =	simm.s32 @p1 $0x1  }
0x15: {  	[smem:$0x3FB5] =	sst s0;
	s0 =	simm.s32 @!p2 $0x0  }
0x16: {  	s3 =	sld [smem:$0x3FDB];
	s0 =	simm.s32 @p2 $0x1  }
0x17: {  	s4 =	simm.s32 $0x1BF5;
	[smem:$0x3FB7] =	sst s0  }
0x18: {  	s0 =	sld [smem:$0x3F9A];
	_ =	swait.ge [sflag:s4], $0x0  }
0x19: {  	s7 =	sld [smem:$0x3F9B]  }
0x1a: {  	s8 =	sadd.s32 $0xFFFFE003, lr  }
0x1b: {  	s9 =	sadd.s32 $0xFFFFFEF7, lr;
	s5 =	simm.s32 $0xFFFFFFFF;
	p2 =	slt.u32 s8, $0xFFFFF086  }
0x1c: {  	p1 =	slt.u32 s9, $0xF7A;
	s5 =	simm.s32 @!p2 $0x0  }
0x1d: {  	s5 =	simm.s32 @p1 $0x1;
	p0 =	seq.s32 s7, s2  }
0x1e: {  	s7 =	smul.u32 @!p0 $0xF7A, s2;
	p2 =	seq.s32 @!p0 s5, $0x0  }
0x1f: {  	s9 =	smul.u32 $0xF7A, s1;
	s8 =	simm.s32 @!p0 $0x1BF5;
	p2 =	por !p2, p0  }
0x20: {  	[sflag:s8] =	ssyncset.s32 @!p0 $0xFFFFF086;
	s6 =	sadd.s32 @!p0 s3, s7;
	s7 =	simm.s32 @!p0 $0x108  }
0x21: {  	s3 =	sadd.s32 s3, s9;
	s6 =	sadd.s32 @!p0 $0x88, s6;
	s7 =	simm.s32 @p2 $0x1082  }
0x22: {  	[simem:s7], [sflag:s8] =	dma.local @!p0 [hbm:s6], $0xF7A  }
0x23: {  	s9 =	sor.u32 $0xD0000000, s2;
	s6 =	simm.s32 $0x108;
	_ =	swait.ge @!p0 [sflag:s8], $0x0  }
0x24: {  	s3 =	sadd.s32 $0x88, s3;
	s6 =	simm.s32 @!p1 $0x1082;
	[sflag:s4] =	ssyncset.s32 $0xFFFFF086  }
0x25: {  	[simem:s6], [sflag:s4] =	dma.local [hbm:s3], $0xF7A  }
0x26: {  	[smem:$0x3F9B] =	sst s1;
	(tag) =	ssettag s2;
	_ =	strace s9  }
0x27: {  	s1 =	sld [smem:$0x3FAB]  }
0x28: {  	s2 =	sld [smem:$0x3FAC]  }
0x29: {  	s4 =	sld [smem:$0x3FAE]  }
0x2a: {  	p0 =	seq.s32 s5, $0x0;
	s5 =	sld [smem:$0x3FAF]  }
0x2b: {  	s6 =	sld [smem:$0x3FB0]  }
0x2c: {  	s7 =	sld [smem:$0x3FB1]  }
0x2d: {  	s3 =	simm.s32 $0x108;
	s8 =	sld [smem:$0x3FB2]  }
0x2e: {  	s3 =	simm.s32 @!p0 $0x1082;
	s9 =	sld [smem:$0x3FB3]  }
0x2f: {  	lr =	sadd.s32 s0, s3;
	s0 =	sld [smem:$0x3FAA]  }
0x30: {  	s3 =	sld [smem:$0x3FAD]  }
0x31: {  	[smem:$0x3FB6] =	sst s10  }
0x32: {  	s10 =	sld [smem:$0x3FB4];
	_ =	sdelay $0x3  }
0x33: {  	p0 =	seq.s32 s10, $0x1;
	s10 =	sld [smem:$0x3FB6];
	_ =	sdelay $0x3  }
0x34: {  	[smem:$0x3FB6] =	sst s10  }
0x35: {  	s10 =	sld [smem:$0x3FB5];
	_ =	sdelay $0x3  }
0x36: {  	p1 =	seq.s32 s10, $0x1;
	s10 =	sld [smem:$0x3FB6];
	_ =	sdelay $0x3  }
0x37: {  	[smem:$0x3FB6] =	sst s10  }
0x38: {  	s10 =	sld [smem:$0x3FB7]  }
0x39: {  	_ = 	snop;
	(pc) =	sbr.ind lr, $3  }
0x3a: {  	_ = 	snop  }
0x3b: {  	_ = 	snop  }
0x3c: {  	p2 =	seq.s32 s10, $0x1;
	s10 =	sld [smem:$0x3FB6]  }
0x3d: {  	_ =	shalt  }
0x3e: {  	_ =	shalt  }
0x3f: {  	_ =	shalt  }
0x40: {  	_ =	shalt  }
0x41: {  	_ =	shalt  }
0x42: {  	_ =	shalt  }
0x43: {  	_ =	shalt  }
0x44: {  	_ =	shalt  }
0x45: {  	_ =	shalt  }
0x46: {  	_ =	shalt  }
0x47: {  	_ =	shalt  }
0x48: {  	_ =	shalt  }
0x49: {  	_ =	shalt  }
0x4a: {  	_ =	shalt  }
0x4b: {  	_ =	shalt  }
0x4c: {  	_ =	shalt  }
0x4d: {  	_ =	shalt  }
0x4e: {  	_ =	shalt  }
0x4f: {  	_ =	shalt  }
0x50: {  	_ =	shalt  }
0x51: {  	_ =	shalt  }
0x52: {  	_ =	shalt  }
0x53: {  	_ =	shalt  }
0x54: {  	_ =	shalt  }
0x55: {  	_ =	shalt  }
0x56: {  	_ =	shalt  }
0x57: {  	_ =	shalt  }
0x58: {  	_ =	shalt  }
0x59: {  	_ =	shalt  }
0x5a: {  	_ =	shalt  }
0x5b: {  	_ =	shalt  }
0x5c: {  	_ =	shalt  }
0x5d: {  	_ =	shalt  }
0x5e: {  	_ =	shalt  }
0x5f: {  	_ =	shalt  }
0x60: {  	_ =	shalt  }
0x61: {  	_ =	shalt  }
0x62: {  	_ =	shalt  }
0x63: {  	_ =	shalt  }
0x64: {  	_ =	shalt  }
0x65: {  	_ =	shalt  }
0x66: {  	_ =	shalt  }
0x67: {  	_ =	shalt  }
0x68: {  	_ =	shalt  }
0x69: {  	_ =	shalt  }
0x6a: {  	_ =	shalt  }
0x6b: {  	_ =	shalt  }
0x6c: {  	_ =	shalt  }
0x6d: {  	_ =	shalt  }
0x6e: {  	_ =	shalt  }
0x6f: {  	_ =	shalt  }
0x70: {  	_ =	shalt  }
0x71: {  	_ =	shalt  }
0x72: {  	_ =	shalt  }
0x73: {  	_ =	shalt  }
0x74: {  	_ =	shalt  }
0x75: {  	_ =	shalt  }
0x76: {  	_ =	shalt  }
0x77: {  	_ =	shalt  }
0x78: {  	_ =	shalt  }
0x79: {  	_ =	shalt  }
0x7a: {  	_ =	shalt  }
0x7b: {  	_ =	shalt  }
0x7c: {  	_ =	shalt  }
0x7d: {  	_ =	shalt  }
0x7e: {  	_ =	shalt  }
0x7f: {  	_ =	shalt  }
0x80: {  	_ =	shalt  }
0x81: {  	_ =	shalt  }
0x82: {  	_ =	shalt  }
0x83: {  	_ =	shalt  }
0x84: {  	_ =	shalt  }
0x85: {  	_ =	shalt  }
0x86: {  	_ =	shalt  }
0x87: {  	_ =	shalt  }
.Lfunc_end0:
.L_simem_size_0:
called_computation_lowered:
.L_overlay_start_0:
0x88: {  	s2 =	sld [smem:$0x3FD9]  }
0x89: {  	s3 =	sld [smem:$0x3FFE];
	_ =	sdelay $0x1  }
0x8a: {  	s1 =	srdreg.scid  }
0x8b: {  	s0 =	sand.u32 $0x1, s1  }
0x8c: {  	s17 =	sshll.u32 s0, $0xA;
	s2 =	sadd.s32 s3, s2  }
0x8d: {  	s2 =	sadd.s32 s2, s17  }
0x8e: {  	[smem:$0x3FC2] =	sst s2  }
0x8f: {  	_ = 	snop  }
0x90: {  	s2 =	sld [smem:$0x3FD0];
	(tm) =	ssettm $0x1  }
0x91: {  	s18 =	sld [smem:$0x3FFB];
	_ =	sdelay $0x3  }
0x92: {  	_ =	strace s18  }
0x93: {  	s3 =	sld [smem:$0x3FFC];
	_ =	sdelay $0x3  }
0x94: {  	_ =	strace s3  }
0x95: {  	s3 =	sld [smem:$0x3FFD];
	_ =	sdelay $0x3  }
0x96: {  	_ =	strace s3  }
0x97: {  	_ =	strace $0x8FFFFFFF  }
0x98: {  	s19 =	sld [smem:$0x3FDB];
	_ =	sdelay $0x1  }
0x99: {  	s4 =	simm.s32 $_scs_section_size  }
0x9a: {  	s5 =	simm.s32 $_size__tile_overlayer_lowered;
	s6 =	simm.s32 $_tile_overlayer_lowered  }
0x9b: {  	s22 =	simm.s32 $0x1BFF;
	s21 =	sshll.u32 s6, $0x1;
	s3 =	sadd.s32 s4, s19  }
0x9c: {  	s7 =	simm.s32 $0x0;
	s20 =	sshll.u32 s5, $0x1;
	s5 =	sadd.s32 s21, s3  }
0x9d: {  	[timem:s7], [sflag:s22] =	dma.local [hbm:s5], s20  }
0x9e: {  	_ =	swait.ge [sflag:s22], s20  }
0x9f: {  	s4 =	ssub.s32 $0x0, s20;
	[sflag:s22] =	ssyncset.done $0x0  }
0xa0: {  	[sflag:s22] =	ssyncadd.s32 s4;
	_ =	sdelay $0x1  }
0xa1: {  	s23 =	simm.s32 $0x1B8B  }
0xa2: {  	_ =	swait.ge [sflag:s23], $0x1  }
0xa3: {  	[sflag:s23] =	ssyncset.done $0x0  }
0xa4: {  	s25 =	simm.s32 $0x1B8E;
	s24 =	sld [smem:$0x3FFE];
	[sflag:s23] =	ssyncadd.s32 $0xFFFFFFFF  }
0xa5: {  	s26 =	simm.s32 $execute0_lowered;
	[smem:$0x3FD2] =	sst s25  }
0xa6: {  	s5 =	sshll.u32 s26, $0x1;
	_ =	strace $0x80000046;
	[dreg:$0x1] =	wrdreg $0xFFFFFFFF  }
0xa7: {  	s28 =	simm.s32 $_size_execute0_lowered;
	s3 =	sadd.s32 s3, s5;
	[dreg:$0x0] =	wrdreg $0x0  }
0xa8: {  	s5 =	sshll.u32 s28, $0x1;
	[dreg:$0x2] =	wrdreg s3  }
0xa9: {  	[dreg:$0x3] =	wrdreg s5  }
0xaa: {  	[dreg:$0x4] =	wrdreg $0xC0  }
0xab: {  	_ =	task [dreg:s7], $0x5FFFF  }
0xac: {  	[dreg:$0x1] =	wrdreg $0xFFFFFFFF  }
0xad: {  	[dreg:$0x0] =	wrdreg $0x60  }
0xae: {  	[dreg:$0x2] =	wrdreg s24  }
0xaf: {  	[dreg:$0x3] =	wrdreg s2  }
0xb0: {  	[dreg:$0x4] =	wrdreg $0x9  }
0xb1: {  	_ =	task.clear_ibuf [dreg:s7], $0x5FFFF;
	_ =	strace $0x90000046  }
0xb2: {  	s29 =	simm.s32 $0x9;
	_ =	strace $0x80000048  }
0xb3: {  	_ =	swait.ge [sflag:s29], $0x1  }
0xb4: {  	[sflag:s29] =	ssyncadd.s32 $0xFFFFFFFF  }
0xb5: {  	_ =	strace $0x90000048  }
0xb6: {  	_ =	sfence  }
0xb7: {  	s30 =	sld [smem:$0x0];
	_ =	sdelay $0x2  }
0xb8: {  	s31 =	sshll.u32 s1, $0xD;
	s1 =	sshrl.u32 s1, $0x2  }
0xb9: {  	s3 =	sand.u32 $0x4000, s31;
	s1 =	sadd.s32 s1, s30  }
0xba: {  	s0 =	sor.u32 s3, s0;
	s1 =	sshll.u32 s1, $0x11  }
0xbb: {  	s0 =	sor.u32 s1, s0  }
0xbc: {  	s0 =	sadd.s32 $0x8F2B, s0  }
0xbd: {  	[sflag:s0] =	ssyncadd.remote.s32 $0x1  }
0xbe: {  	_ =	sfence.sel $0xFFFF  }
0xbf: {  	[dreg:$0x0] =	wrdreg $0xFFFFFFFF;
	(pc) =	sbr.abs _section_cstart, $3  }
0xc0: {  	[dreg:$0x1] =	wrdreg $0xFFFFFFFF  }
0xc1: {  	_ =	task.clear_ibuf [dreg:s7], $0x2FFFF;
	_ =	strace $0x9FFFFFFF  }
0xc2: {  	(tm) =	ssettm $0x7FFFFFFF  }
0xc3: {  	_ =	shalt  }
tec
execute0_lowered:
.L_overlay_start_1:
0x0: {  	(tag) =	ssettag $0x1  }
0x1: {  	s4 =	srdreg.scid;
	s1 =	stileid.u32  }
0x2: {  	s0 =	rddreg [dreg:$0x0];
	s5 =	sand.u32 $0x1, s4;
	s7 =	sshll.u32 s1, $0x1  }
0x3: {  	s6 =	rddreg [dreg:$0x1];
	v0 =	vlaneseq.u32;
	s7 =	sor.u32 s5, s7  }
0x4: {  	s2 =	simm.s32 $0x0;
	v31 =	vmul.u32 $0x3E8, v0;
	s8 =	ssub.s32 $0x2, s5;
	s11 =	smul.u32 $0x7D000, s7  }
0x5: {  	[smem:$0x7FF] =	sst s2;
	s10 =	sshrl.u32 s8, $0x1  }
0x6: {  	s9 =	sadd.s32 $0x400, s0;
	s25 =	ssub.s32 s8, s10;
	s8 =	sadd.s32 $0x3E80, s11;
	v39 =	vadd.s32 s11, v31  }
0x7: {  	_ =	strace $0x80000047;
	[dreg:$0x3] =	wrdreg s9;
	s9 =	sadd.s32 $0x7D00, s11;
	v0 =	vadd.s32 s8, v31;
	[tilespmem:$0x1FE70] =	vst v39  }
0x8: {  	s10 =	sadd.s32 $0xBB80, s11;
	v33 =	vadd.s32 s9, v31;
	[tilespmem:$0x1FE00] =	vst v0  }
0x9: {  	s12 =	sadd.s32 $0xFA00, s11;
	v34 =	vadd.s32 s10, v31;
	[tilespmem:$0x1FE10] =	vst v33  }
0xa: {  	s13 =	sadd.s32 $0x13880, s11;
	v35 =	vadd.s32 s12, v31;
	[tilespmem:$0x1FE20] =	vst v34  }
0xb: {  	s14 =	sadd.s32 $0x17700, s11;
	v36 =	vadd.s32 s13, v31;
	[tilespmem:$0x1FE30] =	vst v35  }
0xc: {  	s15 =	sadd.s32 $0x1B580, s11;
	v37 =	vadd.s32 s14, v31;
	[tilespmem:$0x1FE40] =	vst v36  }
0xd: {  	s16 =	sadd.s32 $0x1F400, s11;
	v38 =	vadd.s32 s15, v31;
	[tilespmem:$0x1FE50] =	vst v37  }
0xe: {  	s17 =	sadd.s32 $0x23280, s11;
	v40 =	vadd.s32 s16, v31;
	[tilespmem:$0x1FE60] =	vst v38  }
0xf: {  	s18 =	sadd.s32 $0x27100, s11;
	v41 =	vadd.s32 s17, v31;
	[tilespmem:$0x1FE80] =	vst v40  }
0x10: {  	s26 =	simm.s32 $0x200;
	s3 =	sadd.s32 $0x200400, s0;
	s19 =	sadd.s32 $0x2AF80, s11;
	v42 =	vadd.s32 s18, v31;
	[tilespmem:$0x1FE90] =	vst v41  }
0x11: {  	s4 =	sadd.s32 $0x3F4400, s0;
	s1 =	simm.s32 $0x400;
	s20 =	sadd.s32 $0x2EE00, s11;
	v43 =	vadd.s32 s19, v31;
	[tilespmem:$0x1FEA0] =	vst v42  }
0x12: {  	s5 =	sadd.s32 $0x5E8400, s0;
	[dreg:$0x5] =	wrdreg s26;
	s21 =	sadd.s32 $0x32C80, s11;
	v44 =	vadd.s32 s20, v31;
	[tilespmem:$0x1FEB0] =	vst v43  }
0x13: {  	s0 =	simm.s32 $0x800;
	[dreg:$0x7] =	wrdreg s1;
	s22 =	sadd.s32 $0x36B00, s11;
	v45 =	vadd.s32 s21, v31;
	[tilespmem:$0x1FEC0] =	vst v44  }
0x14: {  	s7 =	sshll.u32 s7, $0x6;
	[dreg:$0x6] =	wrdreg s0;
	s23 =	sadd.s32 $0x3A980, s11;
	v46 =	vadd.s32 s22, v31;
	[tilespmem:$0x1FED0] =	vst v45  }
0x15: {  	s6 =	sadd.s32 s6, s7;
	[dreg:$0x8] =	wrdreg s25;
	s24 =	sadd.s32 $0x3E800, s11;
	v47 =	vadd.s32 s23, v31;
	[tilespmem:$0x1FEE0] =	vst v46  }
0x16: {  	[dreg:$0x4] =	wrdreg s6;
	s25 =	sadd.s32 $0x42680, s11;
	s26 =	sadd.s32 $0x46500, s11;
	v48 =	vadd.s32 s24, v31;
	[tilespmem:$0x1FEF0] =	vst v47  }
0x17: {  	s28 =	sadd.s32 $0x4A380, s11;
	s29 =	sadd.s32 $0x4E200, s11;
	s30 =	sadd.s32 $0x52080, s11;
	v49 =	vadd.s32 s25, v31;
	[tilespmem:$0x1FF00] =	vst v48  }
0x18: {  	s31 =	sadd.s32 $0x55F00, s11;
	s6 =	sadd.s32 $0x59D80, s11;
	s7 =	sadd.s32 $0x5DC00, s11;
	v50 =	vadd.s32 s26, v31;
	[tilespmem:$0x1FF10] =	vst v49  }
0x19: {  	s0 =	sadd.s32 $0x61A80, s11;
	s1 =	sadd.s32 $0x6D600, s11;
	[dreg:$0xb] =	wrdreg s6;
	v51 =	vadd.s32 s28, v31;
	[tilespmem:$0x1FF20] =	vst v50  }
0x1a: {  	[dreg:$0xc] =	wrdreg s7;
	s9 =	sadd.s32 $0x65900, s11;
	s8 =	sadd.s32 $0x69780, s11;
	v52 =	vadd.s32 s29, v31;
	[tilespmem:$0x1FF30] =	vst v51  }
0x1b: {  	s10 =	sadd.s32 $0x71480, s11;
	s13 =	sadd.s32 $0x75300, s11;
	s14 =	sadd.s32 $0x79180, s11;
	v53 =	vadd.s32 s30, v31;
	[tilespmem:$0x1FF40] =	vst v52  }
0x1c: {  	s15 =	rddreg [dreg:$0x8];
	s7 =	simm.s32 $0x2;
	s11 =	simm.s32 $0xC00;
	v54 =	vadd.s32 s31, v31;
	[tilespmem:$0x1FF50] =	vst v53  }
0x1d: {  	s12 =	simm.s32 $0x280;
	s16 =	simm.s32 $0x680;
	v57 =	vadd.s32 s0, v31;
	[dreg:$0x9] =	wrdreg s8;
	[tilespmem:$0x1FF60] =	vst v54  }
0x1e: {  	s17 =	simm.s32 $0xC80;
	s18 =	simm.s32 $0x300;
	v60 =	vadd.s32 s1, v31;
	[dreg:$0xa] =	wrdreg s13;
	[tilespmem:$0x1FF90] =	vst v57  }
0x1f: {  	s19 =	simm.s32 $0x900;
	s20 =	simm.s32 $0x500;
	[dreg:$0xd] =	wrdreg s14;
	v58 =	vadd.s32 s9, v31;
	[tilespmem:$0x1FFC0] =	vst v60  }
0x20: {  	s21 =	simm.s32 $0xB00;
	s22 =	simm.s32 $0x700;
	s24 =	rddreg [dreg:$0xb];
	v61 =	vadd.s32 s10, v31;
	[tilespmem:$0x1FFA0] =	vst v58  }
0x21: {  	s23 =	simm.s32 $0xD00;
	s28 =	simm.s32 $0xB80;
	s25 =	rddreg [dreg:$0xc];
	v55 =	vadd.s32 s24, v31;
	[tilespmem:$0x1FFD0] =	vst v61  }
0x22: {  	s29 =	simm.s32 $0x780;
	s30 =	simm.s32 $0xD80;
	v56 =	vadd.s32 s25, v31;
	s26 =	rddreg [dreg:$0x9];
	[tilespmem:$0x1FF70] =	vst v55  }
0x23: {  	s31 =	simm.s32 $0x1;
	s0 =	simm.s32 $0xE00;
	s9 =	rddreg [dreg:$0xa];
	[tilespmem:$0x1FF80] =	vst v56;
	v59 =	vadd.s32 s26, v31  }
0x24: {  	s6 =	smax.u32 s15, $0x1;
	s8 =	simm.s32 $0x80;
	s10 =	rddreg [dreg:$0xd];
	v62 =	vadd.s32 s9, v31;
	[tilespmem:$0x1FFB0] =	vst v59  }
0x25: {  	s13 =	simm.s32 $0x880;
	s14 =	simm.s32 $0x480;
	s15 =	simm.s32 $0xA80;
	v63 =	vadd.s32 s10, v31;
	[tilespmem:$0x1FFE0] =	vst v62  }
0x26: {  	s24 =	simm.s32 $0x380;
	s25 =	simm.s32 $0x980;
	s26 =	simm.s32 $0x580;
	[tilespmem:$0x1FFF0] =	vst v63  }
.LBB2_1:
0x27: {  	s1 =	rddreg [dreg:$0x3]  }
0x28: {  	[tilespmem:s2], [sflag:$0x2] =	stream.linear.gather [hbm4b:s1+s2], $0x180, $0x38;
	[tilespmem:$0x1000] =	vst v63  }
0x29: {  	_ =	swait.ge [sflag:s7], $0x180  }
0x2a: {  	[sflag:s7] =	ssyncset.done $0x0  }
0x2b: {  	v0 =	vld [tilespmem:$0x1FE70];
	[sflag:s7] =	ssyncadd.s32 $0xFFFFFE80  }
0x2c: {  	v34 =	vld [tilespmem:$0x0]  }
0x2d: {  	v33 =	vld [tilespmem:$0x80]  }
0x2e: {  	v32 =	vld [tilespmem:$0x100]  }
0x2f: {  	v23 =	vld [tilespmem:$0x1FE00];
	_ =	sdelay $0x1  }
0x30: {  	v35 =	vadd.s32 v0, v34  }
0x31: {  	v27 =	vld [tilespmem:$0x1FE10];
	v21 =	vadd.s32 v0, v33;
	[tilespmem:$0x200] =	vst v35  }
0x32: {  	v22 =	vadd.s32 v0, v32;
	[tilespmem:$0x400] =	vst v21  }
0x33: {  	v24 =	vadd.s32 v23, v34;
	[tilespmem:$0x600] =	vst v22  }
0x34: {  	v31 =	vld [tilespmem:$0x1FE20];
	v25 =	vadd.s32 v23, v33;
	[tilespmem:$0x210] =	vst v24  }
0x35: {  	v26 =	vadd.s32 v23, v32;
	[tilespmem:$0x410] =	vst v25  }
0x36: {  	v28 =	vadd.s32 v27, v34;
	[tilespmem:$0x610] =	vst v26  }
0x37: {  	v39 =	vld [tilespmem:$0x1FE30];
	v29 =	vadd.s32 v27, v33;
	[tilespmem:$0x220] =	vst v28  }
0x38: {  	v30 =	vadd.s32 v27, v32;
	[tilespmem:$0x420] =	vst v29  }
0x39: {  	v36 =	vadd.s32 v31, v34;
	[tilespmem:$0x620] =	vst v30  }
0x3a: {  	v43 =	vld [tilespmem:$0x1FE40];
	v37 =	vadd.s32 v31, v33;
	[tilespmem:$0x230] =	vst v36  }
0x3b: {  	v38 =	vadd.s32 v31, v32;
	[tilespmem:$0x430] =	vst v37  }
0x3c: {  	v40 =	vadd.s32 v39, v34;
	[tilespmem:$0x630] =	vst v38  }
0x3d: {  	v47 =	vld [tilespmem:$0x1FE50];
	v41 =	vadd.s32 v39, v33;
	[tilespmem:$0x240] =	vst v40  }
0x3e: {  	v42 =	vadd.s32 v39, v32;
	[tilespmem:$0x440] =	vst v41  }
0x3f: {  	v44 =	vadd.s32 v43, v34;
	[tilespmem:$0x640] =	vst v42  }
0x40: {  	v51 =	vld [tilespmem:$0x1FE60];
	v45 =	vadd.s32 v43, v33;
	[tilespmem:$0x250] =	vst v44  }
0x41: {  	v46 =	vadd.s32 v43, v32;
	[tilespmem:$0x450] =	vst v45  }
0x42: {  	v48 =	vadd.s32 v47, v34;
	[tilespmem:$0x650] =	vst v46  }
0x43: {  	v55 =	vld [tilespmem:$0x1FE80];
	v49 =	vadd.s32 v47, v33;
	[tilespmem:$0x260] =	vst v48  }
0x44: {  	v50 =	vadd.s32 v47, v32;
	[tilespmem:$0x460] =	vst v49  }
0x45: {  	v52 =	vadd.s32 v51, v34;
	[tilespmem:$0x660] =	vst v50  }
0x46: {  	v59 =	vld [tilespmem:$0x1FE90];
	v53 =	vadd.s32 v51, v33;
	[tilespmem:$0x270] =	vst v52  }
0x47: {  	v54 =	vadd.s32 v51, v32;
	[tilespmem:$0x470] =	vst v53  }
0x48: {  	v56 =	vadd.s32 v55, v34;
	[tilespmem:$0x670] =	vst v54  }
0x49: {  	v63 =	vld [tilespmem:$0x1FEA0];
	v57 =	vadd.s32 v55, v33;
	[tilespmem:$0x280] =	vst v56  }
0x4a: {  	v58 =	vadd.s32 v55, v32;
	[tilespmem:$0x480] =	vst v57  }
0x4b: {  	v60 =	vadd.s32 v59, v34;
	[tilespmem:$0x680] =	vst v58  }
0x4c: {  	v7 =	vld [tilespmem:$0x1FEB0];
	v61 =	vadd.s32 v59, v33;
	[tilespmem:$0x290] =	vst v60  }
0x4d: {  	v62 =	vadd.s32 v59, v32;
	[tilespmem:$0x490] =	vst v61  }
0x4e: {  	v4 =	vadd.s32 v63, v34;
	[tilespmem:$0x690] =	vst v62  }
0x4f: {  	v11 =	vld [tilespmem:$0x1FEC0];
	v5 =	vadd.s32 v63, v33;
	[tilespmem:$0x2A0] =	vst v4  }
0x50: {  	v6 =	vadd.s32 v63, v32;
	[tilespmem:$0x4A0] =	vst v5  }
0x51: {  	v8 =	vadd.s32 v7, v34;
	[tilespmem:$0x6A0] =	vst v6  }
0x52: {  	v15 =	vld [tilespmem:$0x1FED0];
	v9 =	vadd.s32 v7, v33;
	[tilespmem:$0x2B0] =	vst v8  }
0x53: {  	v10 =	vadd.s32 v7, v32;
	[tilespmem:$0x4B0] =	vst v9  }
0x54: {  	v12 =	vadd.s32 v11, v34;
	[tilespmem:$0x6B0] =	vst v10  }
0x55: {  	v19 =	vld [tilespmem:$0x1FEE0];
	v13 =	vadd.s32 v11, v33;
	[tilespmem:$0x2C0] =	vst v12  }
0x56: {  	v14 =	vadd.s32 v11, v32;
	[tilespmem:$0x4C0] =	vst v13  }
0x57: {  	v16 =	vadd.s32 v15, v34;
	[tilespmem:$0x6C0] =	vst v14  }
0x58: {  	v17 =	vadd.s32 v15, v33;
	v23 =	vld [tilespmem:$0x1FEF0];
	[tilespmem:$0x2D0] =	vst v16  }
0x59: {  	v18 =	vadd.s32 v15, v32;
	[tilespmem:$0x4D0] =	vst v17  }
0x5a: {  	v20 =	vadd.s32 v19, v34;
	[tilespmem:$0x6D0] =	vst v18  }
0x5b: {  	v27 =	vld [tilespmem:$0x1FF00];
	[tilespmem:$0x2E0] =	vst v20;
	v21 =	vadd.s32 v19, v33  }
0x5c: {  	v22 =	vadd.s32 v19, v32;
	[tilespmem:$0x4E0] =	vst v21  }
0x5d: {  	[tilespmem:$0x6E0] =	vst v22;
	v24 =	vadd.s32 v23, v34  }
0x5e: {  	v31 =	vld [tilespmem:$0x1FF10];
	v25 =	vadd.s32 v23, v33;
	[tilespmem:$0x2F0] =	vst v24  }
0x5f: {  	v26 =	vadd.s32 v23, v32;
	[tilespmem:$0x4F0] =	vst v25  }
0x60: {  	v28 =	vadd.s32 v27, v34;
	[tilespmem:$0x6F0] =	vst v26  }
0x61: {  	v39 =	vld [tilespmem:$0x1FF20];
	v29 =	vadd.s32 v27, v33;
	[tilespmem:$0x300] =	vst v28  }
0x62: {  	v30 =	vadd.s32 v27, v32;
	[tilespmem:$0x500] =	vst v29  }
0x63: {  	v36 =	vadd.s32 v31, v34;
	[tilespmem:$0x700] =	vst v30  }
0x64: {  	v43 =	vld [tilespmem:$0x1FF30];
	v37 =	vadd.s32 v31, v33;
	[tilespmem:$0x310] =	vst v36  }
0x65: {  	v38 =	vadd.s32 v31, v32;
	[tilespmem:$0x510] =	vst v37  }
0x66: {  	v40 =	vadd.s32 v39, v34;
	[tilespmem:$0x710] =	vst v38  }
0x67: {  	v47 =	vld [tilespmem:$0x1FF40];
	v41 =	vadd.s32 v39, v33;
	[tilespmem:$0x320] =	vst v40  }
0x68: {  	v42 =	vadd.s32 v39, v32;
	[tilespmem:$0x520] =	vst v41  }
0x69: {  	v44 =	vadd.s32 v43, v34;
	[tilespmem:$0x720] =	vst v42  }
0x6a: {  	v51 =	vld [tilespmem:$0x1FF50];
	v45 =	vadd.s32 v43, v33;
	[tilespmem:$0x330] =	vst v44  }
0x6b: {  	v46 =	vadd.s32 v43, v32;
	[tilespmem:$0x530] =	vst v45  }
0x6c: {  	v48 =	vadd.s32 v47, v34;
	[tilespmem:$0x730] =	vst v46  }
0x6d: {  	v55 =	vld [tilespmem:$0x1FF60];
	v49 =	vadd.s32 v47, v33;
	[tilespmem:$0x340] =	vst v48  }
0x6e: {  	v50 =	vadd.s32 v47, v32;
	[tilespmem:$0x540] =	vst v49  }
0x6f: {  	v52 =	vadd.s32 v51, v34;
	[tilespmem:$0x740] =	vst v50  }
0x70: {  	v59 =	vld [tilespmem:$0x1FF70];
	v53 =	vadd.s32 v51, v33;
	[tilespmem:$0x350] =	vst v52  }
0x71: {  	v54 =	vadd.s32 v51, v32;
	[tilespmem:$0x550] =	vst v53  }
0x72: {  	v56 =	vadd.s32 v55, v34;
	[tilespmem:$0x750] =	vst v54  }
0x73: {  	v63 =	vld [tilespmem:$0x1FF80];
	v57 =	vadd.s32 v55, v33;
	[tilespmem:$0x360] =	vst v56  }
0x74: {  	v58 =	vadd.s32 v55, v32;
	[tilespmem:$0x560] =	vst v57  }
0x75: {  	v60 =	vadd.s32 v59, v34;
	[tilespmem:$0x760] =	vst v58  }
0x76: {  	v6 =	vld [tilespmem:$0x1FF90];
	v61 =	vadd.s32 v59, v33;
	[tilespmem:$0x370] =	vst v60  }
0x77: {  	v62 =	vadd.s32 v59, v32;
	[tilespmem:$0x570] =	vst v61  }
0x78: {  	v3 =	vadd.s32 v63, v34;
	[tilespmem:$0x770] =	vst v62  }
0x79: {  	v10 =	vld [tilespmem:$0x1FFA0];
	v4 =	vadd.s32 v63, v33;
	[tilespmem:$0x380] =	vst v3  }
0x7a: {  	v5 =	vadd.s32 v63, v32;
	[tilespmem:$0x580] =	vst v4  }
0x7b: {  	[tilespmem:$0x780] =	vst v5;
	v7 =	vadd.s32 v6, v34  }
0x7c: {  	v14 =	vld [tilespmem:$0x1FFB0];
	v8 =	vadd.s32 v6, v33;
	[tilespmem:$0x390] =	vst v7  }
0x7d: {  	v9 =	vadd.s32 v6, v32;
	[tilespmem:$0x590] =	vst v8  }
0x7e: {  	v11 =	vadd.s32 v10, v34;
	[tilespmem:$0x790] =	vst v9  }
0x7f: {  	v18 =	vld [tilespmem:$0x1FFC0];
	v12 =	vadd.s32 v10, v33;
	[tilespmem:$0x3A0] =	vst v11  }
0x80: {  	v13 =	vadd.s32 v10, v32;
	[tilespmem:$0x5A0] =	vst v12  }
0x81: {  	v15 =	vadd.s32 v14, v34;
	[tilespmem:$0x7A0] =	vst v13  }
0x82: {  	v22 =	vld [tilespmem:$0x1FFD0];
	v16 =	vadd.s32 v14, v33;
	[tilespmem:$0x3B0] =	vst v15  }
0x83: {  	v17 =	vadd.s32 v14, v32;
	[tilespmem:$0x5B0] =	vst v16  }
0x84: {  	v19 =	vadd.s32 v18, v34;
	[tilespmem:$0x7B0] =	vst v17  }
0x85: {  	v20 =	vadd.s32 v18, v33;
	v26 =	vld [tilespmem:$0x1FFE0];
	[tilespmem:$0x3C0] =	vst v19  }
0x86: {  	v21 =	vadd.s32 v18, v32;
	[tilespmem:$0x5C0] =	vst v20  }
0x87: {  	[tilespmem:$0x7C0] =	vst v21;
	v23 =	vadd.s32 v22, v34  }
0x88: {  	v30 =	vld [tilespmem:$0x1FFF0];
	v24 =	vadd.s32 v22, v33;
	[tilespmem:$0x3D0] =	vst v23  }
0x89: {  	v25 =	vadd.s32 v22, v32;
	[tilespmem:$0x5D0] =	vst v24  }
0x8a: {  	[tilespmem:$0x7D0] =	vst v25;
	v27 =	vadd.s32 v26, v34  }
0x8b: {  	v28 =	vadd.s32 v26, v33;
	[tilespmem:$0x3E0] =	vst v27  }
0x8c: {  	v29 =	vadd.s32 v26, v32;
	[tilespmem:$0x5E0] =	vst v28  }
0x8d: {  	v34 =	vadd.s32 v30, v34;
	[tilespmem:$0x7E0] =	vst v29  }
0x8e: {  	v33 =	vadd.s32 v30, v33;
	[tilespmem:$0x3F0] =	vst v34  }
0x8f: {  	s1 =	rddreg [dreg:$0x5];
	v32 =	vadd.s32 v30, v32;
	[tilespmem:$0x5F0] =	vst v33  }
0x90: {  	s9 =	rddreg [dreg:$0x6];
	[tilespmem:$0x7F0] =	vst v32  }
0x91: {  	[tilespmem:s9], [sflag:$0x1] =	stream.indirect.gather [hbm4b:s3+s8], $0x1, s1, s8, $0xb8;
	[tilespmem:$0x1000] =	vst v63  }
0x92: {  	s10 =	rddreg [dreg:$0x7];
	s9 =	simm.s32 $0xA00  }
0x93: {  	[tilespmem:s9], [sflag:$0x1] =	stream.indirect.gather [hbm4b:s4+s8], $0x1, s10, s8, $0xb8;
	[tilespmem:$0x1000] =	vst v63  }
0x94: {  	s9 =	simm.s32 $0x600  }
0x95: {  	[tilespmem:s11], [sflag:$0x1] =	stream.indirect.gather [hbm4b:s5+s8], $0x1, s9, s8, $0xb8;
	[tilespmem:$0x1000] =	vst v63  }
0x96: {  	_ = 	snop  }
0x97: {  	[tilespmem:s13], [sflag:$0x1] =	stream.indirect.gather [hbm4b:s3+s8], $0x1, s12, s8, $0xb8;
	[tilespmem:$0x1000] =	vst v63  }
0x98: {  	_ = 	snop  }
0x99: {  	[tilespmem:s15], [sflag:$0x1] =	stream.indirect.gather [hbm4b:s4+s8], $0x1, s14, s8, $0xb8;
	[tilespmem:$0x1000] =	vst v63  }
0x9a: {  	_ = 	snop  }
0x9b: {  	[tilespmem:s17], [sflag:$0x1] =	stream.indirect.gather [hbm4b:s5+s8], $0x1, s16, s8, $0xb8;
	[tilespmem:$0x1000] =	vst v63  }
0x9c: {  	_ = 	snop  }
0x9d: {  	[tilespmem:s19], [sflag:$0x1] =	stream.indirect.gather [hbm4b:s3+s8], $0x1, s18, s8, $0xb8;
	[tilespmem:$0x1000] =	vst v63  }
0x9e: {  	_ = 	snop  }
0x9f: {  	[tilespmem:s21], [sflag:$0x1] =	stream.indirect.gather [hbm4b:s4+s8], $0x1, s20, s8, $0xb8;
	[tilespmem:$0x1000] =	vst v63  }
0xa0: {  	_ = 	snop  }
0xa1: {  	[tilespmem:s23], [sflag:$0x1] =	stream.indirect.gather [hbm4b:s5+s8], $0x1, s22, s8, $0xb8;
	[tilespmem:$0x1000] =	vst v63  }
0xa2: {  	_ = 	snop  }
0xa3: {  	[tilespmem:s25], [sflag:$0x1] =	stream.indirect.gather [hbm4b:s3+s8], $0x1, s24, s8, $0xb8;
	[tilespmem:$0x1000] =	vst v63  }
0xa4: {  	_ = 	snop  }
0xa5: {  	[tilespmem:s28], [sflag:$0x1] =	stream.indirect.gather [hbm4b:s4+s8], $0x1, s26, s8, $0xb8;
	[tilespmem:$0x1000] =	vst v63  }
0xa6: {  	_ = 	snop  }
0xa7: {  	[tilespmem:s30], [sflag:$0x1] =	stream.indirect.gather [hbm4b:s5+s8], $0x1, s29, s8, $0xb8;
	[tilespmem:$0x1000] =	vst v63  }
0xa8: {  	_ =	swait.ge [sflag:s31], $0x80  }
0xa9: {  	[sflag:s31] =	ssyncset.done $0x0  }
0xaa: {  	[sflag:s31] =	ssyncadd.s32 $0xFFFFFF80  }
0xab: {  	_ =	swait.ge [sflag:s31], $0x80  }
0xac: {  	[sflag:s31] =	ssyncset.done $0x0  }
0xad: {  	[sflag:s31] =	ssyncadd.s32 $0xFFFFFF80  }
0xae: {  	_ =	swait.ge [sflag:s31], $0x80  }
0xaf: {  	[sflag:s31] =	ssyncset.done $0x0  }
0xb0: {  	[sflag:s31] =	ssyncadd.s32 $0xFFFFFF80  }
0xb1: {  	_ =	swait.ge [sflag:s31], $0x80  }
0xb2: {  	[sflag:s31] =	ssyncset.done $0x0  }
0xb3: {  	[sflag:s31] =	ssyncadd.s32 $0xFFFFFF80  }
0xb4: {  	_ =	swait.ge [sflag:s31], $0x80  }
0xb5: {  	[sflag:s31] =	ssyncset.done $0x0  }
0xb6: {  	[sflag:s31] =	ssyncadd.s32 $0xFFFFFF80  }
0xb7: {  	_ =	swait.ge [sflag:s31], $0x80  }
0xb8: {  	[sflag:s31] =	ssyncset.done $0x0  }
0xb9: {  	[sflag:s31] =	ssyncadd.s32 $0xFFFFFF80  }
0xba: {  	_ =	swait.ge [sflag:s31], $0x80  }
0xbb: {  	[sflag:s31] =	ssyncset.done $0x0  }
0xbc: {  	[sflag:s31] =	ssyncadd.s32 $0xFFFFFF80  }
0xbd: {  	_ =	swait.ge [sflag:s31], $0x80  }
0xbe: {  	[sflag:s31] =	ssyncset.done $0x0  }
0xbf: {  	[sflag:s31] =	ssyncadd.s32 $0xFFFFFF80  }
0xc0: {  	_ =	swait.ge [sflag:s31], $0x80  }
0xc1: {  	[sflag:s31] =	ssyncset.done $0x0  }
0xc2: {  	[sflag:s31] =	ssyncadd.s32 $0xFFFFFF80  }
0xc3: {  	_ =	swait.ge [sflag:s31], $0x80  }
0xc4: {  	[sflag:s31] =	ssyncset.done $0x0  }
0xc5: {  	[sflag:s31] =	ssyncadd.s32 $0xFFFFFF80  }
0xc6: {  	_ =	swait.ge [sflag:s31], $0x80  }
0xc7: {  	[sflag:s31] =	ssyncset.done $0x0  }
0xc8: {  	[sflag:s31] =	ssyncadd.s32 $0xFFFFFF80  }
0xc9: {  	_ =	swait.ge [sflag:s31], $0x80  }
0xca: {  	[sflag:s31] =	ssyncset.done $0x0  }
0xcb: {  	[sflag:s31] =	ssyncadd.s32 $0xFFFFFF80  }
0xcc: {  	v32 =	vld [tilespmem:$0x800]  }
0xcd: {  	v33 =	vld [tilespmem:$0xA00]  }
0xce: {  	v34 =	vld [tilespmem:$0xC00]  }
0xcf: {  	v35 =	vld [tilespmem:$0x810]  }
0xd0: {  	v36 =	vld [tilespmem:$0xA10]  }
0xd1: {  	v37 =	vld [tilespmem:$0xC10]  }
0xd2: {  	v38 =	vld [tilespmem:$0x820]  }
0xd3: {  	v39 =	vld [tilespmem:$0xA20]  }
0xd4: {  	v40 =	vld [tilespmem:$0xC20]  }
0xd5: {  	v41 =	vld [tilespmem:$0x830]  }
0xd6: {  	v42 =	vld [tilespmem:$0xA30]  }
0xd7: {  	v43 =	vld [tilespmem:$0xC30]  }
0xd8: {  	v44 =	vld [tilespmem:$0x840]  }
0xd9: {  	v45 =	vld [tilespmem:$0xA40]  }
0xda: {  	v46 =	vld [tilespmem:$0xC40]  }
0xdb: {  	v47 =	vld [tilespmem:$0x850]  }
0xdc: {  	v48 =	vld [tilespmem:$0xA50]  }
0xdd: {  	v49 =	vld [tilespmem:$0xC50]  }
0xde: {  	v50 =	vld [tilespmem:$0x860]  }
0xdf: {  	v51 =	vld [tilespmem:$0xA60]  }
0xe0: {  	v52 =	vld [tilespmem:$0xC60]  }
0xe1: {  	v53 =	vld [tilespmem:$0x870]  }
0xe2: {  	v54 =	vld [tilespmem:$0xA70]  }
0xe3: {  	v55 =	vld [tilespmem:$0xC70]  }
0xe4: {  	v56 =	vld [tilespmem:$0x880]  }
0xe5: {  	v57 =	vld [tilespmem:$0xA80]  }
0xe6: {  	v58 =	vld [tilespmem:$0xC80]  }
0xe7: {  	v59 =	vld [tilespmem:$0x890]  }
0xe8: {  	v60 =	vld [tilespmem:$0xA90]  }
0xe9: {  	v61 =	vld [tilespmem:$0xC90]  }
0xea: {  	v62 =	vld [tilespmem:$0x8A0]  }
0xeb: {  	v63 =	vld [tilespmem:$0xAA0]  }
0xec: {  	v0 =	vld [tilespmem:$0xCA0]  }
0xed: {  	v1 =	vld [tilespmem:$0x8B0]  }
0xee: {  	v2 =	vld [tilespmem:$0xAB0]  }
0xef: {  	v3 =	vld [tilespmem:$0xCB0]  }
0xf0: {  	v4 =	vld [tilespmem:$0x8C0]  }
0xf1: {  	v5 =	vld [tilespmem:$0xAC0]  }
0xf2: {  	v6 =	vld [tilespmem:$0xCC0]  }
0xf3: {  	v7 =	vld [tilespmem:$0x8D0]  }
0xf4: {  	v8 =	vld [tilespmem:$0xAD0]  }
0xf5: {  	v9 =	vld [tilespmem:$0xCD0]  }
0xf6: {  	v10 =	vld [tilespmem:$0x8E0]  }
0xf7: {  	v11 =	vld [tilespmem:$0xAE0]  }
0xf8: {  	v12 =	vld [tilespmem:$0xCE0]  }
0xf9: {  	v13 =	vld [tilespmem:$0x8F0]  }
0xfa: {  	v14 =	vld [tilespmem:$0xAF0]  }
0xfb: {  	v15 =	vld [tilespmem:$0xCF0]  }
0xfc: {  	v16 =	vld [tilespmem:$0x900]  }
0xfd: {  	v17 =	vld [tilespmem:$0xB00]  }
0xfe: {  	v18 =	vld [tilespmem:$0xD00]  }
0xff: {  	v19 =	vld [tilespmem:$0x910]  }
0x100: {  	v20 =	vld [tilespmem:$0xB10]  }
0x101: {  	v21 =	vld [tilespmem:$0xD10]  }
0x102: {  	v22 =	vld [tilespmem:$0x920]  }
0x103: {  	v23 =	vld [tilespmem:$0xB20]  }
0x104: {  	v27 =	vld [tilespmem:$0xD20]  }
0x105: {  	v25 =	vld [tilespmem:$0x930]  }
0x106: {  	v26 =	vld [tilespmem:$0xB30]  }
0x107: {  	v31 =	vld [tilespmem:$0xD40]  }
0x108: {  	v24 =	vld [tilespmem:$0xD30]  }
0x109: {  	v30 =	vld [tilespmem:$0xD50]  }
0x10a: {  	v28 =	vld [tilespmem:$0x940]  }
0x10b: {  	v29 =	vld [tilespmem:$0xB40]  }
0x10c: {  	[tilespmem:$0x1FDE0] =	vst v31;
	v31 =	vld [tilespmem:$0x950]  }
0x10d: {  	[tilespmem:$0x1FDD0] =	vst v24;
	v24 =	vld [tilespmem:$0xB50];
	v32 =	vadd.f32 v33, v32;
	v35 =	vadd.f32 v36, v35  }
0x10e: {  	[tilespmem:$0x1FDF0] =	vst v30;
	v30 =	vld [tilespmem:$0x960];
	v47 =	vadd.f32 v48, v47;
	v50 =	vadd.f32 v51, v50  }
0x10f: {  	v33 =	vld [tilespmem:$0xB60];
	v53 =	vadd.f32 v54, v53;
	v56 =	vadd.f32 v57, v56  }
0x110: {  	v36 =	vld [tilespmem:$0xD60];
	v59 =	vadd.f32 v60, v59;
	v63 =	vadd.f32 v63, v62  }
0x111: {  	v1 =	vadd.f32 v2, v1;
	v2 =	vld [tilespmem:$0x9A0];
	v4 =	vadd.f32 v5, v4  }
0x112: {  	v5 =	vld [tilespmem:$0xBA0];
	v7 =	vadd.f32 v8, v7;
	v62 =	vadd.f32 v23, v22  }
0x113: {  	v8 =	vld [tilespmem:$0xDA0];
	v32 =	vsub.f32 v32, v34;
	v34 =	vadd.f32 v39, v38  }
0x114: {  	v22 =	vld [tilespmem:$0xDC0];
	v35 =	vsub.f32 v35, v37;
	v37 =	vadd.f32 v42, v41  }
0x115: {  	v38 =	vld [tilespmem:$0x970];
	v51 =	vsub.f32 v47, v49;
	v54 =	vsub.f32 v50, v52  }
0x116: {  	v39 =	vld [tilespmem:$0xB70];
	v57 =	vsub.f32 v53, v55;
	v0 =	vsub.f32 v63, v0;
	v32 =	vmax.f32 v32, $0.0e+00  }
0x117: {  	v41 =	vld [tilespmem:$0xD70];
	v60 =	vsub.f32 v56, v58;
	v1 =	vsub.f32 v1, v3;
	v35 =	vmax.f32 v35, $0.0e+00;
	[tilespmem:$0xE00] =	vst v32  }
0x118: {  	v42 =	vld [tilespmem:$0x980];
	v49 =	vsub.f32 v4, v6;
	v50 =	vadd.f32 v11, v10;
	v0 =	vmax.f32 v0, $0.0e+00;
	[tilespmem:$0xE10] =	vst v35  }
0x119: {  	v47 =	vld [tilespmem:$0xD90];
	v52 =	vsub.f32 v7, v9;
	v53 =	vadd.f32 v14, v13;
	v1 =	vmax.f32 v1, $0.0e+00;
	[tilespmem:$0xEA0] =	vst v0  }
0x11a: {  	v63 =	vld [tilespmem:$0xBC0];
	v23 =	vsub.f32 v62, v27;
	v34 =	vsub.f32 v34, v40;
	v3 =	vmax.f32 v49, $0.0e+00;
	[tilespmem:$0xEB0] =	vst v1  }
0x11b: {  	v27 =	vld [tilespmem:$0x1FDD0];
	v40 =	vadd.f32 v45, v44;
	v45 =	vsub.f32 v37, v43;
	[tilespmem:$0xEC0] =	vst v3;
	v0 =	vmax.f32 v52, $0.0e+00  }
0x11c: {  	v56 =	vadd.f32 v17, v16;
	v43 =	vld [tilespmem:$0xB80];
	v55 =	vsub.f32 v50, v12;
	v34 =	vmax.f32 v34, $0.0e+00;
	[tilespmem:$0xED0] =	vst v0  }
0x11d: {  	v44 =	vld [tilespmem:$0xD80];
	v37 =	vsub.f32 v59, v61;
	v58 =	vsub.f32 v53, v15;
	v32 =	vmax.f32 v45, $0.0e+00;
	[tilespmem:$0xE20] =	vst v34  }
0x11e: {  	v59 =	vadd.f32 v20, v19;
	v61 =	vsub.f32 v56, v18;
	v45 =	vld [tilespmem:$0x990];
	v1 =	vmax.f32 v55, $0.0e+00;
	[tilespmem:$0xE30] =	vst v32  }
0x11f: {  	v48 =	vsub.f32 v40, v46;
	v46 =	vld [tilespmem:$0xB90];
	v3 =	vmax.f32 v58, $0.0e+00;
	[tilespmem:$0xEE0] =	vst v1  }
0x120: {  	v20 =	vsub.f32 v59, v21;
	v21 =	vadd.f32 v26, v25;
	v0 =	vmax.f32 v61, $0.0e+00;
	v26 =	vld [tilespmem:$0x9D0];
	[tilespmem:$0xEF0] =	vst v3  }
0x121: {  	v25 =	vadd.f32 v29, v28;
	v29 =	vld [tilespmem:$0xBD0];
	v34 =	vmax.f32 v51, $0.0e+00;
	[tilespmem:$0xF00] =	vst v0  }
0x122: {  	v28 =	vadd.f32 v24, v31;
	v31 =	vld [tilespmem:$0x1FDE0];
	v32 =	vmax.f32 v54, $0.0e+00;
	[tilespmem:$0xE50] =	vst v34  }
0x123: {  	v40 =	vld [tilespmem:$0xBE0];
	v3 =	vmax.f32 v23, $0.0e+00;
	[tilespmem:$0xE60] =	vst v32  }
0x124: {  	v51 =	vld [tilespmem:$0x9B0];
	v35 =	vmax.f32 v48, $0.0e+00;
	[tilespmem:$0xF20] =	vst v3  }
0x125: {  	v54 =	vld [tilespmem:$0xBB0];
	v34 =	vmax.f32 v60, $0.0e+00;
	[tilespmem:$0xE40] =	vst v35  }
0x126: {  	v48 =	vmax.f32 v37, $0.0e+00;
	v60 =	vld [tilespmem:$0x9C0];
	v32 =	vadd.f32 v33, v30;
	[tilespmem:$0xE80] =	vst v34  }
0x127: {  	v0 =	vsub.f32 v21, v27;
	v33 =	vld [tilespmem:$0xDD0];
	v35 =	vmax.f32 v57, $0.0e+00;
	[tilespmem:$0xE90] =	vst v48  }
0x128: {  	v1 =	vmax.f32 v20, $0.0e+00;
	v37 =	vld [tilespmem:$0x9E0];
	[tilespmem:$0xE70] =	vst v35;
	v35 =	vadd.f32 v39, v38;
	v38 =	vsub.f32 v32, v36  }
0x129: {  	v57 =	vld [tilespmem:$0xDB0];
	[tilespmem:$0xF10] =	vst v1;
	v0 =	vmax.f32 v0, $0.0e+00;
	v39 =	vadd.f32 v43, v42;
	v1 =	vsub.f32 v25, v31  }
0x12a: {  	v34 =	vld [tilespmem:$0x1FDF0];
	[tilespmem:$0xF30] =	vst v0;
	v42 =	vadd.f32 v46, v45;
	v41 =	vsub.f32 v35, v41;
	v0 =	vmax.f32 v38, $0.0e+00  }
0x12b: {  	v2 =	vadd.f32 v5, v2;
	v43 =	vld [tilespmem:$0x9F0];
	v45 =	vsub.f32 v39, v44;
	v1 =	vmax.f32 v1, $0.0e+00;
	[tilespmem:$0xF60] =	vst v0  }
0x12c: {  	v46 =	vld [tilespmem:$0xBF0];
	v55 =	vadd.f32 v29, v26;
	v47 =	vsub.f32 v42, v47;
	[tilespmem:$0xF40] =	vst v1;
	v1 =	vmax.f32 v41, $0.0e+00  }
0x12d: {  	v49 =	vld [tilespmem:$0xDE0];
	v50 =	vsub.f32 v2, v8;
	v48 =	vadd.f32 v54, v51;
	v51 =	vmax.f32 v45, $0.0e+00;
	[tilespmem:$0xF70] =	vst v1  }
0x12e: {  	v53 =	vld [tilespmem:$0xDF0];
	v58 =	vsub.f32 v55, v33;
	[tilespmem:$0xF80] =	vst v51;
	v0 =	vmax.f32 v47, $0.0e+00  }
0x12f: {  	v52 =	vadd.f32 v63, v60;
	v3 =	vsub.f32 v28, v34;
	v1 =	vmax.f32 v50, $0.0e+00;
	[tilespmem:$0xF90] =	vst v0  }
0x130: {  	v54 =	vsub.f32 v48, v57;
	v57 =	vadd.f32 v40, v37;
	v60 =	vmax.f32 v58, $0.0e+00;
	[tilespmem:$0xFA0] =	vst v1  }
0x131: {  	v56 =	vsub.f32 v52, v22;
	v3 =	vmax.f32 v3, $0.0e+00;
	v4 =	vadd.f32 v46, v43;
	[tilespmem:$0xFD0] =	vst v60  }
0x132: {  	v2 =	vmax.f32 v54, $0.0e+00;
	v59 =	vsub.f32 v57, v49;
	[tilespmem:$0xF50] =	vst v3  }
0x133: {  	[tilespmem:$0xFB0] =	vst v2;
	v0 =	vmax.f32 v56, $0.0e+00;
	v61 =	vsub.f32 v4, v53  }
0x134: {  	[tilespmem:$0xFC0] =	vst v0;
	v62 =	vmax.f32 v59, $0.0e+00  }
0x135: {  	p0 =	sne.s32 s6, $0x1;
	[tilespmem:$0xFE0] =	vst v62;
	v63 =	vmax.f32 v61, $0.0e+00  }
.Ltmp0:
0x136: {  	s10 =	rddreg [dreg:$0x4];
	[tilespmem:$0xFF0] =	vst v63;
	(pc) =	sbr.rel @p0 .LBB2_1-.Ltmp0, $4  }
0x137: {  	[hbm4b:s10+s2] =	stream.linear.scatter [tilespmem:s0], [sflag:$0x2], $0x200, $0x38;
	[tilespmem:$0x1000] =	vst v63  }
0x138: {  	_ =	swait.ge [sflag:s7], $0x200  }
0x139: {  	[sflag:s7] =	ssyncset.done $0x0  }
0x13a: {  	s6 =	sadd.s32 $0xFFFFFFFF, s6;
	[sflag:s7] =	ssyncadd.s32 $0xFFFFFE00  }
0x13b: {  	_ =	sfence.sel $0x180000  }
0x13c: {  	[bflag:$0x0] =	sbarrier.arrive $0xFFFF  }
0x13d: {  	_ =	strace $0x90000047  }
0x13e: {  	s0 =	stileid.u32;
	[bflag:$0x2] =	sbarrier.arrive $0xFFFF  }
0x13f: {  	p0 =	sne.s32 s0, $0x0;
	s0 =	rddreg [dreg:$0x2]  }
0x140: {  	s0 =	sadd.s32 @!p0 $0x100000, s0  }
0x141: {  	[sflag:s0] =	ssyncadd.tile.s32 @!p0 $0x1;
	_ =	shalt  }
.Lfunc_end2:
_tile_overlayer_lowered:
.L_overlay_start_2:
0x142: {  	(tag) =	ssettag $0x2  }
0x143: {  	s0 =	rddreg [dreg:$0x0];
	s2 =	stileid.u32  }
0x144: {  	s1 =	rddreg [dreg:$0x1];
	p0 =	sne.s32 s2, $0x0  }
0x145: {  	s3 =	rddreg [dreg:$0x2];
	[bflag:$0x3] =	sbarrier.arrive $0xFFFF;
	s2 =	simm.s32 @!p0 $0x1C02  }
0x146: {  	[timem:s3], [sflag:s2] =	dma.local @!p0 [hbm:s0], s1  }
0x147: {  	s0 =	simm.s32 @!p0 $0x2  }
0x148: {  	_ =	swait.ge @!p0 [sflag:s0], s1  }
0x149: {  	s1 =	ssub.s32 @!p0 $0x0, s1;
	[sflag:s0] =	ssyncset.done @!p0 $0x0  }
0x14a: {  	[sflag:s0] =	ssyncadd.s32 @!p0 s1  }
0x14b: {  	[bflag:$0x3] =	sbarrier.arrive $0xFFFF  }
0x14c: {  	_ =	shalt  }

</sc_bundles>
